<compile_context>
chip_gen: v7x
topology: tpu7x:2x2x1
jax: 0.10.2.dev20260603
libtpu: 0.0.44.dev20260713+nightly
codegen_flags: <defaults>
</compile_context>

<pallas_src>
import functools

import numpy as np
import jax
import jax.numpy as jnp
from jax import lax
from jax.experimental import pallas as pl
from jax.experimental.pallas import tpu as pltpu
from jax.experimental.pallas import tpu_sc as plsc

VOCAB = 100000
D_MODEL = 64
MAX_POS = 512
BATCH = 1024
SEQ = 200

NUM_CORES = 2
NUM_SUBCORES = 16
NUM_WORKERS = NUM_CORES * NUM_SUBCORES
ROWS_PER_UNIT = 2
UNIT = ROWS_PER_UNIT * SEQ
NUM_UNITS = BATCH // ROWS_PER_UNIT
UNITS_PER_WORKER = NUM_UNITS // NUM_WORKERS
LANES = 16
N_BUF = 4
GATHER_AHEAD = 2


def _pos_encoding_np(position, d_model):
    pos = np.arange(position)[:, np.newaxis]
    i = np.arange(d_model)[np.newaxis, :]
    angle_rates = 1.0 / np.power(10000, 2 * (i // 2) / np.float32(d_model))
    angles = pos * angle_rates
    angles[:, 0::2] = np.sin(angles[:, 0::2])
    angles[:, 1::2] = np.cos(angles[:, 1::2])
    return angles.astype(np.float32)


_PE = _pos_encoding_np(MAX_POS, D_MODEL)[:SEQ]

_SCALE = float(np.sqrt(np.float32(D_MODEL)))

_mesh = plsc.VectorSubcoreMesh(core_axis_name="c", subcore_axis_name="s")


@functools.partial(
    pl.kernel,
    mesh=_mesh,
    compiler_params=pltpu.CompilerParams(use_tc_tiling_on_sc=False),
    out_type=jax.ShapeDtypeStruct((NUM_UNITS, UNIT, D_MODEL), jnp.float32),
    scratch_types=[
        pltpu.VMEM((UNITS_PER_WORKER, UNIT), jnp.int32),
        pltpu.VMEM((N_BUF, UNIT, D_MODEL), jnp.float32),
        pltpu.VMEM((SEQ, D_MODEL), jnp.float32),
        pltpu.SemaphoreType.DMA,
        pltpu.SemaphoreType.DMA,
        pltpu.SemaphoreType.DMA,
        pltpu.SemaphoreType.DMA,
        pltpu.SemaphoreType.DMA,
        pltpu.SemaphoreType.DMA,
        pltpu.SemaphoreType.DMA,
        pltpu.SemaphoreType.DMA,
    ],
)
def _pe_kernel(x_hbm, pe_hbm, table_hbm, out_hbm, idx_all, rows_v, pe_v,
               g0, g1, g2, g3, s0, s1, s2, s3):
    gsem = (g0, g1, g2, g3)
    ssem = (s0, s1, s2, s3)
    wid = lax.axis_index("s") * NUM_CORES + lax.axis_index("c")
    base = wid * UNITS_PER_WORKER
    pltpu.sync_copy(pe_hbm, pe_v)
    pltpu.sync_copy(x_hbm.at[pl.ds(base, UNITS_PER_WORKER)], idx_all)

    def start_gather(s, buf):
        pltpu.async_copy(
            table_hbm.at[idx_all.at[s]], rows_v.at[buf], gsem[buf])

    def wait_gather(buf):
        pltpu.make_async_copy(
            table_hbm.at[idx_all.at[0]], rows_v.at[buf], gsem[buf]).wait()

    def start_store(s, buf):
        pltpu.async_copy(rows_v.at[buf], out_hbm.at[base + s], ssem[buf])

    def wait_store(buf):
        pltpu.make_async_copy(
            rows_v.at[buf], out_hbm.at[base], ssem[buf]).wait()

    def fma(buf):
        @plsc.parallel_loop(0, SEQ, unroll=4)
        def _body(i):
            for r in range(ROWS_PER_UNIT):
                for j in range(D_MODEL // LANES):
                    sl = pl.ds(j * LANES, LANES)
                    rows_v[buf, r * SEQ + i, sl] = (
                        rows_v[buf, r * SEQ + i, sl] * _SCALE + pe_v[i, sl])

    for k in range(GATHER_AHEAD):
        start_gather(k, k)

    def group_body(t, carry):
        for k in range(N_BUF):
            s = t * N_BUF + k
            wait_gather(k)
            fma(k)
            start_store(s, k)
            nxt = (k + GATHER_AHEAD) % N_BUF

            @pl.when(s + GATHER_AHEAD < UNITS_PER_WORKER)
            def _():
                @pl.when(s >= N_BUF - GATHER_AHEAD)
                def _():
                    wait_store(nxt)
                start_gather(s + GATHER_AHEAD, nxt)
        return carry

    lax.fori_loop(0, UNITS_PER_WORKER // N_BUF, group_body, 0)

    for k in range(N_BUF):
        wait_store(k)


def kernel(x, mask, table):
    del mask
    x2 = x.reshape(NUM_UNITS, UNIT).astype(jnp.int32)
    out = _pe_kernel(x2, jnp.asarray(_PE), table)
    return out.reshape(BATCH, SEQ, D_MODEL)

# --- scband reference (transcript-rebuilt; emitter-appended) ---
"""Pipeline reference for scband-positional-encoding-70334384439330 (READ-ONLY COPY).

The authoritative reference and input builder live on the scoring server;
editing this copy changes nothing except your own understanding.
"""

import jax, jax.numpy as jnp
import numpy as np

VOCAB = 100000
D_MODEL = 64
MAX_POS = 512
BATCH = 1024
SEQ = 200


def _pos_encoding(position, d_model):
    pos = np.arange(position)[:, np.newaxis]
    i = np.arange(d_model)[np.newaxis, :]
    angle_rates = 1.0 / np.power(10000, 2 * (i // 2) / np.float32(d_model))
    angles = pos * angle_rates
    angles[:, 0::2] = np.sin(angles[:, 0::2])
    angles[:, 1::2] = np.cos(angles[:, 1::2])
    return jnp.asarray(angles[np.newaxis, ...], dtype=jnp.float32)


def setup_inputs(seed: int = 0) -> dict:
    key = jax.random.key(seed)
    k1, k2 = jax.random.split(key)
    x = jax.random.randint(k1, (BATCH, SEQ), 0, VOCAB, dtype=jnp.int64 if jax.config.read('jax_enable_x64') else jnp.int32)
    mask = jnp.ones((BATCH, SEQ), dtype=jnp.bool_)
    # Keras Embedding 'uniform' initializer: U(-0.05, 0.05)
    table = jax.random.uniform(k2, (VOCAB, D_MODEL), dtype=jnp.float32, minval=-0.05, maxval=0.05)
    return {"x": x, "mask": mask, "table": table}


def reference(x, mask, table):
    pe = _pos_encoding(MAX_POS, D_MODEL)
    seq_len = x.shape[1]
    h = jnp.take(table, x, axis=0)  # embedding gather [B, L, d_model]
    h = h * jnp.sqrt(jnp.asarray(D_MODEL, dtype=jnp.float32))
    h = h + pe[:, :seq_len, :]
    return h

if __name__ == "__main__":
    import jax
    _d = setup_inputs()
    print(jax.jit(kernel)(*tuple(_d.values())))

</pallas_src>

<mosaic_0001>
#map = affine_map<(d0, d1) -> (0, 0)>
#map1 = affine_map<(d0, d1) -> (0, 0, 0)>
module attributes {stable_mosaic.version = 14 : i64} {
  func.func @_pe_kernel(%arg0: i32, %arg1: i32, %arg2: memref<512x400xi32, #tpu.memory_space<hbm>>, %arg3: memref<200x64xf32, #tpu.memory_space<hbm>>, %arg4: memref<100000x64xf32, #tpu.memory_space<hbm>>, %arg5: memref<512x400x64xf32, #tpu.memory_space<hbm>>, %arg6: memref<16x400xi32, #tpu.memory_space<vmem>>, %arg7: memref<4x400x64xf32, #tpu.memory_space<vmem>>, %arg8: memref<200x64xf32, #tpu.memory_space<vmem>>, %arg9: memref<!tpu.dma_semaphore, #tpu.memory_space<semaphore_mem>>, %arg10: memref<!tpu.dma_semaphore, #tpu.memory_space<semaphore_mem>>, %arg11: memref<!tpu.dma_semaphore, #tpu.memory_space<semaphore_mem>>, %arg12: memref<!tpu.dma_semaphore, #tpu.memory_space<semaphore_mem>>, %arg13: memref<!tpu.dma_semaphore, #tpu.memory_space<semaphore_mem>>, %arg14: memref<!tpu.dma_semaphore, #tpu.memory_space<semaphore_mem>>, %arg15: memref<!tpu.dma_semaphore, #tpu.memory_space<semaphore_mem>>, %arg16: memref<!tpu.dma_semaphore, #tpu.memory_space<semaphore_mem>>) attributes {dimension_semantics = [#tpu.dimension_semantics<core_parallel>, #tpu.dimension_semantics<subcore_parallel>], iteration_bounds = array<i64: 2, 16>, scalar_prefetch = 0 : i64, scratch_operands = 11 : i64, tpu.core_type = #tpu.core_type<sc_vector_subcore>, window_params = [{transform_indices = #map}, {transform_indices = #map}, {transform_indices = #map}, {transform_indices = #map1}]} {
    %mul3A = arith.constant 2 : i32
    %mul3A_0 = arith.muli %arg1, %mul3A : i32
    %add3A = arith.addi %mul3A_0, %arg0 : i32
    %mul3A_1 = arith.constant 16 : i32
    %mul3A_2 = arith.muli %add3A, %mul3A_1 : i32
    "tpu.region"() ({
      %run_scoped3A = tpu.sem_alloc : memref<!tpu.dma_semaphore, #tpu.memory_space<semaphore_mem>>
      tpu.enqueue_dma source(%arg3 : memref<200x64xf32, #tpu.memory_space<hbm>>) target(%arg8 : memref<200x64xf32, #tpu.memory_space<vmem>>) target_semaphore(%run_scoped3A : memref<!tpu.dma_semaphore, #tpu.memory_space<semaphore_mem>>)
      tpu.wait_dma2 semaphore(%run_scoped3A : memref<!tpu.dma_semaphore, #tpu.memory_space<semaphore_mem>>) src(%arg3 : memref<200x64xf32, #tpu.memory_space<hbm>>) dst(%arg8 : memref<200x64xf32, #tpu.memory_space<vmem>>)
      tpu.yield
    }) : () -> ()
    "tpu.region"() ({
      %run_scoped3A = tpu.sem_alloc : memref<!tpu.dma_semaphore, #tpu.memory_space<semaphore_mem>>
      %dma_start3A_98 = arith.constant 0 : i32
      %dma_start3A_99 = tpu.memref_slice %arg2[%mul3A_2, %dma_start3A_98] : memref<512x400xi32, #tpu.memory_space<hbm>> -> memref<16x400xi32, #tpu.memory_space<hbm>>
      %dma_start3A_100 = arith.constant 0 : i32
      %dma_start3A_101 = tpu.memref_slice %arg2[%mul3A_2, %dma_start3A_100] : memref<512x400xi32, #tpu.memory_space<hbm>> -> memref<16x400xi32, #tpu.memory_space<hbm>>
      tpu.enqueue_dma source(%dma_start3A_101 : memref<16x400xi32, #tpu.memory_space<hbm>>) target(%arg6 : memref<16x400xi32, #tpu.memory_space<vmem>>) target_semaphore(%run_scoped3A : memref<!tpu.dma_semaphore, #tpu.memory_space<semaphore_mem>>)
      %dma_wait3A_102 = arith.constant 0 : i32
      %dma_wait3A_103 = tpu.memref_slice %arg2[%mul3A_2, %dma_wait3A_102] : memref<512x400xi32, #tpu.memory_space<hbm>> -> memref<16x400xi32, #tpu.memory_space<hbm>>
      %dma_wait3A_104 = arith.constant 0 : i32
      %dma_wait3A_105 = tpu.memref_slice %arg2[%mul3A_2, %dma_wait3A_104] : memref<512x400xi32, #tpu.memory_space<hbm>> -> memref<16x400xi32, #tpu.memory_space<hbm>>
      tpu.wait_dma2 semaphore(%run_scoped3A : memref<!tpu.dma_semaphore, #tpu.memory_space<semaphore_mem>>) src(%dma_wait3A_105 : memref<16x400xi32, #tpu.memory_space<hbm>>) dst(%arg6 : memref<16x400xi32, #tpu.memory_space<vmem>>)
      tpu.yield
    }) : () -> ()
    %dma_start3A = arith.constant 0 : i32
    %dma_start3A_3 = arith.constant 0 : i32
    %dma_start3A_4 = arith.constant 0 : i32
    %dma_start3A_5 = arith.constant 0 : i32
    %dma_start3A_6 = tpu.memref_slice %arg7[%dma_start3A_3, %dma_start3A_4, %dma_start3A_5] : memref<4x400x64xf32, #tpu.memory_space<vmem>> -> memref<1x400x64xf32, #tpu.memory_space<vmem>>
    %dma_start3A_7 = tpu.memref_squeeze %dma_start3A_6 : memref<1x400x64xf32, #tpu.memory_space<vmem>> -> memref<400x64xf32, #tpu.memory_space<vmem>>
    %dma_start3A_8 = arith.constant 0 : i32
    %dma_start3A_9 = tpu.memref_slice %arg6[%dma_start3A, %dma_start3A_8] : memref<16x400xi32, #tpu.memory_space<vmem>> -> memref<1x400xi32, #tpu.memory_space<vmem>>
    %dma_start3A_10 = tpu.memref_squeeze %dma_start3A_9 : memref<1x400xi32, #tpu.memory_space<vmem>> -> memref<400xi32, #tpu.memory_space<vmem>>
    %dma_start3A_11 = arith.constant 0 : i32
    %dma_start3A_12 = arith.constant 0 : i32
    %dma_start3A_13 = tpu.memref_slice %arg4[%dma_start3A_11, %dma_start3A_12] : memref<100000x64xf32, #tpu.memory_space<hbm>> -> memref<100000x64xf32, #tpu.memory_space<hbm>>
    tpu.enqueue_indirect_dma source(%dma_start3A_13 : memref<100000x64xf32, #tpu.memory_space<hbm>>) target(%dma_start3A_7 : memref<400x64xf32, #tpu.memory_space<vmem>>) offsets(%dma_start3A_10 : memref<400xi32, #tpu.memory_space<vmem>>) semaphore(%arg9 : memref<!tpu.dma_semaphore, #tpu.memory_space<semaphore_mem>>)
    %dma_start3A_14 = arith.constant 1 : i32
    %dma_start3A_15 = arith.constant 1 : i32
    %dma_start3A_16 = arith.constant 0 : i32
    %dma_start3A_17 = arith.constant 0 : i32
    %dma_start3A_18 = tpu.memref_slice %arg7[%dma_start3A_15, %dma_start3A_16, %dma_start3A_17] : memref<4x400x64xf32, #tpu.memory_space<vmem>> -> memref<1x400x64xf32, #tpu.memory_space<vmem>>
    %dma_start3A_19 = tpu.memref_squeeze %dma_start3A_18 : memref<1x400x64xf32, #tpu.memory_space<vmem>> -> memref<400x64xf32, #tpu.memory_space<vmem>>
    %dma_start3A_20 = arith.constant 0 : i32
    %dma_start3A_21 = tpu.memref_slice %arg6[%dma_start3A_14, %dma_start3A_20] : memref<16x400xi32, #tpu.memory_space<vmem>> -> memref<1x400xi32, #tpu.memory_space<vmem>>
    %dma_start3A_22 = tpu.memref_squeeze %dma_start3A_21 : memref<1x400xi32, #tpu.memory_space<vmem>> -> memref<400xi32, #tpu.memory_space<vmem>>
    %dma_start3A_23 = arith.constant 0 : i32
    %dma_start3A_24 = arith.constant 0 : i32
    %dma_start3A_25 = tpu.memref_slice %arg4[%dma_start3A_23, %dma_start3A_24] : memref<100000x64xf32, #tpu.memory_space<hbm>> -> memref<100000x64xf32, #tpu.memory_space<hbm>>
    tpu.enqueue_indirect_dma source(%dma_start3A_25 : memref<100000x64xf32, #tpu.memory_space<hbm>>) target(%dma_start3A_19 : memref<400x64xf32, #tpu.memory_space<vmem>>) offsets(%dma_start3A_22 : memref<400xi32, #tpu.memory_space<vmem>>) semaphore(%arg10 : memref<!tpu.dma_semaphore, #tpu.memory_space<semaphore_mem>>)
    %scan3A = arith.constant 0 : i32
    %scan3A_26 = arith.constant 0 : i32
    %scan3A_27 = arith.constant 4 : i32
    %scan3A_28 = arith.addi %scan3A_26, %scan3A_27 : i32
    %scan3A_29 = arith.constant 1 : i32
    scf.for %scan3A_98 = %scan3A_26 to %scan3A_28 step %scan3A_29  : i32 {
      %mul3A_99 = arith.constant 4 : i32
      %mul3A_100 = arith.muli %scan3A_98, %mul3A_99 : i32
      %add3A_101 = arith.constant 0 : i32
      %add3A_102 = arith.addi %mul3A_100, %add3A_101 : i32
      %dma_wait3A_103 = arith.constant 0 : i32
      %dma_wait3A_104 = arith.constant 0 : i32
      %dma_wait3A_105 = arith.constant 0 : i32
      %dma_wait3A_106 = arith.constant 0 : i32
      %dma_wait3A_107 = tpu.memref_slice %arg7[%dma_wait3A_104, %dma_wait3A_105, %dma_wait3A_106] : memref<4x400x64xf32, #tpu.memory_space<vmem>> -> memref<1x400x64xf32, #tpu.memory_space<vmem>>
      %dma_wait3A_108 = tpu.memref_squeeze %dma_wait3A_107 : memref<1x400x64xf32, #tpu.memory_space<vmem>> -> memref<400x64xf32, #tpu.memory_space<vmem>>
      %dma_wait3A_109 = arith.constant 0 : i32
      %dma_wait3A_110 = tpu.memref_slice %arg6[%dma_wait3A_103, %dma_wait3A_109] : memref<16x400xi32, #tpu.memory_space<vmem>> -> memref<1x400xi32, #tpu.memory_space<vmem>>
      %dma_wait3A_111 = tpu.memref_squeeze %dma_wait3A_110 : memref<1x400xi32, #tpu.memory_space<vmem>> -> memref<400xi32, #tpu.memory_space<vmem>>
      %dma_wait3A_112 = arith.constant 0 : i32
      %dma_wait3A_113 = arith.constant 0 : i32
      %dma_wait3A_114 = tpu.memref_slice %arg4[%dma_wait3A_112, %dma_wait3A_113] : memref<100000x64xf32, #tpu.memory_space<hbm>> -> memref<100000x64xf32, #tpu.memory_space<hbm>>
      tpu.wait_indirect_dma semaphore(%arg9 : memref<!tpu.dma_semaphore, #tpu.memory_space<semaphore_mem>>) src(%dma_wait3A_114 : memref<100000x64xf32, #tpu.memory_space<hbm>>) dst(%dma_wait3A_108 : memref<400x64xf32, #tpu.memory_space<vmem>>)
      %parallel_loop3A = arith.constant 0 : i32
      %parallel_loop3A_115 = arith.constant 200 : i32
      %parallel_loop3A_116 = arith.constant 1 : i32
      scf.for %parallel_loop3A_271 = %parallel_loop3A to %parallel_loop3A_115 step %parallel_loop3A_116  : i32 {
        %parallel_loop3A_272 = arith.constant 0 : i32
        %parallel_loop3A_273 = arith.addi %parallel_loop3A_272, %parallel_loop3A_271 : i32
        %parallel_loop3A_274 = arith.constant 0 : i32
        %parallel_loop3A_275 = arith.index_cast %parallel_loop3A_274 : i32 to index
        %parallel_loop3A_276 = arith.index_cast %parallel_loop3A_273 : i32 to index
        %parallel_loop3A_277 = arith.constant 0 : index
        %parallel_loop3A_278 = tpu.vector_load %arg7[%parallel_loop3A_275, %parallel_loop3A_276, %parallel_loop3A_277] {strides = array<i32>} : memref<4x400x64xf32, #tpu.memory_space<vmem>>, vector<1x1x16xf32>,
        %parallel_loop3A_279 = vector.shape_cast %parallel_loop3A_278 : vector<1x1x16xf32> to vector<16xf32>
        %parallel_loop3A_280 = arith.constant 8.000000e+00 : f32
        %parallel_loop3A_281 = vector.broadcast %parallel_loop3A_280 : f32 to vector<16xf32>
        %parallel_loop3A_282 = arith.mulf %parallel_loop3A_279, %parallel_loop3A_281 : vector<16xf32>
        %parallel_loop3A_283 = arith.index_cast %parallel_loop3A_271 : i32 to index
        %parallel_loop3A_284 = arith.constant 0 : index
        %parallel_loop3A_285 = tpu.vector_load %arg8[%parallel_loop3A_283, %parallel_loop3A_284] {strides = array<i32>} : memref<200x64xf32, #tpu.memory_space<vmem>>, vector<1x16xf32>,
        %parallel_loop3A_286 = vector.shape_cast %parallel_loop3A_285 : vector<1x16xf32> to vector<16xf32>
        %parallel_loop3A_287 = arith.addf %parallel_loop3A_282, %parallel_loop3A_286 : vector<16xf32>
        %parallel_loop3A_288 = arith.constant 0 : i32
        %parallel_loop3A_289 = arith.addi %parallel_loop3A_288, %parallel_loop3A_271 : i32
        %parallel_loop3A_290 = arith.constant 0 : i32
        %parallel_loop3A_291 = arith.index_cast %parallel_loop3A_290 : i32 to index
        %parallel_loop3A_292 = arith.index_cast %parallel_loop3A_289 : i32 to index
        %parallel_loop3A_293 = arith.constant 0 : index
        %parallel_loop3A_294 = tpu.vector_load %arg7[%parallel_loop3A_291, %parallel_loop3A_292, %parallel_loop3A_293] {strides = array<i32>} : memref<4x400x64xf32, #tpu.memory_space<vmem>>, vector<1x1x16xf32>,
        %parallel_loop3A_295 = vector.shape_cast %parallel_loop3A_294 : vector<1x1x16xf32> to vector<16xf32>
        %parallel_loop3A_296 = vector.shape_cast %parallel_loop3A_287 : vector<16xf32> to vector<1x1x16xf32>
        tpu.vector_store %arg7[%parallel_loop3A_291, %parallel_loop3A_292, %parallel_loop3A_293], %parallel_loop3A_296 {strides = array<i32>} : memref<4x400x64xf32, #tpu.memory_space<vmem>>, vector<1x1x16xf32>,
        %parallel_loop3A_297 = arith.constant 0 : i32
        %parallel_loop3A_298 = arith.addi %parallel_loop3A_297, %parallel_loop3A_271 : i32
        %parallel_loop3A_299 = arith.constant 0 : i32
        %parallel_loop3A_300 = arith.index_cast %parallel_loop3A_299 : i32 to index
        %parallel_loop3A_301 = arith.index_cast %parallel_loop3A_298 : i32 to index
        %parallel_loop3A_302 = arith.constant 16 : index
        %parallel_loop3A_303 = tpu.vector_load %arg7[%parallel_loop3A_300, %parallel_loop3A_301, %parallel_loop3A_302] {strides = array<i32>} : memref<4x400x64xf32, #tpu.memory_space<vmem>>, vector<1x1x16xf32>,
        %parallel_loop3A_304 = vector.shape_cast %parallel_loop3A_303 : vector<1x1x16xf32> to vector<16xf32>
        %parallel_loop3A_305 = arith.constant 8.000000e+00 : f32
        %parallel_loop3A_306 = vector.broadcast %parallel_loop3A_305 : f32 to vector<16xf32>
        %parallel_loop3A_307 = arith.mulf %parallel_loop3A_304, %parallel_loop3A_306 : vector<16xf32>
        %parallel_loop3A_308 = arith.index_cast %parallel_loop3A_271 : i32 to index
        %parallel_loop3A_309 = arith.constant 16 : index
        %parallel_loop3A_310 = tpu.vector_load %arg8[%parallel_loop3A_308, %parallel_loop3A_309] {strides = array<i32>} : memref<200x64xf32, #tpu.memory_space<vmem>>, vector<1x16xf32>,
        %parallel_loop3A_311 = vector.shape_cast %parallel_loop3A_310 : vector<1x16xf32> to vector<16xf32>
        %parallel_loop3A_312 = arith.addf %parallel_loop3A_307, %parallel_loop3A_311 : vector<16xf32>
        %parallel_loop3A_313 = arith.constant 0 : i32
        %parallel_loop3A_314 = arith.addi %parallel_loop3A_313, %parallel_loop3A_271 : i32
        %parallel_loop3A_315 = arith.constant 0 : i32
        %parallel_loop3A_316 = arith.index_cast %parallel_loop3A_315 : i32 to index
        %parallel_loop3A_317 = arith.index_cast %parallel_loop3A_314 : i32 to index
        %parallel_loop3A_318 = arith.constant 16 : index
        %parallel_loop3A_319 = tpu.vector_load %arg7[%parallel_loop3A_316, %parallel_loop3A_317, %parallel_loop3A_318] {strides = array<i32>} : memref<4x400x64xf32, #tpu.memory_space<vmem>>, vector<1x1x16xf32>,
        %parallel_loop3A_320 = vector.shape_cast %parallel_loop3A_319 : vector<1x1x16xf32> to vector<16xf32>
        %parallel_loop3A_321 = vector.shape_cast %parallel_loop3A_312 : vector<16xf32> to vector<1x1x16xf32>
        tpu.vector_store %arg7[%parallel_loop3A_316, %parallel_loop3A_317, %parallel_loop3A_318], %parallel_loop3A_321 {strides = array<i32>} : memref<4x400x64xf32, #tpu.memory_space<vmem>>, vector<1x1x16xf32>,
        %parallel_loop3A_322 = arith.constant 0 : i32
        %parallel_loop3A_323 = arith.addi %parallel_loop3A_322, %parallel_loop3A_271 : i32
        %parallel_loop3A_324 = arith.constant 0 : i32
        %parallel_loop3A_325 = arith.index_cast %parallel_loop3A_324 : i32 to index
        %parallel_loop3A_326 = arith.index_cast %parallel_loop3A_323 : i32 to index
        %parallel_loop3A_327 = arith.constant 32 : index
        %parallel_loop3A_328 = tpu.vector_load %arg7[%parallel_loop3A_325, %parallel_loop3A_326, %parallel_loop3A_327] {strides = array<i32>} : memref<4x400x64xf32, #tpu.memory_space<vmem>>, vector<1x1x16xf32>,
        %parallel_loop3A_329 = vector.shape_cast %parallel_loop3A_328 : vector<1x1x16xf32> to vector<16xf32>
        %parallel_loop3A_330 = arith.constant 8.000000e+00 : f32
        %parallel_loop3A_331 = vector.broadcast %parallel_loop3A_330 : f32 to vector<16xf32>
        %parallel_loop3A_332 = arith.mulf %parallel_loop3A_329, %parallel_loop3A_331 : vector<16xf32>
        %parallel_loop3A_333 = arith.index_cast %parallel_loop3A_271 : i32 to index
        %parallel_loop3A_334 = arith.constant 32 : index
        %parallel_loop3A_335 = tpu.vector_load %arg8[%parallel_loop3A_333, %parallel_loop3A_334] {strides = array<i32>} : memref<200x64xf32, #tpu.memory_space<vmem>>, vector<1x16xf32>,
        %parallel_loop3A_336 = vector.shape_cast %parallel_loop3A_335 : vector<1x16xf32> to vector<16xf32>
        %parallel_loop3A_337 = arith.addf %parallel_loop3A_332, %parallel_loop3A_336 : vector<16xf32>
        %parallel_loop3A_338 = arith.constant 0 : i32
        %parallel_loop3A_339 = arith.addi %parallel_loop3A_338, %parallel_loop3A_271 : i32
        %parallel_loop3A_340 = arith.constant 0 : i32
        %parallel_loop3A_341 = arith.index_cast %parallel_loop3A_340 : i32 to index
        %parallel_loop3A_342 = arith.index_cast %parallel_loop3A_339 : i32 to index
        %parallel_loop3A_343 = arith.constant 32 : index
        %parallel_loop3A_344 = tpu.vector_load %arg7[%parallel_loop3A_341, %parallel_loop3A_342, %parallel_loop3A_343] {strides = array<i32>} : memref<4x400x64xf32, #tpu.memory_space<vmem>>, vector<1x1x16xf32>,
        %parallel_loop3A_345 = vector.shape_cast %parallel_loop3A_344 : vector<1x1x16xf32> to vector<16xf32>
        %parallel_loop3A_346 = vector.shape_cast %parallel_loop3A_337 : vector<16xf32> to vector<1x1x16xf32>
        tpu.vector_store %arg7[%parallel_loop3A_341, %parallel_loop3A_342, %parallel_loop3A_343], %parallel_loop3A_346 {strides = array<i32>} : memref<4x400x64xf32, #tpu.memory_space<vmem>>, vector<1x1x16xf32>,
        %parallel_loop3A_347 = arith.constant 0 : i32
        %parallel_loop3A_348 = arith.addi %parallel_loop3A_347, %parallel_loop3A_271 : i32
        %parallel_loop3A_349 = arith.constant 0 : i32
        %parallel_loop3A_350 = arith.index_cast %parallel_loop3A_349 : i32 to index
        %parallel_loop3A_351 = arith.index_cast %parallel_loop3A_348 : i32 to index
        %parallel_loop3A_352 = arith.constant 48 : index
        %parallel_loop3A_353 = tpu.vector_load %arg7[%parallel_loop3A_350, %parallel_loop3A_351, %parallel_loop3A_352] {strides = array<i32>} : memref<4x400x64xf32, #tpu.memory_space<vmem>>, vector<1x1x16xf32>,
        %parallel_loop3A_354 = vector.shape_cast %parallel_loop3A_353 : vector<1x1x16xf32> to vector<16xf32>
        %parallel_loop3A_355 = arith.constant 8.000000e+00 : f32
        %parallel_loop3A_356 = vector.broadcast %parallel_loop3A_355 : f32 to vector<16xf32>
        %parallel_loop3A_357 = arith.mulf %parallel_loop3A_354, %parallel_loop3A_356 : vector<16xf32>
        %parallel_loop3A_358 = arith.index_cast %parallel_loop3A_271 : i32 to index
        %parallel_loop3A_359 = arith.constant 48 : index
        %parallel_loop3A_360 = tpu.vector_load %arg8[%parallel_loop3A_358, %parallel_loop3A_359] {strides = array<i32>} : memref<200x64xf32, #tpu.memory_space<vmem>>, vector<1x16xf32>,
        %parallel_loop3A_361 = vector.shape_cast %parallel_loop3A_360 : vector<1x16xf32> to vector<16xf32>
        %parallel_loop3A_362 = arith.addf %parallel_loop3A_357, %parallel_loop3A_361 : vector<16xf32>
        %parallel_loop3A_363 = arith.constant 0 : i32
        %parallel_loop3A_364 = arith.addi %parallel_loop3A_363, %parallel_loop3A_271 : i32
        %parallel_loop3A_365 = arith.constant 0 : i32
        %parallel_loop3A_366 = arith.index_cast %parallel_loop3A_365 : i32 to index
        %parallel_loop3A_367 = arith.index_cast %parallel_loop3A_364 : i32 to index
        %parallel_loop3A_368 = arith.constant 48 : index
        %parallel_loop3A_369 = tpu.vector_load %arg7[%parallel_loop3A_366, %parallel_loop3A_367, %parallel_loop3A_368] {strides = array<i32>} : memref<4x400x64xf32, #tpu.memory_space<vmem>>, vector<1x1x16xf32>,
        %parallel_loop3A_370 = vector.shape_cast %parallel_loop3A_369 : vector<1x1x16xf32> to vector<16xf32>
        %parallel_loop3A_371 = vector.shape_cast %parallel_loop3A_362 : vector<16xf32> to vector<1x1x16xf32>
        tpu.vector_store %arg7[%parallel_loop3A_366, %parallel_loop3A_367, %parallel_loop3A_368], %parallel_loop3A_371 {strides = array<i32>} : memref<4x400x64xf32, #tpu.memory_space<vmem>>, vector<1x1x16xf32>,
        %parallel_loop3A_372 = arith.constant 200 : i32
        %parallel_loop3A_373 = arith.addi %parallel_loop3A_372, %parallel_loop3A_271 : i32
        %parallel_loop3A_374 = arith.constant 0 : i32
        %parallel_loop3A_375 = arith.index_cast %parallel_loop3A_374 : i32 to index
        %parallel_loop3A_376 = arith.index_cast %parallel_loop3A_373 : i32 to index
        %parallel_loop3A_377 = arith.constant 0 : index
        %parallel_loop3A_378 = tpu.vector_load %arg7[%parallel_loop3A_375, %parallel_loop3A_376, %parallel_loop3A_377] {strides = array<i32>} : memref<4x400x64xf32, #tpu.memory_space<vmem>>, vector<1x1x16xf32>,
        %parallel_loop3A_379 = vector.shape_cast %parallel_loop3A_378 : vector<1x1x16xf32> to vector<16xf32>
        %parallel_loop3A_380 = arith.constant 8.000000e+00 : f32
        %parallel_loop3A_381 = vector.broadcast %parallel_loop3A_380 : f32 to vector<16xf32>
        %parallel_loop3A_382 = arith.mulf %parallel_loop3A_379, %parallel_loop3A_381 : vector<16xf32>
        %parallel_loop3A_383 = arith.index_cast %parallel_loop3A_271 : i32 to index
        %parallel_loop3A_384 = arith.constant 0 : index
        %parallel_loop3A_385 = tpu.vector_load %arg8[%parallel_loop3A_383, %parallel_loop3A_384] {strides = array<i32>} : memref<200x64xf32, #tpu.memory_space<vmem>>, vector<1x16xf32>,
        %parallel_loop3A_386 = vector.shape_cast %parallel_loop3A_385 : vector<1x16xf32> to vector<16xf32>
        %parallel_loop3A_387 = arith.addf %parallel_loop3A_382, %parallel_loop3A_386 : vector<16xf32>
        %parallel_loop3A_388 = arith.constant 200 : i32
        %parallel_loop3A_389 = arith.addi %parallel_loop3A_388, %parallel_loop3A_271 : i32
        %parallel_loop3A_390 = arith.constant 0 : i32
        %parallel_loop3A_391 = arith.index_cast %parallel_loop3A_390 : i32 to index
        %parallel_loop3A_392 = arith.index_cast %parallel_loop3A_389 : i32 to index
        %parallel_loop3A_393 = arith.constant 0 : index
        %parallel_loop3A_394 = tpu.vector_load %arg7[%parallel_loop3A_391, %parallel_loop3A_392, %parallel_loop3A_393] {strides = array<i32>} : memref<4x400x64xf32, #tpu.memory_space<vmem>>, vector<1x1x16xf32>,
        %parallel_loop3A_395 = vector.shape_cast %parallel_loop3A_394 : vector<1x1x16xf32> to vector<16xf32>
        %parallel_loop3A_396 = vector.shape_cast %parallel_loop3A_387 : vector<16xf32> to vector<1x1x16xf32>
        tpu.vector_store %arg7[%parallel_loop3A_391, %parallel_loop3A_392, %parallel_loop3A_393], %parallel_loop3A_396 {strides = array<i32>} : memref<4x400x64xf32, #tpu.memory_space<vmem>>, vector<1x1x16xf32>,
        %parallel_loop3A_397 = arith.constant 200 : i32
        %parallel_loop3A_398 = arith.addi %parallel_loop3A_397, %parallel_loop3A_271 : i32
        %parallel_loop3A_399 = arith.constant 0 : i32
        %parallel_loop3A_400 = arith.index_cast %parallel_loop3A_399 : i32 to index
        %parallel_loop3A_401 = arith.index_cast %parallel_loop3A_398 : i32 to index
        %parallel_loop3A_402 = arith.constant 16 : index
        %parallel_loop3A_403 = tpu.vector_load %arg7[%parallel_loop3A_400, %parallel_loop3A_401, %parallel_loop3A_402] {strides = array<i32>} : memref<4x400x64xf32, #tpu.memory_space<vmem>>, vector<1x1x16xf32>,
        %parallel_loop3A_404 = vector.shape_cast %parallel_loop3A_403 : vector<1x1x16xf32> to vector<16xf32>
        %parallel_loop3A_405 = arith.constant 8.000000e+00 : f32
        %parallel_loop3A_406 = vector.broadcast %parallel_loop3A_405 : f32 to vector<16xf32>
        %parallel_loop3A_407 = arith.mulf %parallel_loop3A_404, %parallel_loop3A_406 : vector<16xf32>
        %parallel_loop3A_408 = arith.index_cast %parallel_loop3A_271 : i32 to index
        %parallel_loop3A_409 = arith.constant 16 : index
        %parallel_loop3A_410 = tpu.vector_load %arg8[%parallel_loop3A_408, %parallel_loop3A_409] {strides = array<i32>} : memref<200x64xf32, #tpu.memory_space<vmem>>, vector<1x16xf32>,
        %parallel_loop3A_411 = vector.shape_cast %parallel_loop3A_410 : vector<1x16xf32> to vector<16xf32>
        %parallel_loop3A_412 = arith.addf %parallel_loop3A_407, %parallel_loop3A_411 : vector<16xf32>
        %parallel_loop3A_413 = arith.constant 200 : i32
        %parallel_loop3A_414 = arith.addi %parallel_loop3A_413, %parallel_loop3A_271 : i32
        %parallel_loop3A_415 = arith.constant 0 : i32
        %parallel_loop3A_416 = arith.index_cast %parallel_loop3A_415 : i32 to index
        %parallel_loop3A_417 = arith.index_cast %parallel_loop3A_414 : i32 to index
        %parallel_loop3A_418 = arith.constant 16 : index
        %parallel_loop3A_419 = tpu.vector_load %arg7[%parallel_loop3A_416, %parallel_loop3A_417, %parallel_loop3A_418] {strides = array<i32>} : memref<4x400x64xf32, #tpu.memory_space<vmem>>, vector<1x1x16xf32>,
        %parallel_loop3A_420 = vector.shape_cast %parallel_loop3A_419 : vector<1x1x16xf32> to vector<16xf32>
        %parallel_loop3A_421 = vector.shape_cast %parallel_loop3A_412 : vector<16xf32> to vector<1x1x16xf32>
        tpu.vector_store %arg7[%parallel_loop3A_416, %parallel_loop3A_417, %parallel_loop3A_418], %parallel_loop3A_421 {strides = array<i32>} : memref<4x400x64xf32, #tpu.memory_space<vmem>>, vector<1x1x16xf32>,
        %parallel_loop3A_422 = arith.constant 200 : i32
        %parallel_loop3A_423 = arith.addi %parallel_loop3A_422, %parallel_loop3A_271 : i32
        %parallel_loop3A_424 = arith.constant 0 : i32
        %parallel_loop3A_425 = arith.index_cast %parallel_loop3A_424 : i32 to index
        %parallel_loop3A_426 = arith.index_cast %parallel_loop3A_423 : i32 to index
        %parallel_loop3A_427 = arith.constant 32 : index
        %parallel_loop3A_428 = tpu.vector_load %arg7[%parallel_loop3A_425, %parallel_loop3A_426, %parallel_loop3A_427] {strides = array<i32>} : memref<4x400x64xf32, #tpu.memory_space<vmem>>, vector<1x1x16xf32>,
        %parallel_loop3A_429 = vector.shape_cast %parallel_loop3A_428 : vector<1x1x16xf32> to vector<16xf32>
        %parallel_loop3A_430 = arith.constant 8.000000e+00 : f32
        %parallel_loop3A_431 = vector.broadcast %parallel_loop3A_430 : f32 to vector<16xf32>
        %parallel_loop3A_432 = arith.mulf %parallel_loop3A_429, %parallel_loop3A_431 : vector<16xf32>
        %parallel_loop3A_433 = arith.index_cast %parallel_loop3A_271 : i32 to index
        %parallel_loop3A_434 = arith.constant 32 : index
        %parallel_loop3A_435 = tpu.vector_load %arg8[%parallel_loop3A_433, %parallel_loop3A_434] {strides = array<i32>} : memref<200x64xf32, #tpu.memory_space<vmem>>, vector<1x16xf32>,
        %parallel_loop3A_436 = vector.shape_cast %parallel_loop3A_435 : vector<1x16xf32> to vector<16xf32>
        %parallel_loop3A_437 = arith.addf %parallel_loop3A_432, %parallel_loop3A_436 : vector<16xf32>
        %parallel_loop3A_438 = arith.constant 200 : i32
        %parallel_loop3A_439 = arith.addi %parallel_loop3A_438, %parallel_loop3A_271 : i32
        %parallel_loop3A_440 = arith.constant 0 : i32
        %parallel_loop3A_441 = arith.index_cast %parallel_loop3A_440 : i32 to index
        %parallel_loop3A_442 = arith.index_cast %parallel_loop3A_439 : i32 to index
        %parallel_loop3A_443 = arith.constant 32 : index
        %parallel_loop3A_444 = tpu.vector_load %arg7[%parallel_loop3A_441, %parallel_loop3A_442, %parallel_loop3A_443] {strides = array<i32>} : memref<4x400x64xf32, #tpu.memory_space<vmem>>, vector<1x1x16xf32>,
        %parallel_loop3A_445 = vector.shape_cast %parallel_loop3A_444 : vector<1x1x16xf32> to vector<16xf32>
        %parallel_loop3A_446 = vector.shape_cast %parallel_loop3A_437 : vector<16xf32> to vector<1x1x16xf32>
        tpu.vector_store %arg7[%parallel_loop3A_441, %parallel_loop3A_442, %parallel_loop3A_443], %parallel_loop3A_446 {strides = array<i32>} : memref<4x400x64xf32, #tpu.memory_space<vmem>>, vector<1x1x16xf32>,
        %parallel_loop3A_447 = arith.constant 200 : i32
        %parallel_loop3A_448 = arith.addi %parallel_loop3A_447, %parallel_loop3A_271 : i32
        %parallel_loop3A_449 = arith.constant 0 : i32
        %parallel_loop3A_450 = arith.index_cast %parallel_loop3A_449 : i32 to index
        %parallel_loop3A_451 = arith.index_cast %parallel_loop3A_448 : i32 to index
        %parallel_loop3A_452 = arith.constant 48 : index
        %parallel_loop3A_453 = tpu.vector_load %arg7[%parallel_loop3A_450, %parallel_loop3A_451, %parallel_loop3A_452] {strides = array<i32>} : memref<4x400x64xf32, #tpu.memory_space<vmem>>, vector<1x1x16xf32>,
        %parallel_loop3A_454 = vector.shape_cast %parallel_loop3A_453 : vector<1x1x16xf32> to vector<16xf32>
        %parallel_loop3A_455 = arith.constant 8.000000e+00 : f32
        %parallel_loop3A_456 = vector.broadcast %parallel_loop3A_455 : f32 to vector<16xf32>
        %parallel_loop3A_457 = arith.mulf %parallel_loop3A_454, %parallel_loop3A_456 : vector<16xf32>
        %parallel_loop3A_458 = arith.index_cast %parallel_loop3A_271 : i32 to index
        %parallel_loop3A_459 = arith.constant 48 : index
        %parallel_loop3A_460 = tpu.vector_load %arg8[%parallel_loop3A_458, %parallel_loop3A_459] {strides = array<i32>} : memref<200x64xf32, #tpu.memory_space<vmem>>, vector<1x16xf32>,
        %parallel_loop3A_461 = vector.shape_cast %parallel_loop3A_460 : vector<1x16xf32> to vector<16xf32>
        %parallel_loop3A_462 = arith.addf %parallel_loop3A_457, %parallel_loop3A_461 : vector<16xf32>
        %parallel_loop3A_463 = arith.constant 200 : i32
        %parallel_loop3A_464 = arith.addi %parallel_loop3A_463, %parallel_loop3A_271 : i32
        %parallel_loop3A_465 = arith.constant 0 : i32
        %parallel_loop3A_466 = arith.index_cast %parallel_loop3A_465 : i32 to index
        %parallel_loop3A_467 = arith.index_cast %parallel_loop3A_464 : i32 to index
        %parallel_loop3A_468 = arith.constant 48 : index
        %parallel_loop3A_469 = tpu.vector_load %arg7[%parallel_loop3A_466, %parallel_loop3A_467, %parallel_loop3A_468] {strides = array<i32>} : memref<4x400x64xf32, #tpu.memory_space<vmem>>, vector<1x1x16xf32>,
        %parallel_loop3A_470 = vector.shape_cast %parallel_loop3A_469 : vector<1x1x16xf32> to vector<16xf32>
        %parallel_loop3A_471 = vector.shape_cast %parallel_loop3A_462 : vector<16xf32> to vector<1x1x16xf32>
        tpu.vector_store %arg7[%parallel_loop3A_466, %parallel_loop3A_467, %parallel_loop3A_468], %parallel_loop3A_471 {strides = array<i32>} : memref<4x400x64xf32, #tpu.memory_space<vmem>>, vector<1x1x16xf32>,
      } {sc.loop_unroll_factor = 4 : i64, sc.parallel_access}
      %add3A_117 = arith.addi %mul3A_2, %add3A_102 : i32
      %dma_start3A_118 = arith.constant 0 : i32
      %dma_start3A_119 = arith.constant 0 : i32
      %dma_start3A_120 = arith.constant 0 : i32
      %dma_start3A_121 = tpu.memref_slice %arg7[%dma_start3A_118, %dma_start3A_119, %dma_start3A_120] : memref<4x400x64xf32, #tpu.memory_space<vmem>> -> memref<1x400x64xf32, #tpu.memory_space<vmem>>
      %dma_start3A_122 = tpu.memref_squeeze %dma_start3A_121 : memref<1x400x64xf32, #tpu.memory_space<vmem>> -> memref<400x64xf32, #tpu.memory_space<vmem>>
      %dma_start3A_123 = arith.constant 0 : i32
      %dma_start3A_124 = arith.constant 0 : i32
      %dma_start3A_125 = tpu.memref_slice %arg5[%add3A_117, %dma_start3A_123, %dma_start3A_124] : memref<512x400x64xf32, #tpu.memory_space<hbm>> -> memref<1x400x64xf32, #tpu.memory_space<hbm>>
      %dma_start3A_126 = tpu.memref_squeeze %dma_start3A_125 : memref<1x400x64xf32, #tpu.memory_space<hbm>> -> memref<400x64xf32, #tpu.memory_space<hbm>>
      %dma_start3A_127 = arith.constant 0 : i32
      %dma_start3A_128 = arith.constant 0 : i32
      %dma_start3A_129 = tpu.memref_slice %arg5[%add3A_117, %dma_start3A_127, %dma_start3A_128] : memref<512x400x64xf32, #tpu.memory_space<hbm>> -> memref<1x400x64xf32, #tpu.memory_space<hbm>>
      %dma_start3A_130 = tpu.memref_squeeze %dma_start3A_129 : memref<1x400x64xf32, #tpu.memory_space<hbm>> -> memref<400x64xf32, #tpu.memory_space<hbm>>
      %dma_start3A_131 = arith.constant 0 : i32
      %dma_start3A_132 = arith.constant 0 : i32
      %dma_start3A_133 = tpu.memref_slice %arg7[%dma_start3A_118, %dma_start3A_131, %dma_start3A_132] : memref<4x400x64xf32, #tpu.memory_space<vmem>> -> memref<1x400x64xf32, #tpu.memory_space<vmem>>
      %dma_start3A_134 = tpu.memref_squeeze %dma_start3A_133 : memref<1x400x64xf32, #tpu.memory_space<vmem>> -> memref<400x64xf32, #tpu.memory_space<vmem>>
      tpu.enqueue_dma source(%dma_start3A_134 : memref<400x64xf32, #tpu.memory_space<vmem>>) target(%dma_start3A_130 : memref<400x64xf32, #tpu.memory_space<hbm>>) target_semaphore(%arg13 : memref<!tpu.dma_semaphore, #tpu.memory_space<semaphore_mem>>)
      %add3A_135 = arith.constant 2 : i32
      %add3A_136 = arith.addi %add3A_102, %add3A_135 : i32
      %lt3A = arith.constant 16 : i32
      %lt3A_137 = arith.cmpi slt, %add3A_136, %lt3A : i32
      %convert_element_type3A = arith.extui %lt3A_137 : i1 to i32
      %cond3A = arith.constant 0 : i32
      %cond3A_138 = arith.cmpi ne, %convert_element_type3A, %cond3A : i32
      scf.if %cond3A_138 {
        %ge3A = arith.constant 2 : i32
        %ge3A_271 = arith.cmpi sge, %add3A_102, %ge3A : i32
        %convert_element_type3A_272 = arith.extui %ge3A_271 : i1 to i32
        %cond3A_273 = arith.constant 0 : i32
        %cond3A_274 = arith.cmpi ne, %convert_element_type3A_272, %cond3A_273 : i32
        scf.if %cond3A_274 {
          %dma_wait3A_288 = arith.constant 2 : i32
          %dma_wait3A_289 = arith.constant 0 : i32
          %dma_wait3A_290 = arith.constant 0 : i32
          %dma_wait3A_291 = tpu.memref_slice %arg7[%dma_wait3A_288, %dma_wait3A_289, %dma_wait3A_290] : memref<4x400x64xf32, #tpu.memory_space<vmem>> -> memref<1x400x64xf32, #tpu.memory_space<vmem>>
          %dma_wait3A_292 = tpu.memref_squeeze %dma_wait3A_291 : memref<1x400x64xf32, #tpu.memory_space<vmem>> -> memref<400x64xf32, #tpu.memory_space<vmem>>
          %dma_wait3A_293 = arith.constant 0 : i32
          %dma_wait3A_294 = arith.constant 0 : i32
          %dma_wait3A_295 = tpu.memref_slice %arg5[%mul3A_2, %dma_wait3A_293, %dma_wait3A_294] : memref<512x400x64xf32, #tpu.memory_space<hbm>> -> memref<1x400x64xf32, #tpu.memory_space<hbm>>
          %dma_wait3A_296 = tpu.memref_squeeze %dma_wait3A_295 : memref<1x400x64xf32, #tpu.memory_space<hbm>> -> memref<400x64xf32, #tpu.memory_space<hbm>>
          %dma_wait3A_297 = arith.constant 0 : i32
          %dma_wait3A_298 = arith.constant 0 : i32
          %dma_wait3A_299 = tpu.memref_slice %arg5[%mul3A_2, %dma_wait3A_297, %dma_wait3A_298] : memref<512x400x64xf32, #tpu.memory_space<hbm>> -> memref<1x400x64xf32, #tpu.memory_space<hbm>>
          %dma_wait3A_300 = tpu.memref_squeeze %dma_wait3A_299 : memref<1x400x64xf32, #tpu.memory_space<hbm>> -> memref<400x64xf32, #tpu.memory_space<hbm>>
          %dma_wait3A_301 = arith.constant 0 : i32
          %dma_wait3A_302 = arith.constant 0 : i32
          %dma_wait3A_303 = tpu.memref_slice %arg7[%dma_wait3A_288, %dma_wait3A_301, %dma_wait3A_302] : memref<4x400x64xf32, #tpu.memory_space<vmem>> -> memref<1x400x64xf32, #tpu.memory_space<vmem>>
          %dma_wait3A_304 = tpu.memref_squeeze %dma_wait3A_303 : memref<1x400x64xf32, #tpu.memory_space<vmem>> -> memref<400x64xf32, #tpu.memory_space<vmem>>
          tpu.wait_dma2 semaphore(%arg15 : memref<!tpu.dma_semaphore, #tpu.memory_space<semaphore_mem>>) src(%dma_wait3A_304 : memref<400x64xf32, #tpu.memory_space<vmem>>) dst(%dma_wait3A_300 : memref<400x64xf32, #tpu.memory_space<hbm>>)
        } else {
        }
        %add3A_275 = arith.constant 2 : i32
        %add3A_276 = arith.addi %add3A_102, %add3A_275 : i32
        %dma_start3A_277 = arith.constant 2 : i32
        %dma_start3A_278 = arith.constant 0 : i32
        %dma_start3A_279 = arith.constant 0 : i32
        %dma_start3A_280 = tpu.memref_slice %arg7[%dma_start3A_277, %dma_start3A_278, %dma_start3A_279] : memref<4x400x64xf32, #tpu.memory_space<vmem>> -> memref<1x400x64xf32, #tpu.memory_space<vmem>>
        %dma_start3A_281 = tpu.memref_squeeze %dma_start3A_280 : memref<1x400x64xf32, #tpu.memory_space<vmem>> -> memref<400x64xf32, #tpu.memory_space<vmem>>
        %dma_start3A_282 = arith.constant 0 : i32
        %dma_start3A_283 = tpu.memref_slice %arg6[%add3A_276, %dma_start3A_282] : memref<16x400xi32, #tpu.memory_space<vmem>> -> memref<1x400xi32, #tpu.memory_space<vmem>>
        %dma_start3A_284 = tpu.memref_squeeze %dma_start3A_283 : memref<1x400xi32, #tpu.memory_space<vmem>> -> memref<400xi32, #tpu.memory_space<vmem>>
        %dma_start3A_285 = arith.constant 0 : i32
        %dma_start3A_286 = arith.constant 0 : i32
        %dma_start3A_287 = tpu.memref_slice %arg4[%dma_start3A_285, %dma_start3A_286] : memref<100000x64xf32, #tpu.memory_space<hbm>> -> memref<100000x64xf32, #tpu.memory_space<hbm>>
        tpu.enqueue_indirect_dma source(%dma_start3A_287 : memref<100000x64xf32, #tpu.memory_space<hbm>>) target(%dma_start3A_281 : memref<400x64xf32, #tpu.memory_space<vmem>>) offsets(%dma_start3A_284 : memref<400xi32, #tpu.memory_space<vmem>>) semaphore(%arg11 : memref<!tpu.dma_semaphore, #tpu.memory_space<semaphore_mem>>)
      } else {
      }
      %mul3A_139 = arith.constant 4 : i32
      %mul3A_140 = arith.muli %scan3A_98, %mul3A_139 : i32
      %add3A_141 = arith.constant 1 : i32
      %add3A_142 = arith.addi %mul3A_140, %add3A_141 : i32
      %dma_wait3A_143 = arith.constant 0 : i32
      %dma_wait3A_144 = arith.constant 1 : i32
      %dma_wait3A_145 = arith.constant 0 : i32
      %dma_wait3A_146 = arith.constant 0 : i32
      %dma_wait3A_147 = tpu.memref_slice %arg7[%dma_wait3A_144, %dma_wait3A_145, %dma_wait3A_146] : memref<4x400x64xf32, #tpu.memory_space<vmem>> -> memref<1x400x64xf32, #tpu.memory_space<vmem>>
      %dma_wait3A_148 = tpu.memref_squeeze %dma_wait3A_147 : memref<1x400x64xf32, #tpu.memory_space<vmem>> -> memref<400x64xf32, #tpu.memory_space<vmem>>
      %dma_wait3A_149 = arith.constant 0 : i32
      %dma_wait3A_150 = tpu.memref_slice %arg6[%dma_wait3A_143, %dma_wait3A_149] : memref<16x400xi32, #tpu.memory_space<vmem>> -> memref<1x400xi32, #tpu.memory_space<vmem>>
      %dma_wait3A_151 = tpu.memref_squeeze %dma_wait3A_150 : memref<1x400xi32, #tpu.memory_space<vmem>> -> memref<400xi32, #tpu.memory_space<vmem>>
      %dma_wait3A_152 = arith.constant 0 : i32
      %dma_wait3A_153 = arith.constant 0 : i32
      %dma_wait3A_154 = tpu.memref_slice %arg4[%dma_wait3A_152, %dma_wait3A_153] : memref<100000x64xf32, #tpu.memory_space<hbm>> -> memref<100000x64xf32, #tpu.memory_space<hbm>>
      tpu.wait_indirect_dma semaphore(%arg10 : memref<!tpu.dma_semaphore, #tpu.memory_space<semaphore_mem>>) src(%dma_wait3A_154 : memref<100000x64xf32, #tpu.memory_space<hbm>>) dst(%dma_wait3A_148 : memref<400x64xf32, #tpu.memory_space<vmem>>)
      %parallel_loop3A_155 = arith.constant 0 : i32
      %parallel_loop3A_156 = arith.constant 200 : i32
      %parallel_loop3A_157 = arith.constant 1 : i32
      scf.for %parallel_loop3A_271 = %parallel_loop3A_155 to %parallel_loop3A_156 step %parallel_loop3A_157  : i32 {
        %parallel_loop3A_272 = arith.constant 0 : i32
        %parallel_loop3A_273 = arith.addi %parallel_loop3A_272, %parallel_loop3A_271 : i32
        %parallel_loop3A_274 = arith.constant 1 : i32
        %parallel_loop3A_275 = arith.index_cast %parallel_loop3A_274 : i32 to index
        %parallel_loop3A_276 = arith.index_cast %parallel_loop3A_273 : i32 to index
        %parallel_loop3A_277 = arith.constant 0 : index
        %parallel_loop3A_278 = tpu.vector_load %arg7[%parallel_loop3A_275, %parallel_loop3A_276, %parallel_loop3A_277] {strides = array<i32>} : memref<4x400x64xf32, #tpu.memory_space<vmem>>, vector<1x1x16xf32>,
        %parallel_loop3A_279 = vector.shape_cast %parallel_loop3A_278 : vector<1x1x16xf32> to vector<16xf32>
        %parallel_loop3A_280 = arith.constant 8.000000e+00 : f32
        %parallel_loop3A_281 = vector.broadcast %parallel_loop3A_280 : f32 to vector<16xf32>
        %parallel_loop3A_282 = arith.mulf %parallel_loop3A_279, %parallel_loop3A_281 : vector<16xf32>
        %parallel_loop3A_283 = arith.index_cast %parallel_loop3A_271 : i32 to index
        %parallel_loop3A_284 = arith.constant 0 : index
        %parallel_loop3A_285 = tpu.vector_load %arg8[%parallel_loop3A_283, %parallel_loop3A_284] {strides = array<i32>} : memref<200x64xf32, #tpu.memory_space<vmem>>, vector<1x16xf32>,
        %parallel_loop3A_286 = vector.shape_cast %parallel_loop3A_285 : vector<1x16xf32> to vector<16xf32>
        %parallel_loop3A_287 = arith.addf %parallel_loop3A_282, %parallel_loop3A_286 : vector<16xf32>
        %parallel_loop3A_288 = arith.constant 0 : i32
        %parallel_loop3A_289 = arith.addi %parallel_loop3A_288, %parallel_loop3A_271 : i32
        %parallel_loop3A_290 = arith.constant 1 : i32
        %parallel_loop3A_291 = arith.index_cast %parallel_loop3A_290 : i32 to index
        %parallel_loop3A_292 = arith.index_cast %parallel_loop3A_289 : i32 to index
        %parallel_loop3A_293 = arith.constant 0 : index
        %parallel_loop3A_294 = tpu.vector_load %arg7[%parallel_loop3A_291, %parallel_loop3A_292, %parallel_loop3A_293] {strides = array<i32>} : memref<4x400x64xf32, #tpu.memory_space<vmem>>, vector<1x1x16xf32>,
        %parallel_loop3A_295 = vector.shape_cast %parallel_loop3A_294 : vector<1x1x16xf32> to vector<16xf32>
        %parallel_loop3A_296 = vector.shape_cast %parallel_loop3A_287 : vector<16xf32> to vector<1x1x16xf32>
        tpu.vector_store %arg7[%parallel_loop3A_291, %parallel_loop3A_292, %parallel_loop3A_293], %parallel_loop3A_296 {strides = array<i32>} : memref<4x400x64xf32, #tpu.memory_space<vmem>>, vector<1x1x16xf32>,
        %parallel_loop3A_297 = arith.constant 0 : i32
        %parallel_loop3A_298 = arith.addi %parallel_loop3A_297, %parallel_loop3A_271 : i32
        %parallel_loop3A_299 = arith.constant 1 : i32
        %parallel_loop3A_300 = arith.index_cast %parallel_loop3A_299 : i32 to index
        %parallel_loop3A_301 = arith.index_cast %parallel_loop3A_298 : i32 to index
        %parallel_loop3A_302 = arith.constant 16 : index
        %parallel_loop3A_303 = tpu.vector_load %arg7[%parallel_loop3A_300, %parallel_loop3A_301, %parallel_loop3A_302] {strides = array<i32>} : memref<4x400x64xf32, #tpu.memory_space<vmem>>, vector<1x1x16xf32>,
        %parallel_loop3A_304 = vector.shape_cast %parallel_loop3A_303 : vector<1x1x16xf32> to vector<16xf32>
        %parallel_loop3A_305 = arith.constant 8.000000e+00 : f32
        %parallel_loop3A_306 = vector.broadcast %parallel_loop3A_305 : f32 to vector<16xf32>
        %parallel_loop3A_307 = arith.mulf %parallel_loop3A_304, %parallel_loop3A_306 : vector<16xf32>
        %parallel_loop3A_308 = arith.index_cast %parallel_loop3A_271 : i32 to index
        %parallel_loop3A_309 = arith.constant 16 : index
        %parallel_loop3A_310 = tpu.vector_load %arg8[%parallel_loop3A_308, %parallel_loop3A_309] {strides = array<i32>} : memref<200x64xf32, #tpu.memory_space<vmem>>, vector<1x16xf32>,
        %parallel_loop3A_311 = vector.shape_cast %parallel_loop3A_310 : vector<1x16xf32> to vector<16xf32>
        %parallel_loop3A_312 = arith.addf %parallel_loop3A_307, %parallel_loop3A_311 : vector<16xf32>
        %parallel_loop3A_313 = arith.constant 0 : i32
        %parallel_loop3A_314 = arith.addi %parallel_loop3A_313, %parallel_loop3A_271 : i32
        %parallel_loop3A_315 = arith.constant 1 : i32
        %parallel_loop3A_316 = arith.index_cast %parallel_loop3A_315 : i32 to index
        %parallel_loop3A_317 = arith.index_cast %parallel_loop3A_314 : i32 to index
        %parallel_loop3A_318 = arith.constant 16 : index
        %parallel_loop3A_319 = tpu.vector_load %arg7[%parallel_loop3A_316, %parallel_loop3A_317, %parallel_loop3A_318] {strides = array<i32>} : memref<4x400x64xf32, #tpu.memory_space<vmem>>, vector<1x1x16xf32>,
        %parallel_loop3A_320 = vector.shape_cast %parallel_loop3A_319 : vector<1x1x16xf32> to vector<16xf32>
        %parallel_loop3A_321 = vector.shape_cast %parallel_loop3A_312 : vector<16xf32> to vector<1x1x16xf32>
        tpu.vector_store %arg7[%parallel_loop3A_316, %parallel_loop3A_317, %parallel_loop3A_318], %parallel_loop3A_321 {strides = array<i32>} : memref<4x400x64xf32, #tpu.memory_space<vmem>>, vector<1x1x16xf32>,
        %parallel_loop3A_322 = arith.constant 0 : i32
        %parallel_loop3A_323 = arith.addi %parallel_loop3A_322, %parallel_loop3A_271 : i32
        %parallel_loop3A_324 = arith.constant 1 : i32
        %parallel_loop3A_325 = arith.index_cast %parallel_loop3A_324 : i32 to index
        %parallel_loop3A_326 = arith.index_cast %parallel_loop3A_323 : i32 to index
        %parallel_loop3A_327 = arith.constant 32 : index
        %parallel_loop3A_328 = tpu.vector_load %arg7[%parallel_loop3A_325, %parallel_loop3A_326, %parallel_loop3A_327] {strides = array<i32>} : memref<4x400x64xf32, #tpu.memory_space<vmem>>, vector<1x1x16xf32>,
        %parallel_loop3A_329 = vector.shape_cast %parallel_loop3A_328 : vector<1x1x16xf32> to vector<16xf32>
        %parallel_loop3A_330 = arith.constant 8.000000e+00 : f32
        %parallel_loop3A_331 = vector.broadcast %parallel_loop3A_330 : f32 to vector<16xf32>
        %parallel_loop3A_332 = arith.mulf %parallel_loop3A_329, %parallel_loop3A_331 : vector<16xf32>
        %parallel_loop3A_333 = arith.index_cast %parallel_loop3A_271 : i32 to index
        %parallel_loop3A_334 = arith.constant 32 : index
        %parallel_loop3A_335 = tpu.vector_load %arg8[%parallel_loop3A_333, %parallel_loop3A_334] {strides = array<i32>} : memref<200x64xf32, #tpu.memory_space<vmem>>, vector<1x16xf32>,
        %parallel_loop3A_336 = vector.shape_cast %parallel_loop3A_335 : vector<1x16xf32> to vector<16xf32>
        %parallel_loop3A_337 = arith.addf %parallel_loop3A_332, %parallel_loop3A_336 : vector<16xf32>
        %parallel_loop3A_338 = arith.constant 0 : i32
        %parallel_loop3A_339 = arith.addi %parallel_loop3A_338, %parallel_loop3A_271 : i32
        %parallel_loop3A_340 = arith.constant 1 : i32
        %parallel_loop3A_341 = arith.index_cast %parallel_loop3A_340 : i32 to index
        %parallel_loop3A_342 = arith.index_cast %parallel_loop3A_339 : i32 to index
        %parallel_loop3A_343 = arith.constant 32 : index
        %parallel_loop3A_344 = tpu.vector_load %arg7[%parallel_loop3A_341, %parallel_loop3A_342, %parallel_loop3A_343] {strides = array<i32>} : memref<4x400x64xf32, #tpu.memory_space<vmem>>, vector<1x1x16xf32>,
        %parallel_loop3A_345 = vector.shape_cast %parallel_loop3A_344 : vector<1x1x16xf32> to vector<16xf32>
        %parallel_loop3A_346 = vector.shape_cast %parallel_loop3A_337 : vector<16xf32> to vector<1x1x16xf32>
        tpu.vector_store %arg7[%parallel_loop3A_341, %parallel_loop3A_342, %parallel_loop3A_343], %parallel_loop3A_346 {strides = array<i32>} : memref<4x400x64xf32, #tpu.memory_space<vmem>>, vector<1x1x16xf32>,
        %parallel_loop3A_347 = arith.constant 0 : i32
        %parallel_loop3A_348 = arith.addi %parallel_loop3A_347, %parallel_loop3A_271 : i32
        %parallel_loop3A_349 = arith.constant 1 : i32
        %parallel_loop3A_350 = arith.index_cast %parallel_loop3A_349 : i32 to index
        %parallel_loop3A_351 = arith.index_cast %parallel_loop3A_348 : i32 to index
        %parallel_loop3A_352 = arith.constant 48 : index
        %parallel_loop3A_353 = tpu.vector_load %arg7[%parallel_loop3A_350, %parallel_loop3A_351, %parallel_loop3A_352] {strides = array<i32>} : memref<4x400x64xf32, #tpu.memory_space<vmem>>, vector<1x1x16xf32>,
        %parallel_loop3A_354 = vector.shape_cast %parallel_loop3A_353 : vector<1x1x16xf32> to vector<16xf32>
        %parallel_loop3A_355 = arith.constant 8.000000e+00 : f32
        %parallel_loop3A_356 = vector.broadcast %parallel_loop3A_355 : f32 to vector<16xf32>
        %parallel_loop3A_357 = arith.mulf %parallel_loop3A_354, %parallel_loop3A_356 : vector<16xf32>
        %parallel_loop3A_358 = arith.index_cast %parallel_loop3A_271 : i32 to index
        %parallel_loop3A_359 = arith.constant 48 : index
        %parallel_loop3A_360 = tpu.vector_load %arg8[%parallel_loop3A_358, %parallel_loop3A_359] {strides = array<i32>} : memref<200x64xf32, #tpu.memory_space<vmem>>, vector<1x16xf32>,
        %parallel_loop3A_361 = vector.shape_cast %parallel_loop3A_360 : vector<1x16xf32> to vector<16xf32>
        %parallel_loop3A_362 = arith.addf %parallel_loop3A_357, %parallel_loop3A_361 : vector<16xf32>
        %parallel_loop3A_363 = arith.constant 0 : i32
        %parallel_loop3A_364 = arith.addi %parallel_loop3A_363, %parallel_loop3A_271 : i32
        %parallel_loop3A_365 = arith.constant 1 : i32
        %parallel_loop3A_366 = arith.index_cast %parallel_loop3A_365 : i32 to index
        %parallel_loop3A_367 = arith.index_cast %parallel_loop3A_364 : i32 to index
        %parallel_loop3A_368 = arith.constant 48 : index
        %parallel_loop3A_369 = tpu.vector_load %arg7[%parallel_loop3A_366, %parallel_loop3A_367, %parallel_loop3A_368] {strides = array<i32>} : memref<4x400x64xf32, #tpu.memory_space<vmem>>, vector<1x1x16xf32>,
        %parallel_loop3A_370 = vector.shape_cast %parallel_loop3A_369 : vector<1x1x16xf32> to vector<16xf32>
        %parallel_loop3A_371 = vector.shape_cast %parallel_loop3A_362 : vector<16xf32> to vector<1x1x16xf32>
        tpu.vector_store %arg7[%parallel_loop3A_366, %parallel_loop3A_367, %parallel_loop3A_368], %parallel_loop3A_371 {strides = array<i32>} : memref<4x400x64xf32, #tpu.memory_space<vmem>>, vector<1x1x16xf32>,
        %parallel_loop3A_372 = arith.constant 200 : i32
        %parallel_loop3A_373 = arith.addi %parallel_loop3A_372, %parallel_loop3A_271 : i32
        %parallel_loop3A_374 = arith.constant 1 : i32
        %parallel_loop3A_375 = arith.index_cast %parallel_loop3A_374 : i32 to index
        %parallel_loop3A_376 = arith.index_cast %parallel_loop3A_373 : i32 to index
        %parallel_loop3A_377 = arith.constant 0 : index
        %parallel_loop3A_378 = tpu.vector_load %arg7[%parallel_loop3A_375, %parallel_loop3A_376, %parallel_loop3A_377] {strides = array<i32>} : memref<4x400x64xf32, #tpu.memory_space<vmem>>, vector<1x1x16xf32>,
        %parallel_loop3A_379 = vector.shape_cast %parallel_loop3A_378 : vector<1x1x16xf32> to vector<16xf32>
        %parallel_loop3A_380 = arith.constant 8.000000e+00 : f32
        %parallel_loop3A_381 = vector.broadcast %parallel_loop3A_380 : f32 to vector<16xf32>
        %parallel_loop3A_382 = arith.mulf %parallel_loop3A_379, %parallel_loop3A_381 : vector<16xf32>
        %parallel_loop3A_383 = arith.index_cast %parallel_loop3A_271 : i32 to index
        %parallel_loop3A_384 = arith.constant 0 : index
        %parallel_loop3A_385 = tpu.vector_load %arg8[%parallel_loop3A_383, %parallel_loop3A_384] {strides = array<i32>} : memref<200x64xf32, #tpu.memory_space<vmem>>, vector<1x16xf32>,
        %parallel_loop3A_386 = vector.shape_cast %parallel_loop3A_385 : vector<1x16xf32> to vector<16xf32>
        %parallel_loop3A_387 = arith.addf %parallel_loop3A_382, %parallel_loop3A_386 : vector<16xf32>
        %parallel_loop3A_388 = arith.constant 200 : i32
        %parallel_loop3A_389 = arith.addi %parallel_loop3A_388, %parallel_loop3A_271 : i32
        %parallel_loop3A_390 = arith.constant 1 : i32
        %parallel_loop3A_391 = arith.index_cast %parallel_loop3A_390 : i32 to index
        %parallel_loop3A_392 = arith.index_cast %parallel_loop3A_389 : i32 to index
        %parallel_loop3A_393 = arith.constant 0 : index
        %parallel_loop3A_394 = tpu.vector_load %arg7[%parallel_loop3A_391, %parallel_loop3A_392, %parallel_loop3A_393] {strides = array<i32>} : memref<4x400x64xf32, #tpu.memory_space<vmem>>, vector<1x1x16xf32>,
        %parallel_loop3A_395 = vector.shape_cast %parallel_loop3A_394 : vector<1x1x16xf32> to vector<16xf32>
        %parallel_loop3A_396 = vector.shape_cast %parallel_loop3A_387 : vector<16xf32> to vector<1x1x16xf32>
        tpu.vector_store %arg7[%parallel_loop3A_391, %parallel_loop3A_392, %parallel_loop3A_393], %parallel_loop3A_396 {strides = array<i32>} : memref<4x400x64xf32, #tpu.memory_space<vmem>>, vector<1x1x16xf32>,
        %parallel_loop3A_397 = arith.constant 200 : i32
        %parallel_loop3A_398 = arith.addi %parallel_loop3A_397, %parallel_loop3A_271 : i32
        %parallel_loop3A_399 = arith.constant 1 : i32
        %parallel_loop3A_400 = arith.index_cast %parallel_loop3A_399 : i32 to index
        %parallel_loop3A_401 = arith.index_cast %parallel_loop3A_398 : i32 to index
        %parallel_loop3A_402 = arith.constant 16 : index
        %parallel_loop3A_403 = tpu.vector_load %arg7[%parallel_loop3A_400, %parallel_loop3A_401, %parallel_loop3A_402] {strides = array<i32>} : memref<4x400x64xf32, #tpu.memory_space<vmem>>, vector<1x1x16xf32>,
        %parallel_loop3A_404 = vector.shape_cast %parallel_loop3A_403 : vector<1x1x16xf32> to vector<16xf32>
        %parallel_loop3A_405 = arith.constant 8.000000e+00 : f32
        %parallel_loop3A_406 = vector.broadcast %parallel_loop3A_405 : f32 to vector<16xf32>
        %parallel_loop3A_407 = arith.mulf %parallel_loop3A_404, %parallel_loop3A_406 : vector<16xf32>
        %parallel_loop3A_408 = arith.index_cast %parallel_loop3A_271 : i32 to index
        %parallel_loop3A_409 = arith.constant 16 : index
        %parallel_loop3A_410 = tpu.vector_load %arg8[%parallel_loop3A_408, %parallel_loop3A_409] {strides = array<i32>} : memref<200x64xf32, #tpu.memory_space<vmem>>, vector<1x16xf32>,
        %parallel_loop3A_411 = vector.shape_cast %parallel_loop3A_410 : vector<1x16xf32> to vector<16xf32>
        %parallel_loop3A_412 = arith.addf %parallel_loop3A_407, %parallel_loop3A_411 : vector<16xf32>
        %parallel_loop3A_413 = arith.constant 200 : i32
        %parallel_loop3A_414 = arith.addi %parallel_loop3A_413, %parallel_loop3A_271 : i32
        %parallel_loop3A_415 = arith.constant 1 : i32
        %parallel_loop3A_416 = arith.index_cast %parallel_loop3A_415 : i32 to index
        %parallel_loop3A_417 = arith.index_cast %parallel_loop3A_414 : i32 to index
        %parallel_loop3A_418 = arith.constant 16 : index
        %parallel_loop3A_419 = tpu.vector_load %arg7[%parallel_loop3A_416, %parallel_loop3A_417, %parallel_loop3A_418] {strides = array<i32>} : memref<4x400x64xf32, #tpu.memory_space<vmem>>, vector<1x1x16xf32>,
        %parallel_loop3A_420 = vector.shape_cast %parallel_loop3A_419 : vector<1x1x16xf32> to vector<16xf32>
        %parallel_loop3A_421 = vector.shape_cast %parallel_loop3A_412 : vector<16xf32> to vector<1x1x16xf32>
        tpu.vector_store %arg7[%parallel_loop3A_416, %parallel_loop3A_417, %parallel_loop3A_418], %parallel_loop3A_421 {strides = array<i32>} : memref<4x400x64xf32, #tpu.memory_space<vmem>>, vector<1x1x16xf32>,
        %parallel_loop3A_422 = arith.constant 200 : i32
        %parallel_loop3A_423 = arith.addi %parallel_loop3A_422, %parallel_loop3A_271 : i32
        %parallel_loop3A_424 = arith.constant 1 : i32
        %parallel_loop3A_425 = arith.index_cast %parallel_loop3A_424 : i32 to index
        %parallel_loop3A_426 = arith.index_cast %parallel_loop3A_423 : i32 to index
        %parallel_loop3A_427 = arith.constant 32 : index
        %parallel_loop3A_428 = tpu.vector_load %arg7[%parallel_loop3A_425, %parallel_loop3A_426, %parallel_loop3A_427] {strides = array<i32>} : memref<4x400x64xf32, #tpu.memory_space<vmem>>, vector<1x1x16xf32>,
        %parallel_loop3A_429 = vector.shape_cast %parallel_loop3A_428 : vector<1x1x16xf32> to vector<16xf32>
        %parallel_loop3A_430 = arith.constant 8.000000e+00 : f32
        %parallel_loop3A_431 = vector.broadcast %parallel_loop3A_430 : f32 to vector<16xf32>
        %parallel_loop3A_432 = arith.mulf %parallel_loop3A_429, %parallel_loop3A_431 : vector<16xf32>
        %parallel_loop3A_433 = arith.index_cast %parallel_loop3A_271 : i32 to index
        %parallel_loop3A_434 = arith.constant 32 : index
        %parallel_loop3A_435 = tpu.vector_load %arg8[%parallel_loop3A_433, %parallel_loop3A_434] {strides = array<i32>} : memref<200x64xf32, #tpu.memory_space<vmem>>, vector<1x16xf32>,
        %parallel_loop3A_436 = vector.shape_cast %parallel_loop3A_435 : vector<1x16xf32> to vector<16xf32>
        %parallel_loop3A_437 = arith.addf %parallel_loop3A_432, %parallel_loop3A_436 : vector<16xf32>
        %parallel_loop3A_438 = arith.constant 200 : i32
        %parallel_loop3A_439 = arith.addi %parallel_loop3A_438, %parallel_loop3A_271 : i32
        %parallel_loop3A_440 = arith.constant 1 : i32
        %parallel_loop3A_441 = arith.index_cast %parallel_loop3A_440 : i32 to index
        %parallel_loop3A_442 = arith.index_cast %parallel_loop3A_439 : i32 to index
        %parallel_loop3A_443 = arith.constant 32 : index
        %parallel_loop3A_444 = tpu.vector_load %arg7[%parallel_loop3A_441, %parallel_loop3A_442, %parallel_loop3A_443] {strides = array<i32>} : memref<4x400x64xf32, #tpu.memory_space<vmem>>, vector<1x1x16xf32>,
        %parallel_loop3A_445 = vector.shape_cast %parallel_loop3A_444 : vector<1x1x16xf32> to vector<16xf32>
        %parallel_loop3A_446 = vector.shape_cast %parallel_loop3A_437 : vector<16xf32> to vector<1x1x16xf32>
        tpu.vector_store %arg7[%parallel_loop3A_441, %parallel_loop3A_442, %parallel_loop3A_443], %parallel_loop3A_446 {strides = array<i32>} : memref<4x400x64xf32, #tpu.memory_space<vmem>>, vector<1x1x16xf32>,
        %parallel_loop3A_447 = arith.constant 200 : i32
        %parallel_loop3A_448 = arith.addi %parallel_loop3A_447, %parallel_loop3A_271 : i32
        %parallel_loop3A_449 = arith.constant 1 : i32
        %parallel_loop3A_450 = arith.index_cast %parallel_loop3A_449 : i32 to index
        %parallel_loop3A_451 = arith.index_cast %parallel_loop3A_448 : i32 to index
        %parallel_loop3A_452 = arith.constant 48 : index
        %parallel_loop3A_453 = tpu.vector_load %arg7[%parallel_loop3A_450, %parallel_loop3A_451, %parallel_loop3A_452] {strides = array<i32>} : memref<4x400x64xf32, #tpu.memory_space<vmem>>, vector<1x1x16xf32>,
        %parallel_loop3A_454 = vector.shape_cast %parallel_loop3A_453 : vector<1x1x16xf32> to vector<16xf32>
        %parallel_loop3A_455 = arith.constant 8.000000e+00 : f32
        %parallel_loop3A_456 = vector.broadcast %parallel_loop3A_455 : f32 to vector<16xf32>
        %parallel_loop3A_457 = arith.mulf %parallel_loop3A_454, %parallel_loop3A_456 : vector<16xf32>
        %parallel_loop3A_458 = arith.index_cast %parallel_loop3A_271 : i32 to index
        %parallel_loop3A_459 = arith.constant 48 : index
        %parallel_loop3A_460 = tpu.vector_load %arg8[%parallel_loop3A_458, %parallel_loop3A_459] {strides = array<i32>} : memref<200x64xf32, #tpu.memory_space<vmem>>, vector<1x16xf32>,
        %parallel_loop3A_461 = vector.shape_cast %parallel_loop3A_460 : vector<1x16xf32> to vector<16xf32>
        %parallel_loop3A_462 = arith.addf %parallel_loop3A_457, %parallel_loop3A_461 : vector<16xf32>
        %parallel_loop3A_463 = arith.constant 200 : i32
        %parallel_loop3A_464 = arith.addi %parallel_loop3A_463, %parallel_loop3A_271 : i32
        %parallel_loop3A_465 = arith.constant 1 : i32
        %parallel_loop3A_466 = arith.index_cast %parallel_loop3A_465 : i32 to index
        %parallel_loop3A_467 = arith.index_cast %parallel_loop3A_464 : i32 to index
        %parallel_loop3A_468 = arith.constant 48 : index
        %parallel_loop3A_469 = tpu.vector_load %arg7[%parallel_loop3A_466, %parallel_loop3A_467, %parallel_loop3A_468] {strides = array<i32>} : memref<4x400x64xf32, #tpu.memory_space<vmem>>, vector<1x1x16xf32>,
        %parallel_loop3A_470 = vector.shape_cast %parallel_loop3A_469 : vector<1x1x16xf32> to vector<16xf32>
        %parallel_loop3A_471 = vector.shape_cast %parallel_loop3A_462 : vector<16xf32> to vector<1x1x16xf32>
        tpu.vector_store %arg7[%parallel_loop3A_466, %parallel_loop3A_467, %parallel_loop3A_468], %parallel_loop3A_471 {strides = array<i32>} : memref<4x400x64xf32, #tpu.memory_space<vmem>>, vector<1x1x16xf32>,
      } {sc.loop_unroll_factor = 4 : i64, sc.parallel_access}
      %add3A_158 = arith.addi %mul3A_2, %add3A_142 : i32
      %dma_start3A_159 = arith.constant 1 : i32
      %dma_start3A_160 = arith.constant 0 : i32
      %dma_start3A_161 = arith.constant 0 : i32
      %dma_start3A_162 = tpu.memref_slice %arg7[%dma_start3A_159, %dma_start3A_160, %dma_start3A_161] : memref<4x400x64xf32, #tpu.memory_space<vmem>> -> memref<1x400x64xf32, #tpu.memory_space<vmem>>
      %dma_start3A_163 = tpu.memref_squeeze %dma_start3A_162 : memref<1x400x64xf32, #tpu.memory_space<vmem>> -> memref<400x64xf32, #tpu.memory_space<vmem>>
      %dma_start3A_164 = arith.constant 0 : i32
      %dma_start3A_165 = arith.constant 0 : i32
      %dma_start3A_166 = tpu.memref_slice %arg5[%add3A_158, %dma_start3A_164, %dma_start3A_165] : memref<512x400x64xf32, #tpu.memory_space<hbm>> -> memref<1x400x64xf32, #tpu.memory_space<hbm>>
      %dma_start3A_167 = tpu.memref_squeeze %dma_start3A_166 : memref<1x400x64xf32, #tpu.memory_space<hbm>> -> memref<400x64xf32, #tpu.memory_space<hbm>>
      %dma_start3A_168 = arith.constant 0 : i32
      %dma_start3A_169 = arith.constant 0 : i32
      %dma_start3A_170 = tpu.memref_slice %arg5[%add3A_158, %dma_start3A_168, %dma_start3A_169] : memref<512x400x64xf32, #tpu.memory_space<hbm>> -> memref<1x400x64xf32, #tpu.memory_space<hbm>>
      %dma_start3A_171 = tpu.memref_squeeze %dma_start3A_170 : memref<1x400x64xf32, #tpu.memory_space<hbm>> -> memref<400x64xf32, #tpu.memory_space<hbm>>
      %dma_start3A_172 = arith.constant 0 : i32
      %dma_start3A_173 = arith.constant 0 : i32
      %dma_start3A_174 = tpu.memref_slice %arg7[%dma_start3A_159, %dma_start3A_172, %dma_start3A_173] : memref<4x400x64xf32, #tpu.memory_space<vmem>> -> memref<1x400x64xf32, #tpu.memory_space<vmem>>
      %dma_start3A_175 = tpu.memref_squeeze %dma_start3A_174 : memref<1x400x64xf32, #tpu.memory_space<vmem>> -> memref<400x64xf32, #tpu.memory_space<vmem>>
      tpu.enqueue_dma source(%dma_start3A_175 : memref<400x64xf32, #tpu.memory_space<vmem>>) target(%dma_start3A_171 : memref<400x64xf32, #tpu.memory_space<hbm>>) target_semaphore(%arg14 : memref<!tpu.dma_semaphore, #tpu.memory_space<semaphore_mem>>)
      %add3A_176 = arith.constant 2 : i32
      %add3A_177 = arith.addi %add3A_142, %add3A_176 : i32
      %lt3A_178 = arith.constant 16 : i32
      %lt3A_179 = arith.cmpi slt, %add3A_177, %lt3A_178 : i32
      %convert_element_type3A_180 = arith.extui %lt3A_179 : i1 to i32
      %cond3A_181 = arith.constant 0 : i32
      %cond3A_182 = arith.cmpi ne, %convert_element_type3A_180, %cond3A_181 : i32
      scf.if %cond3A_182 {
        %ge3A = arith.constant 2 : i32
        %ge3A_271 = arith.cmpi sge, %add3A_142, %ge3A : i32
        %convert_element_type3A_272 = arith.extui %ge3A_271 : i1 to i32
        %cond3A_273 = arith.constant 0 : i32
        %cond3A_274 = arith.cmpi ne, %convert_element_type3A_272, %cond3A_273 : i32
        scf.if %cond3A_274 {
          %dma_wait3A_288 = arith.constant 3 : i32
          %dma_wait3A_289 = arith.constant 0 : i32
          %dma_wait3A_290 = arith.constant 0 : i32
          %dma_wait3A_291 = tpu.memref_slice %arg7[%dma_wait3A_288, %dma_wait3A_289, %dma_wait3A_290] : memref<4x400x64xf32, #tpu.memory_space<vmem>> -> memref<1x400x64xf32, #tpu.memory_space<vmem>>
          %dma_wait3A_292 = tpu.memref_squeeze %dma_wait3A_291 : memref<1x400x64xf32, #tpu.memory_space<vmem>> -> memref<400x64xf32, #tpu.memory_space<vmem>>
          %dma_wait3A_293 = arith.constant 0 : i32
          %dma_wait3A_294 = arith.constant 0 : i32
          %dma_wait3A_295 = tpu.memref_slice %arg5[%mul3A_2, %dma_wait3A_293, %dma_wait3A_294] : memref<512x400x64xf32, #tpu.memory_space<hbm>> -> memref<1x400x64xf32, #tpu.memory_space<hbm>>
          %dma_wait3A_296 = tpu.memref_squeeze %dma_wait3A_295 : memref<1x400x64xf32, #tpu.memory_space<hbm>> -> memref<400x64xf32, #tpu.memory_space<hbm>>
          %dma_wait3A_297 = arith.constant 0 : i32
          %dma_wait3A_298 = arith.constant 0 : i32
          %dma_wait3A_299 = tpu.memref_slice %arg5[%mul3A_2, %dma_wait3A_297, %dma_wait3A_298] : memref<512x400x64xf32, #tpu.memory_space<hbm>> -> memref<1x400x64xf32, #tpu.memory_space<hbm>>
          %dma_wait3A_300 = tpu.memref_squeeze %dma_wait3A_299 : memref<1x400x64xf32, #tpu.memory_space<hbm>> -> memref<400x64xf32, #tpu.memory_space<hbm>>
          %dma_wait3A_301 = arith.constant 0 : i32
          %dma_wait3A_302 = arith.constant 0 : i32
          %dma_wait3A_303 = tpu.memref_slice %arg7[%dma_wait3A_288, %dma_wait3A_301, %dma_wait3A_302] : memref<4x400x64xf32, #tpu.memory_space<vmem>> -> memref<1x400x64xf32, #tpu.memory_space<vmem>>
          %dma_wait3A_304 = tpu.memref_squeeze %dma_wait3A_303 : memref<1x400x64xf32, #tpu.memory_space<vmem>> -> memref<400x64xf32, #tpu.memory_space<vmem>>
          tpu.wait_dma2 semaphore(%arg16 : memref<!tpu.dma_semaphore, #tpu.memory_space<semaphore_mem>>) src(%dma_wait3A_304 : memref<400x64xf32, #tpu.memory_space<vmem>>) dst(%dma_wait3A_300 : memref<400x64xf32, #tpu.memory_space<hbm>>)
        } else {
        }
        %add3A_275 = arith.constant 2 : i32
        %add3A_276 = arith.addi %add3A_142, %add3A_275 : i32
        %dma_start3A_277 = arith.constant 3 : i32
        %dma_start3A_278 = arith.constant 0 : i32
        %dma_start3A_279 = arith.constant 0 : i32
        %dma_start3A_280 = tpu.memref_slice %arg7[%dma_start3A_277, %dma_start3A_278, %dma_start3A_279] : memref<4x400x64xf32, #tpu.memory_space<vmem>> -> memref<1x400x64xf32, #tpu.memory_space<vmem>>
        %dma_start3A_281 = tpu.memref_squeeze %dma_start3A_280 : memref<1x400x64xf32, #tpu.memory_space<vmem>> -> memref<400x64xf32, #tpu.memory_space<vmem>>
        %dma_start3A_282 = arith.constant 0 : i32
        %dma_start3A_283 = tpu.memref_slice %arg6[%add3A_276, %dma_start3A_282] : memref<16x400xi32, #tpu.memory_space<vmem>> -> memref<1x400xi32, #tpu.memory_space<vmem>>
        %dma_start3A_284 = tpu.memref_squeeze %dma_start3A_283 : memref<1x400xi32, #tpu.memory_space<vmem>> -> memref<400xi32, #tpu.memory_space<vmem>>
        %dma_start3A_285 = arith.constant 0 : i32
        %dma_start3A_286 = arith.constant 0 : i32
        %dma_start3A_287 = tpu.memref_slice %arg4[%dma_start3A_285, %dma_start3A_286] : memref<100000x64xf32, #tpu.memory_space<hbm>> -> memref<100000x64xf32, #tpu.memory_space<hbm>>
        tpu.enqueue_indirect_dma source(%dma_start3A_287 : memref<100000x64xf32, #tpu.memory_space<hbm>>) target(%dma_start3A_281 : memref<400x64xf32, #tpu.memory_space<vmem>>) offsets(%dma_start3A_284 : memref<400xi32, #tpu.memory_space<vmem>>) semaphore(%arg12 : memref<!tpu.dma_semaphore, #tpu.memory_space<semaphore_mem>>)
      } else {
      }
      %mul3A_183 = arith.constant 4 : i32
      %mul3A_184 = arith.muli %scan3A_98, %mul3A_183 : i32
      %add3A_185 = arith.constant 2 : i32
      %add3A_186 = arith.addi %mul3A_184, %add3A_185 : i32
      %dma_wait3A_187 = arith.constant 0 : i32
      %dma_wait3A_188 = arith.constant 2 : i32
      %dma_wait3A_189 = arith.constant 0 : i32
      %dma_wait3A_190 = arith.constant 0 : i32
      %dma_wait3A_191 = tpu.memref_slice %arg7[%dma_wait3A_188, %dma_wait3A_189, %dma_wait3A_190] : memref<4x400x64xf32, #tpu.memory_space<vmem>> -> memref<1x400x64xf32, #tpu.memory_space<vmem>>
      %dma_wait3A_192 = tpu.memref_squeeze %dma_wait3A_191 : memref<1x400x64xf32, #tpu.memory_space<vmem>> -> memref<400x64xf32, #tpu.memory_space<vmem>>
      %dma_wait3A_193 = arith.constant 0 : i32
      %dma_wait3A_194 = tpu.memref_slice %arg6[%dma_wait3A_187, %dma_wait3A_193] : memref<16x400xi32, #tpu.memory_space<vmem>> -> memref<1x400xi32, #tpu.memory_space<vmem>>
      %dma_wait3A_195 = tpu.memref_squeeze %dma_wait3A_194 : memref<1x400xi32, #tpu.memory_space<vmem>> -> memref<400xi32, #tpu.memory_space<vmem>>
      %dma_wait3A_196 = arith.constant 0 : i32
      %dma_wait3A_197 = arith.constant 0 : i32
      %dma_wait3A_198 = tpu.memref_slice %arg4[%dma_wait3A_196, %dma_wait3A_197] : memref<100000x64xf32, #tpu.memory_space<hbm>> -> memref<100000x64xf32, #tpu.memory_space<hbm>>
      tpu.wait_indirect_dma semaphore(%arg11 : memref<!tpu.dma_semaphore, #tpu.memory_space<semaphore_mem>>) src(%dma_wait3A_198 : memref<100000x64xf32, #tpu.memory_space<hbm>>) dst(%dma_wait3A_192 : memref<400x64xf32, #tpu.memory_space<vmem>>)
      %parallel_loop3A_199 = arith.constant 0 : i32
      %parallel_loop3A_200 = arith.constant 200 : i32
      %parallel_loop3A_201 = arith.constant 1 : i32
      scf.for %parallel_loop3A_271 = %parallel_loop3A_199 to %parallel_loop3A_200 step %parallel_loop3A_201  : i32 {
        %parallel_loop3A_272 = arith.constant 0 : i32
        %parallel_loop3A_273 = arith.addi %parallel_loop3A_272, %parallel_loop3A_271 : i32
        %parallel_loop3A_274 = arith.constant 2 : i32
        %parallel_loop3A_275 = arith.index_cast %parallel_loop3A_274 : i32 to index
        %parallel_loop3A_276 = arith.index_cast %parallel_loop3A_273 : i32 to index
        %parallel_loop3A_277 = arith.constant 0 : index
        %parallel_loop3A_278 = tpu.vector_load %arg7[%parallel_loop3A_275, %parallel_loop3A_276, %parallel_loop3A_277] {strides = array<i32>} : memref<4x400x64xf32, #tpu.memory_space<vmem>>, vector<1x1x16xf32>,
        %parallel_loop3A_279 = vector.shape_cast %parallel_loop3A_278 : vector<1x1x16xf32> to vector<16xf32>
        %parallel_loop3A_280 = arith.constant 8.000000e+00 : f32
        %parallel_loop3A_281 = vector.broadcast %parallel_loop3A_280 : f32 to vector<16xf32>
        %parallel_loop3A_282 = arith.mulf %parallel_loop3A_279, %parallel_loop3A_281 : vector<16xf32>
        %parallel_loop3A_283 = arith.index_cast %parallel_loop3A_271 : i32 to index
        %parallel_loop3A_284 = arith.constant 0 : index
        %parallel_loop3A_285 = tpu.vector_load %arg8[%parallel_loop3A_283, %parallel_loop3A_284] {strides = array<i32>} : memref<200x64xf32, #tpu.memory_space<vmem>>, vector<1x16xf32>,
        %parallel_loop3A_286 = vector.shape_cast %parallel_loop3A_285 : vector<1x16xf32> to vector<16xf32>
        %parallel_loop3A_287 = arith.addf %parallel_loop3A_282, %parallel_loop3A_286 : vector<16xf32>
        %parallel_loop3A_288 = arith.constant 0 : i32
        %parallel_loop3A_289 = arith.addi %parallel_loop3A_288, %parallel_loop3A_271 : i32
        %parallel_loop3A_290 = arith.constant 2 : i32
        %parallel_loop3A_291 = arith.index_cast %parallel_loop3A_290 : i32 to index
        %parallel_loop3A_292 = arith.index_cast %parallel_loop3A_289 : i32 to index
        %parallel_loop3A_293 = arith.constant 0 : index
        %parallel_loop3A_294 = tpu.vector_load %arg7[%parallel_loop3A_291, %parallel_loop3A_292, %parallel_loop3A_293] {strides = array<i32>} : memref<4x400x64xf32, #tpu.memory_space<vmem>>, vector<1x1x16xf32>,
        %parallel_loop3A_295 = vector.shape_cast %parallel_loop3A_294 : vector<1x1x16xf32> to vector<16xf32>
        %parallel_loop3A_296 = vector.shape_cast %parallel_loop3A_287 : vector<16xf32> to vector<1x1x16xf32>
        tpu.vector_store %arg7[%parallel_loop3A_291, %parallel_loop3A_292, %parallel_loop3A_293], %parallel_loop3A_296 {strides = array<i32>} : memref<4x400x64xf32, #tpu.memory_space<vmem>>, vector<1x1x16xf32>,
        %parallel_loop3A_297 = arith.constant 0 : i32
        %parallel_loop3A_298 = arith.addi %parallel_loop3A_297, %parallel_loop3A_271 : i32
        %parallel_loop3A_299 = arith.constant 2 : i32
        %parallel_loop3A_300 = arith.index_cast %parallel_loop3A_299 : i32 to index
        %parallel_loop3A_301 = arith.index_cast %parallel_loop3A_298 : i32 to index
        %parallel_loop3A_302 = arith.constant 16 : index
        %parallel_loop3A_303 = tpu.vector_load %arg7[%parallel_loop3A_300, %parallel_loop3A_301, %parallel_loop3A_302] {strides = array<i32>} : memref<4x400x64xf32, #tpu.memory_space<vmem>>, vector<1x1x16xf32>,
        %parallel_loop3A_304 = vector.shape_cast %parallel_loop3A_303 : vector<1x1x16xf32> to vector<16xf32>
        %parallel_loop3A_305 = arith.constant 8.000000e+00 : f32
        %parallel_loop3A_306 = vector.broadcast %parallel_loop3A_305 : f32 to vector<16xf32>
        %parallel_loop3A_307 = arith.mulf %parallel_loop3A_304, %parallel_loop3A_306 : vector<16xf32>
        %parallel_loop3A_308 = arith.index_cast %parallel_loop3A_271 : i32 to index
        %parallel_loop3A_309 = arith.constant 16 : index
        %parallel_loop3A_310 = tpu.vector_load %arg8[%parallel_loop3A_308, %parallel_loop3A_309] {strides = array<i32>} : memref<200x64xf32, #tpu.memory_space<vmem>>, vector<1x16xf32>,
        %parallel_loop3A_311 = vector.shape_cast %parallel_loop3A_310 : vector<1x16xf32> to vector<16xf32>
        %parallel_loop3A_312 = arith.addf %parallel_loop3A_307, %parallel_loop3A_311 : vector<16xf32>
        %parallel_loop3A_313 = arith.constant 0 : i32
        %parallel_loop3A_314 = arith.addi %parallel_loop3A_313, %parallel_loop3A_271 : i32
        %parallel_loop3A_315 = arith.constant 2 : i32
        %parallel_loop3A_316 = arith.index_cast %parallel_loop3A_315 : i32 to index
        %parallel_loop3A_317 = arith.index_cast %parallel_loop3A_314 : i32 to index
        %parallel_loop3A_318 = arith.constant 16 : index
        %parallel_loop3A_319 = tpu.vector_load %arg7[%parallel_loop3A_316, %parallel_loop3A_317, %parallel_loop3A_318] {strides = array<i32>} : memref<4x400x64xf32, #tpu.memory_space<vmem>>, vector<1x1x16xf32>,
        %parallel_loop3A_320 = vector.shape_cast %parallel_loop3A_319 : vector<1x1x16xf32> to vector<16xf32>
        %parallel_loop3A_321 = vector.shape_cast %parallel_loop3A_312 : vector<16xf32> to vector<1x1x16xf32>
        tpu.vector_store %arg7[%parallel_loop3A_316, %parallel_loop3A_317, %parallel_loop3A_318], %parallel_loop3A_321 {strides = array<i32>} : memref<4x400x64xf32, #tpu.memory_space<vmem>>, vector<1x1x16xf32>,
        %parallel_loop3A_322 = arith.constant 0 : i32
        %parallel_loop3A_323 = arith.addi %parallel_loop3A_322, %parallel_loop3A_271 : i32
        %parallel_loop3A_324 = arith.constant 2 : i32
        %parallel_loop3A_325 = arith.index_cast %parallel_loop3A_324 : i32 to index
        %parallel_loop3A_326 = arith.index_cast %parallel_loop3A_323 : i32 to index
        %parallel_loop3A_327 = arith.constant 32 : index
        %parallel_loop3A_328 = tpu.vector_load %arg7[%parallel_loop3A_325, %parallel_loop3A_326, %parallel_loop3A_327] {strides = array<i32>} : memref<4x400x64xf32, #tpu.memory_space<vmem>>, vector<1x1x16xf32>,
        %parallel_loop3A_329 = vector.shape_cast %parallel_loop3A_328 : vector<1x1x16xf32> to vector<16xf32>
        %parallel_loop3A_330 = arith.constant 8.000000e+00 : f32
        %parallel_loop3A_331 = vector.broadcast %parallel_loop3A_330 : f32 to vector<16xf32>
        %parallel_loop3A_332 = arith.mulf %parallel_loop3A_329, %parallel_loop3A_331 : vector<16xf32>
        %parallel_loop3A_333 = arith.index_cast %parallel_loop3A_271 : i32 to index
        %parallel_loop3A_334 = arith.constant 32 : index
        %parallel_loop3A_335 = tpu.vector_load %arg8[%parallel_loop3A_333, %parallel_loop3A_334] {strides = array<i32>} : memref<200x64xf32, #tpu.memory_space<vmem>>, vector<1x16xf32>,
        %parallel_loop3A_336 = vector.shape_cast %parallel_loop3A_335 : vector<1x16xf32> to vector<16xf32>
        %parallel_loop3A_337 = arith.addf %parallel_loop3A_332, %parallel_loop3A_336 : vector<16xf32>
        %parallel_loop3A_338 = arith.constant 0 : i32
        %parallel_loop3A_339 = arith.addi %parallel_loop3A_338, %parallel_loop3A_271 : i32
        %parallel_loop3A_340 = arith.constant 2 : i32
        %parallel_loop3A_341 = arith.index_cast %parallel_loop3A_340 : i32 to index
        %parallel_loop3A_342 = arith.index_cast %parallel_loop3A_339 : i32 to index
        %parallel_loop3A_343 = arith.constant 32 : index
        %parallel_loop3A_344 = tpu.vector_load %arg7[%parallel_loop3A_341, %parallel_loop3A_342, %parallel_loop3A_343] {strides = array<i32>} : memref<4x400x64xf32, #tpu.memory_space<vmem>>, vector<1x1x16xf32>,
        %parallel_loop3A_345 = vector.shape_cast %parallel_loop3A_344 : vector<1x1x16xf32> to vector<16xf32>
        %parallel_loop3A_346 = vector.shape_cast %parallel_loop3A_337 : vector<16xf32> to vector<1x1x16xf32>
        tpu.vector_store %arg7[%parallel_loop3A_341, %parallel_loop3A_342, %parallel_loop3A_343], %parallel_loop3A_346 {strides = array<i32>} : memref<4x400x64xf32, #tpu.memory_space<vmem>>, vector<1x1x16xf32>,
        %parallel_loop3A_347 = arith.constant 0 : i32
        %parallel_loop3A_348 = arith.addi %parallel_loop3A_347, %parallel_loop3A_271 : i32
        %parallel_loop3A_349 = arith.constant 2 : i32
        %parallel_loop3A_350 = arith.index_cast %parallel_loop3A_349 : i32 to index
        %parallel_loop3A_351 = arith.index_cast %parallel_loop3A_348 : i32 to index
        %parallel_loop3A_352 = arith.constant 48 : index
        %parallel_loop3A_353 = tpu.vector_load %arg7[%parallel_loop3A_350, %parallel_loop3A_351, %parallel_loop3A_352] {strides = array<i32>} : memref<4x400x64xf32, #tpu.memory_space<vmem>>, vector<1x1x16xf32>,
        %parallel_loop3A_354 = vector.shape_cast %parallel_loop3A_353 : vector<1x1x16xf32> to vector<16xf32>
        %parallel_loop3A_355 = arith.constant 8.000000e+00 : f32
        %parallel_loop3A_356 = vector.broadcast %parallel_loop3A_355 : f32 to vector<16xf32>
        %parallel_loop3A_357 = arith.mulf %parallel_loop3A_354, %parallel_loop3A_356 : vector<16xf32>
        %parallel_loop3A_358 = arith.index_cast %parallel_loop3A_271 : i32 to index
        %parallel_loop3A_359 = arith.constant 48 : index
        %parallel_loop3A_360 = tpu.vector_load %arg8[%parallel_loop3A_358, %parallel_loop3A_359] {strides = array<i32>} : memref<200x64xf32, #tpu.memory_space<vmem>>, vector<1x16xf32>,
        %parallel_loop3A_361 = vector.shape_cast %parallel_loop3A_360 : vector<1x16xf32> to vector<16xf32>
        %parallel_loop3A_362 = arith.addf %parallel_loop3A_357, %parallel_loop3A_361 : vector<16xf32>
        %parallel_loop3A_363 = arith.constant 0 : i32
        %parallel_loop3A_364 = arith.addi %parallel_loop3A_363, %parallel_loop3A_271 : i32
        %parallel_loop3A_365 = arith.constant 2 : i32
        %parallel_loop3A_366 = arith.index_cast %parallel_loop3A_365 : i32 to index
        %parallel_loop3A_367 = arith.index_cast %parallel_loop3A_364 : i32 to index
        %parallel_loop3A_368 = arith.constant 48 : index
        %parallel_loop3A_369 = tpu.vector_load %arg7[%parallel_loop3A_366, %parallel_loop3A_367, %parallel_loop3A_368] {strides = array<i32>} : memref<4x400x64xf32, #tpu.memory_space<vmem>>, vector<1x1x16xf32>,
        %parallel_loop3A_370 = vector.shape_cast %parallel_loop3A_369 : vector<1x1x16xf32> to vector<16xf32>
        %parallel_loop3A_371 = vector.shape_cast %parallel_loop3A_362 : vector<16xf32> to vector<1x1x16xf32>
        tpu.vector_store %arg7[%parallel_loop3A_366, %parallel_loop3A_367, %parallel_loop3A_368], %parallel_loop3A_371 {strides = array<i32>} : memref<4x400x64xf32, #tpu.memory_space<vmem>>, vector<1x1x16xf32>,
        %parallel_loop3A_372 = arith.constant 200 : i32
        %parallel_loop3A_373 = arith.addi %parallel_loop3A_372, %parallel_loop3A_271 : i32
        %parallel_loop3A_374 = arith.constant 2 : i32
        %parallel_loop3A_375 = arith.index_cast %parallel_loop3A_374 : i32 to index
        %parallel_loop3A_376 = arith.index_cast %parallel_loop3A_373 : i32 to index
        %parallel_loop3A_377 = arith.constant 0 : index
        %parallel_loop3A_378 = tpu.vector_load %arg7[%parallel_loop3A_375, %parallel_loop3A_376, %parallel_loop3A_377] {strides = array<i32>} : memref<4x400x64xf32, #tpu.memory_space<vmem>>, vector<1x1x16xf32>,
        %parallel_loop3A_379 = vector.shape_cast %parallel_loop3A_378 : vector<1x1x16xf32> to vector<16xf32>
        %parallel_loop3A_380 = arith.constant 8.000000e+00 : f32
        %parallel_loop3A_381 = vector.broadcast %parallel_loop3A_380 : f32 to vector<16xf32>
        %parallel_loop3A_382 = arith.mulf %parallel_loop3A_379, %parallel_loop3A_381 : vector<16xf32>
        %parallel_loop3A_383 = arith.index_cast %parallel_loop3A_271 : i32 to index
        %parallel_loop3A_384 = arith.constant 0 : index
        %parallel_loop3A_385 = tpu.vector_load %arg8[%parallel_loop3A_383, %parallel_loop3A_384] {strides = array<i32>} : memref<200x64xf32, #tpu.memory_space<vmem>>, vector<1x16xf32>,
        %parallel_loop3A_386 = vector.shape_cast %parallel_loop3A_385 : vector<1x16xf32> to vector<16xf32>
        %parallel_loop3A_387 = arith.addf %parallel_loop3A_382, %parallel_loop3A_386 : vector<16xf32>
        %parallel_loop3A_388 = arith.constant 200 : i32
        %parallel_loop3A_389 = arith.addi %parallel_loop3A_388, %parallel_loop3A_271 : i32
        %parallel_loop3A_390 = arith.constant 2 : i32
        %parallel_loop3A_391 = arith.index_cast %parallel_loop3A_390 : i32 to index
        %parallel_loop3A_392 = arith.index_cast %parallel_loop3A_389 : i32 to index
        %parallel_loop3A_393 = arith.constant 0 : index
        %parallel_loop3A_394 = tpu.vector_load %arg7[%parallel_loop3A_391, %parallel_loop3A_392, %parallel_loop3A_393] {strides = array<i32>} : memref<4x400x64xf32, #tpu.memory_space<vmem>>, vector<1x1x16xf32>,
        %parallel_loop3A_395 = vector.shape_cast %parallel_loop3A_394 : vector<1x1x16xf32> to vector<16xf32>
        %parallel_loop3A_396 = vector.shape_cast %parallel_loop3A_387 : vector<16xf32> to vector<1x1x16xf32>
        tpu.vector_store %arg7[%parallel_loop3A_391, %parallel_loop3A_392, %parallel_loop3A_393], %parallel_loop3A_396 {strides = array<i32>} : memref<4x400x64xf32, #tpu.memory_space<vmem>>, vector<1x1x16xf32>,
        %parallel_loop3A_397 = arith.constant 200 : i32
        %parallel_loop3A_398 = arith.addi %parallel_loop3A_397, %parallel_loop3A_271 : i32
        %parallel_loop3A_399 = arith.constant 2 : i32
        %parallel_loop3A_400 = arith.index_cast %parallel_loop3A_399 : i32 to index
        %parallel_loop3A_401 = arith.index_cast %parallel_loop3A_398 : i32 to index
        %parallel_loop3A_402 = arith.constant 16 : index
        %parallel_loop3A_403 = tpu.vector_load %arg7[%parallel_loop3A_400, %parallel_loop3A_401, %parallel_loop3A_402] {strides = array<i32>} : memref<4x400x64xf32, #tpu.memory_space<vmem>>, vector<1x1x16xf32>,
        %parallel_loop3A_404 = vector.shape_cast %parallel_loop3A_403 : vector<1x1x16xf32> to vector<16xf32>
        %parallel_loop3A_405 = arith.constant 8.000000e+00 : f32
        %parallel_loop3A_406 = vector.broadcast %parallel_loop3A_405 : f32 to vector<16xf32>
        %parallel_loop3A_407 = arith.mulf %parallel_loop3A_404, %parallel_loop3A_406 : vector<16xf32>
        %parallel_loop3A_408 = arith.index_cast %parallel_loop3A_271 : i32 to index
        %parallel_loop3A_409 = arith.constant 16 : index
        %parallel_loop3A_410 = tpu.vector_load %arg8[%parallel_loop3A_408, %parallel_loop3A_409] {strides = array<i32>} : memref<200x64xf32, #tpu.memory_space<vmem>>, vector<1x16xf32>,
        %parallel_loop3A_411 = vector.shape_cast %parallel_loop3A_410 : vector<1x16xf32> to vector<16xf32>
        %parallel_loop3A_412 = arith.addf %parallel_loop3A_407, %parallel_loop3A_411 : vector<16xf32>
        %parallel_loop3A_413 = arith.constant 200 : i32
        %parallel_loop3A_414 = arith.addi %parallel_loop3A_413, %parallel_loop3A_271 : i32
        %parallel_loop3A_415 = arith.constant 2 : i32
        %parallel_loop3A_416 = arith.index_cast %parallel_loop3A_415 : i32 to index
        %parallel_loop3A_417 = arith.index_cast %parallel_loop3A_414 : i32 to index
        %parallel_loop3A_418 = arith.constant 16 : index
        %parallel_loop3A_419 = tpu.vector_load %arg7[%parallel_loop3A_416, %parallel_loop3A_417, %parallel_loop3A_418] {strides = array<i32>} : memref<4x400x64xf32, #tpu.memory_space<vmem>>, vector<1x1x16xf32>,
        %parallel_loop3A_420 = vector.shape_cast %parallel_loop3A_419 : vector<1x1x16xf32> to vector<16xf32>
        %parallel_loop3A_421 = vector.shape_cast %parallel_loop3A_412 : vector<16xf32> to vector<1x1x16xf32>
        tpu.vector_store %arg7[%parallel_loop3A_416, %parallel_loop3A_417, %parallel_loop3A_418], %parallel_loop3A_421 {strides = array<i32>} : memref<4x400x64xf32, #tpu.memory_space<vmem>>, vector<1x1x16xf32>,
        %parallel_loop3A_422 = arith.constant 200 : i32
        %parallel_loop3A_423 = arith.addi %parallel_loop3A_422, %parallel_loop3A_271 : i32
        %parallel_loop3A_424 = arith.constant 2 : i32
        %parallel_loop3A_425 = arith.index_cast %parallel_loop3A_424 : i32 to index
        %parallel_loop3A_426 = arith.index_cast %parallel_loop3A_423 : i32 to index
        %parallel_loop3A_427 = arith.constant 32 : index
        %parallel_loop3A_428 = tpu.vector_load %arg7[%parallel_loop3A_425, %parallel_loop3A_426, %parallel_loop3A_427] {strides = array<i32>} : memref<4x400x64xf32, #tpu.memory_space<vmem>>, vector<1x1x16xf32>,
        %parallel_loop3A_429 = vector.shape_cast %parallel_loop3A_428 : vector<1x1x16xf32> to vector<16xf32>
        %parallel_loop3A_430 = arith.constant 8.000000e+00 : f32
        %parallel_loop3A_431 = vector.broadcast %parallel_loop3A_430 : f32 to vector<16xf32>
        %parallel_loop3A_432 = arith.mulf %parallel_loop3A_429, %parallel_loop3A_431 : vector<16xf32>
        %parallel_loop3A_433 = arith.index_cast %parallel_loop3A_271 : i32 to index
        %parallel_loop3A_434 = arith.constant 32 : index
        %parallel_loop3A_435 = tpu.vector_load %arg8[%parallel_loop3A_433, %parallel_loop3A_434] {strides = array<i32>} : memref<200x64xf32, #tpu.memory_space<vmem>>, vector<1x16xf32>,
        %parallel_loop3A_436 = vector.shape_cast %parallel_loop3A_435 : vector<1x16xf32> to vector<16xf32>
        %parallel_loop3A_437 = arith.addf %parallel_loop3A_432, %parallel_loop3A_436 : vector<16xf32>
        %parallel_loop3A_438 = arith.constant 200 : i32
        %parallel_loop3A_439 = arith.addi %parallel_loop3A_438, %parallel_loop3A_271 : i32
        %parallel_loop3A_440 = arith.constant 2 : i32
        %parallel_loop3A_441 = arith.index_cast %parallel_loop3A_440 : i32 to index
        %parallel_loop3A_442 = arith.index_cast %parallel_loop3A_439 : i32 to index
        %parallel_loop3A_443 = arith.constant 32 : index
        %parallel_loop3A_444 = tpu.vector_load %arg7[%parallel_loop3A_441, %parallel_loop3A_442, %parallel_loop3A_443] {strides = array<i32>} : memref<4x400x64xf32, #tpu.memory_space<vmem>>, vector<1x1x16xf32>,
        %parallel_loop3A_445 = vector.shape_cast %parallel_loop3A_444 : vector<1x1x16xf32> to vector<16xf32>
        %parallel_loop3A_446 = vector.shape_cast %parallel_loop3A_437 : vector<16xf32> to vector<1x1x16xf32>
        tpu.vector_store %arg7[%parallel_loop3A_441, %parallel_loop3A_442, %parallel_loop3A_443], %parallel_loop3A_446 {strides = array<i32>} : memref<4x400x64xf32, #tpu.memory_space<vmem>>, vector<1x1x16xf32>,
        %parallel_loop3A_447 = arith.constant 200 : i32
        %parallel_loop3A_448 = arith.addi %parallel_loop3A_447, %parallel_loop3A_271 : i32
        %parallel_loop3A_449 = arith.constant 2 : i32
        %parallel_loop3A_450 = arith.index_cast %parallel_loop3A_449 : i32 to index
        %parallel_loop3A_451 = arith.index_cast %parallel_loop3A_448 : i32 to index
        %parallel_loop3A_452 = arith.constant 48 : index
        %parallel_loop3A_453 = tpu.vector_load %arg7[%parallel_loop3A_450, %parallel_loop3A_451, %parallel_loop3A_452] {strides = array<i32>} : memref<4x400x64xf32, #tpu.memory_space<vmem>>, vector<1x1x16xf32>,
        %parallel_loop3A_454 = vector.shape_cast %parallel_loop3A_453 : vector<1x1x16xf32> to vector<16xf32>
        %parallel_loop3A_455 = arith.constant 8.000000e+00 : f32
        %parallel_loop3A_456 = vector.broadcast %parallel_loop3A_455 : f32 to vector<16xf32>
        %parallel_loop3A_457 = arith.mulf %parallel_loop3A_454, %parallel_loop3A_456 : vector<16xf32>
        %parallel_loop3A_458 = arith.index_cast %parallel_loop3A_271 : i32 to index
        %parallel_loop3A_459 = arith.constant 48 : index
        %parallel_loop3A_460 = tpu.vector_load %arg8[%parallel_loop3A_458, %parallel_loop3A_459] {strides = array<i32>} : memref<200x64xf32, #tpu.memory_space<vmem>>, vector<1x16xf32>,
        %parallel_loop3A_461 = vector.shape_cast %parallel_loop3A_460 : vector<1x16xf32> to vector<16xf32>
        %parallel_loop3A_462 = arith.addf %parallel_loop3A_457, %parallel_loop3A_461 : vector<16xf32>
        %parallel_loop3A_463 = arith.constant 200 : i32
        %parallel_loop3A_464 = arith.addi %parallel_loop3A_463, %parallel_loop3A_271 : i32
        %parallel_loop3A_465 = arith.constant 2 : i32
        %parallel_loop3A_466 = arith.index_cast %parallel_loop3A_465 : i32 to index
        %parallel_loop3A_467 = arith.index_cast %parallel_loop3A_464 : i32 to index
        %parallel_loop3A_468 = arith.constant 48 : index
        %parallel_loop3A_469 = tpu.vector_load %arg7[%parallel_loop3A_466, %parallel_loop3A_467, %parallel_loop3A_468] {strides = array<i32>} : memref<4x400x64xf32, #tpu.memory_space<vmem>>, vector<1x1x16xf32>,
        %parallel_loop3A_470 = vector.shape_cast %parallel_loop3A_469 : vector<1x1x16xf32> to vector<16xf32>
        %parallel_loop3A_471 = vector.shape_cast %parallel_loop3A_462 : vector<16xf32> to vector<1x1x16xf32>
        tpu.vector_store %arg7[%parallel_loop3A_466, %parallel_loop3A_467, %parallel_loop3A_468], %parallel_loop3A_471 {strides = array<i32>} : memref<4x400x64xf32, #tpu.memory_space<vmem>>, vector<1x1x16xf32>,
      } {sc.loop_unroll_factor = 4 : i64, sc.parallel_access}
      %add3A_202 = arith.addi %mul3A_2, %add3A_186 : i32
      %dma_start3A_203 = arith.constant 2 : i32
      %dma_start3A_204 = arith.constant 0 : i32
      %dma_start3A_205 = arith.constant 0 : i32
      %dma_start3A_206 = tpu.memref_slice %arg7[%dma_start3A_203, %dma_start3A_204, %dma_start3A_205] : memref<4x400x64xf32, #tpu.memory_space<vmem>> -> memref<1x400x64xf32, #tpu.memory_space<vmem>>
      %dma_start3A_207 = tpu.memref_squeeze %dma_start3A_206 : memref<1x400x64xf32, #tpu.memory_space<vmem>> -> memref<400x64xf32, #tpu.memory_space<vmem>>
      %dma_start3A_208 = arith.constant 0 : i32
      %dma_start3A_209 = arith.constant 0 : i32
      %dma_start3A_210 = tpu.memref_slice %arg5[%add3A_202, %dma_start3A_208, %dma_start3A_209] : memref<512x400x64xf32, #tpu.memory_space<hbm>> -> memref<1x400x64xf32, #tpu.memory_space<hbm>>
      %dma_start3A_211 = tpu.memref_squeeze %dma_start3A_210 : memref<1x400x64xf32, #tpu.memory_space<hbm>> -> memref<400x64xf32, #tpu.memory_space<hbm>>
      %dma_start3A_212 = arith.constant 0 : i32
      %dma_start3A_213 = arith.constant 0 : i32
      %dma_start3A_214 = tpu.memref_slice %arg5[%add3A_202, %dma_start3A_212, %dma_start3A_213] : memref<512x400x64xf32, #tpu.memory_space<hbm>> -> memref<1x400x64xf32, #tpu.memory_space<hbm>>
      %dma_start3A_215 = tpu.memref_squeeze %dma_start3A_214 : memref<1x400x64xf32, #tpu.memory_space<hbm>> -> memref<400x64xf32, #tpu.memory_space<hbm>>
      %dma_start3A_216 = arith.constant 0 : i32
      %dma_start3A_217 = arith.constant 0 : i32
      %dma_start3A_218 = tpu.memref_slice %arg7[%dma_start3A_203, %dma_start3A_216, %dma_start3A_217] : memref<4x400x64xf32, #tpu.memory_space<vmem>> -> memref<1x400x64xf32, #tpu.memory_space<vmem>>
      %dma_start3A_219 = tpu.memref_squeeze %dma_start3A_218 : memref<1x400x64xf32, #tpu.memory_space<vmem>> -> memref<400x64xf32, #tpu.memory_space<vmem>>
      tpu.enqueue_dma source(%dma_start3A_219 : memref<400x64xf32, #tpu.memory_space<vmem>>) target(%dma_start3A_215 : memref<400x64xf32, #tpu.memory_space<hbm>>) target_semaphore(%arg15 : memref<!tpu.dma_semaphore, #tpu.memory_space<semaphore_mem>>)
      %add3A_220 = arith.constant 2 : i32
      %add3A_221 = arith.addi %add3A_186, %add3A_220 : i32
      %lt3A_222 = arith.constant 16 : i32
      %lt3A_223 = arith.cmpi slt, %add3A_221, %lt3A_222 : i32
      %convert_element_type3A_224 = arith.extui %lt3A_223 : i1 to i32
      %cond3A_225 = arith.constant 0 : i32
      %cond3A_226 = arith.cmpi ne, %convert_element_type3A_224, %cond3A_225 : i32
      scf.if %cond3A_226 {
        %ge3A = arith.constant 2 : i32
        %ge3A_271 = arith.cmpi sge, %add3A_186, %ge3A : i32
        %convert_element_type3A_272 = arith.extui %ge3A_271 : i1 to i32
        %cond3A_273 = arith.constant 0 : i32
        %cond3A_274 = arith.cmpi ne, %convert_element_type3A_272, %cond3A_273 : i32
        scf.if %cond3A_274 {
          %dma_wait3A_288 = arith.constant 0 : i32
          %dma_wait3A_289 = arith.constant 0 : i32
          %dma_wait3A_290 = arith.constant 0 : i32
          %dma_wait3A_291 = tpu.memref_slice %arg7[%dma_wait3A_288, %dma_wait3A_289, %dma_wait3A_290] : memref<4x400x64xf32, #tpu.memory_space<vmem>> -> memref<1x400x64xf32, #tpu.memory_space<vmem>>
          %dma_wait3A_292 = tpu.memref_squeeze %dma_wait3A_291 : memref<1x400x64xf32, #tpu.memory_space<vmem>> -> memref<400x64xf32, #tpu.memory_space<vmem>>
          %dma_wait3A_293 = arith.constant 0 : i32
          %dma_wait3A_294 = arith.constant 0 : i32
          %dma_wait3A_295 = tpu.memref_slice %arg5[%mul3A_2, %dma_wait3A_293, %dma_wait3A_294] : memref<512x400x64xf32, #tpu.memory_space<hbm>> -> memref<1x400x64xf32, #tpu.memory_space<hbm>>
          %dma_wait3A_296 = tpu.memref_squeeze %dma_wait3A_295 : memref<1x400x64xf32, #tpu.memory_space<hbm>> -> memref<400x64xf32, #tpu.memory_space<hbm>>
          %dma_wait3A_297 = arith.constant 0 : i32
          %dma_wait3A_298 = arith.constant 0 : i32
          %dma_wait3A_299 = tpu.memref_slice %arg5[%mul3A_2, %dma_wait3A_297, %dma_wait3A_298] : memref<512x400x64xf32, #tpu.memory_space<hbm>> -> memref<1x400x64xf32, #tpu.memory_space<hbm>>
          %dma_wait3A_300 = tpu.memref_squeeze %dma_wait3A_299 : memref<1x400x64xf32, #tpu.memory_space<hbm>> -> memref<400x64xf32, #tpu.memory_space<hbm>>
          %dma_wait3A_301 = arith.constant 0 : i32
          %dma_wait3A_302 = arith.constant 0 : i32
          %dma_wait3A_303 = tpu.memref_slice %arg7[%dma_wait3A_288, %dma_wait3A_301, %dma_wait3A_302] : memref<4x400x64xf32, #tpu.memory_space<vmem>> -> memref<1x400x64xf32, #tpu.memory_space<vmem>>
          %dma_wait3A_304 = tpu.memref_squeeze %dma_wait3A_303 : memref<1x400x64xf32, #tpu.memory_space<vmem>> -> memref<400x64xf32, #tpu.memory_space<vmem>>
          tpu.wait_dma2 semaphore(%arg13 : memref<!tpu.dma_semaphore, #tpu.memory_space<semaphore_mem>>) src(%dma_wait3A_304 : memref<400x64xf32, #tpu.memory_space<vmem>>) dst(%dma_wait3A_300 : memref<400x64xf32, #tpu.memory_space<hbm>>)
        } else {
        }
        %add3A_275 = arith.constant 2 : i32
        %add3A_276 = arith.addi %add3A_186, %add3A_275 : i32
        %dma_start3A_277 = arith.constant 0 : i32
        %dma_start3A_278 = arith.constant 0 : i32
        %dma_start3A_279 = arith.constant 0 : i32
        %dma_start3A_280 = tpu.memref_slice %arg7[%dma_start3A_277, %dma_start3A_278, %dma_start3A_279] : memref<4x400x64xf32, #tpu.memory_space<vmem>> -> memref<1x400x64xf32, #tpu.memory_space<vmem>>
        %dma_start3A_281 = tpu.memref_squeeze %dma_start3A_280 : memref<1x400x64xf32, #tpu.memory_space<vmem>> -> memref<400x64xf32, #tpu.memory_space<vmem>>
        %dma_start3A_282 = arith.constant 0 : i32
        %dma_start3A_283 = tpu.memref_slice %arg6[%add3A_276, %dma_start3A_282] : memref<16x400xi32, #tpu.memory_space<vmem>> -> memref<1x400xi32, #tpu.memory_space<vmem>>
        %dma_start3A_284 = tpu.memref_squeeze %dma_start3A_283 : memref<1x400xi32, #tpu.memory_space<vmem>> -> memref<400xi32, #tpu.memory_space<vmem>>
        %dma_start3A_285 = arith.constant 0 : i32
        %dma_start3A_286 = arith.constant 0 : i32
        %dma_start3A_287 = tpu.memref_slice %arg4[%dma_start3A_285, %dma_start3A_286] : memref<100000x64xf32, #tpu.memory_space<hbm>> -> memref<100000x64xf32, #tpu.memory_space<hbm>>
        tpu.enqueue_indirect_dma source(%dma_start3A_287 : memref<100000x64xf32, #tpu.memory_space<hbm>>) target(%dma_start3A_281 : memref<400x64xf32, #tpu.memory_space<vmem>>) offsets(%dma_start3A_284 : memref<400xi32, #tpu.memory_space<vmem>>) semaphore(%arg9 : memref<!tpu.dma_semaphore, #tpu.memory_space<semaphore_mem>>)
      } else {
      }
      %mul3A_227 = arith.constant 4 : i32
      %mul3A_228 = arith.muli %scan3A_98, %mul3A_227 : i32
      %add3A_229 = arith.constant 3 : i32
      %add3A_230 = arith.addi %mul3A_228, %add3A_229 : i32
      %dma_wait3A_231 = arith.constant 0 : i32
      %dma_wait3A_232 = arith.constant 3 : i32
      %dma_wait3A_233 = arith.constant 0 : i32
      %dma_wait3A_234 = arith.constant 0 : i32
      %dma_wait3A_235 = tpu.memref_slice %arg7[%dma_wait3A_232, %dma_wait3A_233, %dma_wait3A_234] : memref<4x400x64xf32, #tpu.memory_space<vmem>> -> memref<1x400x64xf32, #tpu.memory_space<vmem>>
      %dma_wait3A_236 = tpu.memref_squeeze %dma_wait3A_235 : memref<1x400x64xf32, #tpu.memory_space<vmem>> -> memref<400x64xf32, #tpu.memory_space<vmem>>
      %dma_wait3A_237 = arith.constant 0 : i32
      %dma_wait3A_238 = tpu.memref_slice %arg6[%dma_wait3A_231, %dma_wait3A_237] : memref<16x400xi32, #tpu.memory_space<vmem>> -> memref<1x400xi32, #tpu.memory_space<vmem>>
      %dma_wait3A_239 = tpu.memref_squeeze %dma_wait3A_238 : memref<1x400xi32, #tpu.memory_space<vmem>> -> memref<400xi32, #tpu.memory_space<vmem>>
      %dma_wait3A_240 = arith.constant 0 : i32
      %dma_wait3A_241 = arith.constant 0 : i32
      %dma_wait3A_242 = tpu.memref_slice %arg4[%dma_wait3A_240, %dma_wait3A_241] : memref<100000x64xf32, #tpu.memory_space<hbm>> -> memref<100000x64xf32, #tpu.memory_space<hbm>>
      tpu.wait_indirect_dma semaphore(%arg12 : memref<!tpu.dma_semaphore, #tpu.memory_space<semaphore_mem>>) src(%dma_wait3A_242 : memref<100000x64xf32, #tpu.memory_space<hbm>>) dst(%dma_wait3A_236 : memref<400x64xf32, #tpu.memory_space<vmem>>)
      %parallel_loop3A_243 = arith.constant 0 : i32
      %parallel_loop3A_244 = arith.constant 200 : i32
      %parallel_loop3A_245 = arith.constant 1 : i32
      scf.for %parallel_loop3A_271 = %parallel_loop3A_243 to %parallel_loop3A_244 step %parallel_loop3A_245  : i32 {
        %parallel_loop3A_272 = arith.constant 0 : i32
        %parallel_loop3A_273 = arith.addi %parallel_loop3A_272, %parallel_loop3A_271 : i32
        %parallel_loop3A_274 = arith.constant 3 : i32
        %parallel_loop3A_275 = arith.index_cast %parallel_loop3A_274 : i32 to index
        %parallel_loop3A_276 = arith.index_cast %parallel_loop3A_273 : i32 to index
        %parallel_loop3A_277 = arith.constant 0 : index
        %parallel_loop3A_278 = tpu.vector_load %arg7[%parallel_loop3A_275, %parallel_loop3A_276, %parallel_loop3A_277] {strides = array<i32>} : memref<4x400x64xf32, #tpu.memory_space<vmem>>, vector<1x1x16xf32>,
        %parallel_loop3A_279 = vector.shape_cast %parallel_loop3A_278 : vector<1x1x16xf32> to vector<16xf32>
        %parallel_loop3A_280 = arith.constant 8.000000e+00 : f32
        %parallel_loop3A_281 = vector.broadcast %parallel_loop3A_280 : f32 to vector<16xf32>
        %parallel_loop3A_282 = arith.mulf %parallel_loop3A_279, %parallel_loop3A_281 : vector<16xf32>
        %parallel_loop3A_283 = arith.index_cast %parallel_loop3A_271 : i32 to index
        %parallel_loop3A_284 = arith.constant 0 : index
        %parallel_loop3A_285 = tpu.vector_load %arg8[%parallel_loop3A_283, %parallel_loop3A_284] {strides = array<i32>} : memref<200x64xf32, #tpu.memory_space<vmem>>, vector<1x16xf32>,
        %parallel_loop3A_286 = vector.shape_cast %parallel_loop3A_285 : vector<1x16xf32> to vector<16xf32>
        %parallel_loop3A_287 = arith.addf %parallel_loop3A_282, %parallel_loop3A_286 : vector<16xf32>
        %parallel_loop3A_288 = arith.constant 0 : i32
        %parallel_loop3A_289 = arith.addi %parallel_loop3A_288, %parallel_loop3A_271 : i32
        %parallel_loop3A_290 = arith.constant 3 : i32
        %parallel_loop3A_291 = arith.index_cast %parallel_loop3A_290 : i32 to index
        %parallel_loop3A_292 = arith.index_cast %parallel_loop3A_289 : i32 to index
        %parallel_loop3A_293 = arith.constant 0 : index
        %parallel_loop3A_294 = tpu.vector_load %arg7[%parallel_loop3A_291, %parallel_loop3A_292, %parallel_loop3A_293] {strides = array<i32>} : memref<4x400x64xf32, #tpu.memory_space<vmem>>, vector<1x1x16xf32>,
        %parallel_loop3A_295 = vector.shape_cast %parallel_loop3A_294 : vector<1x1x16xf32> to vector<16xf32>
        %parallel_loop3A_296 = vector.shape_cast %parallel_loop3A_287 : vector<16xf32> to vector<1x1x16xf32>
        tpu.vector_store %arg7[%parallel_loop3A_291, %parallel_loop3A_292, %parallel_loop3A_293], %parallel_loop3A_296 {strides = array<i32>} : memref<4x400x64xf32, #tpu.memory_space<vmem>>, vector<1x1x16xf32>,
        %parallel_loop3A_297 = arith.constant 0 : i32
        %parallel_loop3A_298 = arith.addi %parallel_loop3A_297, %parallel_loop3A_271 : i32
        %parallel_loop3A_299 = arith.constant 3 : i32
        %parallel_loop3A_300 = arith.index_cast %parallel_loop3A_299 : i32 to index
        %parallel_loop3A_301 = arith.index_cast %parallel_loop3A_298 : i32 to index
        %parallel_loop3A_302 = arith.constant 16 : index
        %parallel_loop3A_303 = tpu.vector_load %arg7[%parallel_loop3A_300, %parallel_loop3A_301, %parallel_loop3A_302] {strides = array<i32>} : memref<4x400x64xf32, #tpu.memory_space<vmem>>, vector<1x1x16xf32>,
        %parallel_loop3A_304 = vector.shape_cast %parallel_loop3A_303 : vector<1x1x16xf32> to vector<16xf32>
        %parallel_loop3A_305 = arith.constant 8.000000e+00 : f32
        %parallel_loop3A_306 = vector.broadcast %parallel_loop3A_305 : f32 to vector<16xf32>
        %parallel_loop3A_307 = arith.mulf %parallel_loop3A_304, %parallel_loop3A_306 : vector<16xf32>
        %parallel_loop3A_308 = arith.index_cast %parallel_loop3A_271 : i32 to index
        %parallel_loop3A_309 = arith.constant 16 : index
        %parallel_loop3A_310 = tpu.vector_load %arg8[%parallel_loop3A_308, %parallel_loop3A_309] {strides = array<i32>} : memref<200x64xf32, #tpu.memory_space<vmem>>, vector<1x16xf32>,
        %parallel_loop3A_311 = vector.shape_cast %parallel_loop3A_310 : vector<1x16xf32> to vector<16xf32>
        %parallel_loop3A_312 = arith.addf %parallel_loop3A_307, %parallel_loop3A_311 : vector<16xf32>
        %parallel_loop3A_313 = arith.constant 0 : i32
        %parallel_loop3A_314 = arith.addi %parallel_loop3A_313, %parallel_loop3A_271 : i32
        %parallel_loop3A_315 = arith.constant 3 : i32
        %parallel_loop3A_316 = arith.index_cast %parallel_loop3A_315 : i32 to index
        %parallel_loop3A_317 = arith.index_cast %parallel_loop3A_314 : i32 to index
        %parallel_loop3A_318 = arith.constant 16 : index
        %parallel_loop3A_319 = tpu.vector_load %arg7[%parallel_loop3A_316, %parallel_loop3A_317, %parallel_loop3A_318] {strides = array<i32>} : memref<4x400x64xf32, #tpu.memory_space<vmem>>, vector<1x1x16xf32>,
        %parallel_loop3A_320 = vector.shape_cast %parallel_loop3A_319 : vector<1x1x16xf32> to vector<16xf32>
        %parallel_loop3A_321 = vector.shape_cast %parallel_loop3A_312 : vector<16xf32> to vector<1x1x16xf32>
        tpu.vector_store %arg7[%parallel_loop3A_316, %parallel_loop3A_317, %parallel_loop3A_318], %parallel_loop3A_321 {strides = array<i32>} : memref<4x400x64xf32, #tpu.memory_space<vmem>>, vector<1x1x16xf32>,
        %parallel_loop3A_322 = arith.constant 0 : i32
        %parallel_loop3A_323 = arith.addi %parallel_loop3A_322, %parallel_loop3A_271 : i32
        %parallel_loop3A_324 = arith.constant 3 : i32
        %parallel_loop3A_325 = arith.index_cast %parallel_loop3A_324 : i32 to index
        %parallel_loop3A_326 = arith.index_cast %parallel_loop3A_323 : i32 to index
        %parallel_loop3A_327 = arith.constant 32 : index
        %parallel_loop3A_328 = tpu.vector_load %arg7[%parallel_loop3A_325, %parallel_loop3A_326, %parallel_loop3A_327] {strides = array<i32>} : memref<4x400x64xf32, #tpu.memory_space<vmem>>, vector<1x1x16xf32>,
        %parallel_loop3A_329 = vector.shape_cast %parallel_loop3A_328 : vector<1x1x16xf32> to vector<16xf32>
        %parallel_loop3A_330 = arith.constant 8.000000e+00 : f32
        %parallel_loop3A_331 = vector.broadcast %parallel_loop3A_330 : f32 to vector<16xf32>
        %parallel_loop3A_332 = arith.mulf %parallel_loop3A_329, %parallel_loop3A_331 : vector<16xf32>
        %parallel_loop3A_333 = arith.index_cast %parallel_loop3A_271 : i32 to index
        %parallel_loop3A_334 = arith.constant 32 : index
        %parallel_loop3A_335 = tpu.vector_load %arg8[%parallel_loop3A_333, %parallel_loop3A_334] {strides = array<i32>} : memref<200x64xf32, #tpu.memory_space<vmem>>, vector<1x16xf32>,
        %parallel_loop3A_336 = vector.shape_cast %parallel_loop3A_335 : vector<1x16xf32> to vector<16xf32>
        %parallel_loop3A_337 = arith.addf %parallel_loop3A_332, %parallel_loop3A_336 : vector<16xf32>
        %parallel_loop3A_338 = arith.constant 0 : i32
        %parallel_loop3A_339 = arith.addi %parallel_loop3A_338, %parallel_loop3A_271 : i32
        %parallel_loop3A_340 = arith.constant 3 : i32
        %parallel_loop3A_341 = arith.index_cast %parallel_loop3A_340 : i32 to index
        %parallel_loop3A_342 = arith.index_cast %parallel_loop3A_339 : i32 to index
        %parallel_loop3A_343 = arith.constant 32 : index
        %parallel_loop3A_344 = tpu.vector_load %arg7[%parallel_loop3A_341, %parallel_loop3A_342, %parallel_loop3A_343] {strides = array<i32>} : memref<4x400x64xf32, #tpu.memory_space<vmem>>, vector<1x1x16xf32>,
        %parallel_loop3A_345 = vector.shape_cast %parallel_loop3A_344 : vector<1x1x16xf32> to vector<16xf32>
        %parallel_loop3A_346 = vector.shape_cast %parallel_loop3A_337 : vector<16xf32> to vector<1x1x16xf32>
        tpu.vector_store %arg7[%parallel_loop3A_341, %parallel_loop3A_342, %parallel_loop3A_343], %parallel_loop3A_346 {strides = array<i32>} : memref<4x400x64xf32, #tpu.memory_space<vmem>>, vector<1x1x16xf32>,
        %parallel_loop3A_347 = arith.constant 0 : i32
        %parallel_loop3A_348 = arith.addi %parallel_loop3A_347, %parallel_loop3A_271 : i32
        %parallel_loop3A_349 = arith.constant 3 : i32
        %parallel_loop3A_350 = arith.index_cast %parallel_loop3A_349 : i32 to index
        %parallel_loop3A_351 = arith.index_cast %parallel_loop3A_348 : i32 to index
        %parallel_loop3A_352 = arith.constant 48 : index
        %parallel_loop3A_353 = tpu.vector_load %arg7[%parallel_loop3A_350, %parallel_loop3A_351, %parallel_loop3A_352] {strides = array<i32>} : memref<4x400x64xf32, #tpu.memory_space<vmem>>, vector<1x1x16xf32>,
        %parallel_loop3A_354 = vector.shape_cast %parallel_loop3A_353 : vector<1x1x16xf32> to vector<16xf32>
        %parallel_loop3A_355 = arith.constant 8.000000e+00 : f32
        %parallel_loop3A_356 = vector.broadcast %parallel_loop3A_355 : f32 to vector<16xf32>
        %parallel_loop3A_357 = arith.mulf %parallel_loop3A_354, %parallel_loop3A_356 : vector<16xf32>
        %parallel_loop3A_358 = arith.index_cast %parallel_loop3A_271 : i32 to index
        %parallel_loop3A_359 = arith.constant 48 : index
        %parallel_loop3A_360 = tpu.vector_load %arg8[%parallel_loop3A_358, %parallel_loop3A_359] {strides = array<i32>} : memref<200x64xf32, #tpu.memory_space<vmem>>, vector<1x16xf32>,
        %parallel_loop3A_361 = vector.shape_cast %parallel_loop3A_360 : vector<1x16xf32> to vector<16xf32>
        %parallel_loop3A_362 = arith.addf %parallel_loop3A_357, %parallel_loop3A_361 : vector<16xf32>
        %parallel_loop3A_363 = arith.constant 0 : i32
        %parallel_loop3A_364 = arith.addi %parallel_loop3A_363, %parallel_loop3A_271 : i32
        %parallel_loop3A_365 = arith.constant 3 : i32
        %parallel_loop3A_366 = arith.index_cast %parallel_loop3A_365 : i32 to index
        %parallel_loop3A_367 = arith.index_cast %parallel_loop3A_364 : i32 to index
        %parallel_loop3A_368 = arith.constant 48 : index
        %parallel_loop3A_369 = tpu.vector_load %arg7[%parallel_loop3A_366, %parallel_loop3A_367, %parallel_loop3A_368] {strides = array<i32>} : memref<4x400x64xf32, #tpu.memory_space<vmem>>, vector<1x1x16xf32>,
        %parallel_loop3A_370 = vector.shape_cast %parallel_loop3A_369 : vector<1x1x16xf32> to vector<16xf32>
        %parallel_loop3A_371 = vector.shape_cast %parallel_loop3A_362 : vector<16xf32> to vector<1x1x16xf32>
        tpu.vector_store %arg7[%parallel_loop3A_366, %parallel_loop3A_367, %parallel_loop3A_368], %parallel_loop3A_371 {strides = array<i32>} : memref<4x400x64xf32, #tpu.memory_space<vmem>>, vector<1x1x16xf32>,
        %parallel_loop3A_372 = arith.constant 200 : i32
        %parallel_loop3A_373 = arith.addi %parallel_loop3A_372, %parallel_loop3A_271 : i32
        %parallel_loop3A_374 = arith.constant 3 : i32
        %parallel_loop3A_375 = arith.index_cast %parallel_loop3A_374 : i32 to index
        %parallel_loop3A_376 = arith.index_cast %parallel_loop3A_373 : i32 to index
        %parallel_loop3A_377 = arith.constant 0 : index
        %parallel_loop3A_378 = tpu.vector_load %arg7[%parallel_loop3A_375, %parallel_loop3A_376, %parallel_loop3A_377] {strides = array<i32>} : memref<4x400x64xf32, #tpu.memory_space<vmem>>, vector<1x1x16xf32>,
        %parallel_loop3A_379 = vector.shape_cast %parallel_loop3A_378 : vector<1x1x16xf32> to vector<16xf32>
        %parallel_loop3A_380 = arith.constant 8.000000e+00 : f32
        %parallel_loop3A_381 = vector.broadcast %parallel_loop3A_380 : f32 to vector<16xf32>
        %parallel_loop3A_382 = arith.mulf %parallel_loop3A_379, %parallel_loop3A_381 : vector<16xf32>
        %parallel_loop3A_383 = arith.index_cast %parallel_loop3A_271 : i32 to index
        %parallel_loop3A_384 = arith.constant 0 : index
        %parallel_loop3A_385 = tpu.vector_load %arg8[%parallel_loop3A_383, %parallel_loop3A_384] {strides = array<i32>} : memref<200x64xf32, #tpu.memory_space<vmem>>, vector<1x16xf32>,
        %parallel_loop3A_386 = vector.shape_cast %parallel_loop3A_385 : vector<1x16xf32> to vector<16xf32>
        %parallel_loop3A_387 = arith.addf %parallel_loop3A_382, %parallel_loop3A_386 : vector<16xf32>
        %parallel_loop3A_388 = arith.constant 200 : i32
        %parallel_loop3A_389 = arith.addi %parallel_loop3A_388, %parallel_loop3A_271 : i32
        %parallel_loop3A_390 = arith.constant 3 : i32
        %parallel_loop3A_391 = arith.index_cast %parallel_loop3A_390 : i32 to index
        %parallel_loop3A_392 = arith.index_cast %parallel_loop3A_389 : i32 to index
        %parallel_loop3A_393 = arith.constant 0 : index
        %parallel_loop3A_394 = tpu.vector_load %arg7[%parallel_loop3A_391, %parallel_loop3A_392, %parallel_loop3A_393] {strides = array<i32>} : memref<4x400x64xf32, #tpu.memory_space<vmem>>, vector<1x1x16xf32>,
        %parallel_loop3A_395 = vector.shape_cast %parallel_loop3A_394 : vector<1x1x16xf32> to vector<16xf32>
        %parallel_loop3A_396 = vector.shape_cast %parallel_loop3A_387 : vector<16xf32> to vector<1x1x16xf32>
        tpu.vector_store %arg7[%parallel_loop3A_391, %parallel_loop3A_392, %parallel_loop3A_393], %parallel_loop3A_396 {strides = array<i32>} : memref<4x400x64xf32, #tpu.memory_space<vmem>>, vector<1x1x16xf32>,
        %parallel_loop3A_397 = arith.constant 200 : i32
        %parallel_loop3A_398 = arith.addi %parallel_loop3A_397, %parallel_loop3A_271 : i32
        %parallel_loop3A_399 = arith.constant 3 : i32
        %parallel_loop3A_400 = arith.index_cast %parallel_loop3A_399 : i32 to index
        %parallel_loop3A_401 = arith.index_cast %parallel_loop3A_398 : i32 to index
        %parallel_loop3A_402 = arith.constant 16 : index
        %parallel_loop3A_403 = tpu.vector_load %arg7[%parallel_loop3A_400, %parallel_loop3A_401, %parallel_loop3A_402] {strides = array<i32>} : memref<4x400x64xf32, #tpu.memory_space<vmem>>, vector<1x1x16xf32>,
        %parallel_loop3A_404 = vector.shape_cast %parallel_loop3A_403 : vector<1x1x16xf32> to vector<16xf32>
        %parallel_loop3A_405 = arith.constant 8.000000e+00 : f32
        %parallel_loop3A_406 = vector.broadcast %parallel_loop3A_405 : f32 to vector<16xf32>
        %parallel_loop3A_407 = arith.mulf %parallel_loop3A_404, %parallel_loop3A_406 : vector<16xf32>
        %parallel_loop3A_408 = arith.index_cast %parallel_loop3A_271 : i32 to index
        %parallel_loop3A_409 = arith.constant 16 : index
        %parallel_loop3A_410 = tpu.vector_load %arg8[%parallel_loop3A_408, %parallel_loop3A_409] {strides = array<i32>} : memref<200x64xf32, #tpu.memory_space<vmem>>, vector<1x16xf32>,
        %parallel_loop3A_411 = vector.shape_cast %parallel_loop3A_410 : vector<1x16xf32> to vector<16xf32>
        %parallel_loop3A_412 = arith.addf %parallel_loop3A_407, %parallel_loop3A_411 : vector<16xf32>
        %parallel_loop3A_413 = arith.constant 200 : i32
        %parallel_loop3A_414 = arith.addi %parallel_loop3A_413, %parallel_loop3A_271 : i32
        %parallel_loop3A_415 = arith.constant 3 : i32
        %parallel_loop3A_416 = arith.index_cast %parallel_loop3A_415 : i32 to index
        %parallel_loop3A_417 = arith.index_cast %parallel_loop3A_414 : i32 to index
        %parallel_loop3A_418 = arith.constant 16 : index
        %parallel_loop3A_419 = tpu.vector_load %arg7[%parallel_loop3A_416, %parallel_loop3A_417, %parallel_loop3A_418] {strides = array<i32>} : memref<4x400x64xf32, #tpu.memory_space<vmem>>, vector<1x1x16xf32>,
        %parallel_loop3A_420 = vector.shape_cast %parallel_loop3A_419 : vector<1x1x16xf32> to vector<16xf32>
        %parallel_loop3A_421 = vector.shape_cast %parallel_loop3A_412 : vector<16xf32> to vector<1x1x16xf32>
        tpu.vector_store %arg7[%parallel_loop3A_416, %parallel_loop3A_417, %parallel_loop3A_418], %parallel_loop3A_421 {strides = array<i32>} : memref<4x400x64xf32, #tpu.memory_space<vmem>>, vector<1x1x16xf32>,
        %parallel_loop3A_422 = arith.constant 200 : i32
        %parallel_loop3A_423 = arith.addi %parallel_loop3A_422, %parallel_loop3A_271 : i32
        %parallel_loop3A_424 = arith.constant 3 : i32
        %parallel_loop3A_425 = arith.index_cast %parallel_loop3A_424 : i32 to index
        %parallel_loop3A_426 = arith.index_cast %parallel_loop3A_423 : i32 to index
        %parallel_loop3A_427 = arith.constant 32 : index
        %parallel_loop3A_428 = tpu.vector_load %arg7[%parallel_loop3A_425, %parallel_loop3A_426, %parallel_loop3A_427] {strides = array<i32>} : memref<4x400x64xf32, #tpu.memory_space<vmem>>, vector<1x1x16xf32>,
        %parallel_loop3A_429 = vector.shape_cast %parallel_loop3A_428 : vector<1x1x16xf32> to vector<16xf32>
        %parallel_loop3A_430 = arith.constant 8.000000e+00 : f32
        %parallel_loop3A_431 = vector.broadcast %parallel_loop3A_430 : f32 to vector<16xf32>
        %parallel_loop3A_432 = arith.mulf %parallel_loop3A_429, %parallel_loop3A_431 : vector<16xf32>
        %parallel_loop3A_433 = arith.index_cast %parallel_loop3A_271 : i32 to index
        %parallel_loop3A_434 = arith.constant 32 : index
        %parallel_loop3A_435 = tpu.vector_load %arg8[%parallel_loop3A_433, %parallel_loop3A_434] {strides = array<i32>} : memref<200x64xf32, #tpu.memory_space<vmem>>, vector<1x16xf32>,
        %parallel_loop3A_436 = vector.shape_cast %parallel_loop3A_435 : vector<1x16xf32> to vector<16xf32>
        %parallel_loop3A_437 = arith.addf %parallel_loop3A_432, %parallel_loop3A_436 : vector<16xf32>
        %parallel_loop3A_438 = arith.constant 200 : i32
        %parallel_loop3A_439 = arith.addi %parallel_loop3A_438, %parallel_loop3A_271 : i32
        %parallel_loop3A_440 = arith.constant 3 : i32
        %parallel_loop3A_441 = arith.index_cast %parallel_loop3A_440 : i32 to index
        %parallel_loop3A_442 = arith.index_cast %parallel_loop3A_439 : i32 to index
        %parallel_loop3A_443 = arith.constant 32 : index
        %parallel_loop3A_444 = tpu.vector_load %arg7[%parallel_loop3A_441, %parallel_loop3A_442, %parallel_loop3A_443] {strides = array<i32>} : memref<4x400x64xf32, #tpu.memory_space<vmem>>, vector<1x1x16xf32>,
        %parallel_loop3A_445 = vector.shape_cast %parallel_loop3A_444 : vector<1x1x16xf32> to vector<16xf32>
        %parallel_loop3A_446 = vector.shape_cast %parallel_loop3A_437 : vector<16xf32> to vector<1x1x16xf32>
        tpu.vector_store %arg7[%parallel_loop3A_441, %parallel_loop3A_442, %parallel_loop3A_443], %parallel_loop3A_446 {strides = array<i32>} : memref<4x400x64xf32, #tpu.memory_space<vmem>>, vector<1x1x16xf32>,
        %parallel_loop3A_447 = arith.constant 200 : i32
        %parallel_loop3A_448 = arith.addi %parallel_loop3A_447, %parallel_loop3A_271 : i32
        %parallel_loop3A_449 = arith.constant 3 : i32
        %parallel_loop3A_450 = arith.index_cast %parallel_loop3A_449 : i32 to index
        %parallel_loop3A_451 = arith.index_cast %parallel_loop3A_448 : i32 to index
        %parallel_loop3A_452 = arith.constant 48 : index
        %parallel_loop3A_453 = tpu.vector_load %arg7[%parallel_loop3A_450, %parallel_loop3A_451, %parallel_loop3A_452] {strides = array<i32>} : memref<4x400x64xf32, #tpu.memory_space<vmem>>, vector<1x1x16xf32>,
        %parallel_loop3A_454 = vector.shape_cast %parallel_loop3A_453 : vector<1x1x16xf32> to vector<16xf32>
        %parallel_loop3A_455 = arith.constant 8.000000e+00 : f32
        %parallel_loop3A_456 = vector.broadcast %parallel_loop3A_455 : f32 to vector<16xf32>
        %parallel_loop3A_457 = arith.mulf %parallel_loop3A_454, %parallel_loop3A_456 : vector<16xf32>
        %parallel_loop3A_458 = arith.index_cast %parallel_loop3A_271 : i32 to index
        %parallel_loop3A_459 = arith.constant 48 : index
        %parallel_loop3A_460 = tpu.vector_load %arg8[%parallel_loop3A_458, %parallel_loop3A_459] {strides = array<i32>} : memref<200x64xf32, #tpu.memory_space<vmem>>, vector<1x16xf32>,
        %parallel_loop3A_461 = vector.shape_cast %parallel_loop3A_460 : vector<1x16xf32> to vector<16xf32>
        %parallel_loop3A_462 = arith.addf %parallel_loop3A_457, %parallel_loop3A_461 : vector<16xf32>
        %parallel_loop3A_463 = arith.constant 200 : i32
        %parallel_loop3A_464 = arith.addi %parallel_loop3A_463, %parallel_loop3A_271 : i32
        %parallel_loop3A_465 = arith.constant 3 : i32
        %parallel_loop3A_466 = arith.index_cast %parallel_loop3A_465 : i32 to index
        %parallel_loop3A_467 = arith.index_cast %parallel_loop3A_464 : i32 to index
        %parallel_loop3A_468 = arith.constant 48 : index
        %parallel_loop3A_469 = tpu.vector_load %arg7[%parallel_loop3A_466, %parallel_loop3A_467, %parallel_loop3A_468] {strides = array<i32>} : memref<4x400x64xf32, #tpu.memory_space<vmem>>, vector<1x1x16xf32>,
        %parallel_loop3A_470 = vector.shape_cast %parallel_loop3A_469 : vector<1x1x16xf32> to vector<16xf32>
        %parallel_loop3A_471 = vector.shape_cast %parallel_loop3A_462 : vector<16xf32> to vector<1x1x16xf32>
        tpu.vector_store %arg7[%parallel_loop3A_466, %parallel_loop3A_467, %parallel_loop3A_468], %parallel_loop3A_471 {strides = array<i32>} : memref<4x400x64xf32, #tpu.memory_space<vmem>>, vector<1x1x16xf32>,
      } {sc.loop_unroll_factor = 4 : i64, sc.parallel_access}
      %add3A_246 = arith.addi %mul3A_2, %add3A_230 : i32
      %dma_start3A_247 = arith.constant 3 : i32
      %dma_start3A_248 = arith.constant 0 : i32
      %dma_start3A_249 = arith.constant 0 : i32
      %dma_start3A_250 = tpu.memref_slice %arg7[%dma_start3A_247, %dma_start3A_248, %dma_start3A_249] : memref<4x400x64xf32, #tpu.memory_space<vmem>> -> memref<1x400x64xf32, #tpu.memory_space<vmem>>
      %dma_start3A_251 = tpu.memref_squeeze %dma_start3A_250 : memref<1x400x64xf32, #tpu.memory_space<vmem>> -> memref<400x64xf32, #tpu.memory_space<vmem>>
      %dma_start3A_252 = arith.constant 0 : i32
      %dma_start3A_253 = arith.constant 0 : i32
      %dma_start3A_254 = tpu.memref_slice %arg5[%add3A_246, %dma_start3A_252, %dma_start3A_253] : memref<512x400x64xf32, #tpu.memory_space<hbm>> -> memref<1x400x64xf32, #tpu.memory_space<hbm>>
      %dma_start3A_255 = tpu.memref_squeeze %dma_start3A_254 : memref<1x400x64xf32, #tpu.memory_space<hbm>> -> memref<400x64xf32, #tpu.memory_space<hbm>>
      %dma_start3A_256 = arith.constant 0 : i32
      %dma_start3A_257 = arith.constant 0 : i32
      %dma_start3A_258 = tpu.memref_slice %arg5[%add3A_246, %dma_start3A_256, %dma_start3A_257] : memref<512x400x64xf32, #tpu.memory_space<hbm>> -> memref<1x400x64xf32, #tpu.memory_space<hbm>>
      %dma_start3A_259 = tpu.memref_squeeze %dma_start3A_258 : memref<1x400x64xf32, #tpu.memory_space<hbm>> -> memref<400x64xf32, #tpu.memory_space<hbm>>
      %dma_start3A_260 = arith.constant 0 : i32
      %dma_start3A_261 = arith.constant 0 : i32
      %dma_start3A_262 = tpu.memref_slice %arg7[%dma_start3A_247, %dma_start3A_260, %dma_start3A_261] : memref<4x400x64xf32, #tpu.memory_space<vmem>> -> memref<1x400x64xf32, #tpu.memory_space<vmem>>
      %dma_start3A_263 = tpu.memref_squeeze %dma_start3A_262 : memref<1x400x64xf32, #tpu.memory_space<vmem>> -> memref<400x64xf32, #tpu.memory_space<vmem>>
      tpu.enqueue_dma source(%dma_start3A_263 : memref<400x64xf32, #tpu.memory_space<vmem>>) target(%dma_start3A_259 : memref<400x64xf32, #tpu.memory_space<hbm>>) target_semaphore(%arg16 : memref<!tpu.dma_semaphore, #tpu.memory_space<semaphore_mem>>)
      %add3A_264 = arith.constant 2 : i32
      %add3A_265 = arith.addi %add3A_230, %add3A_264 : i32
      %lt3A_266 = arith.constant 16 : i32
      %lt3A_267 = arith.cmpi slt, %add3A_265, %lt3A_266 : i32
      %convert_element_type3A_268 = arith.extui %lt3A_267 : i1 to i32
      %cond3A_269 = arith.constant 0 : i32
      %cond3A_270 = arith.cmpi ne, %convert_element_type3A_268, %cond3A_269 : i32
      scf.if %cond3A_270 {
        %ge3A = arith.constant 2 : i32
        %ge3A_271 = arith.cmpi sge, %add3A_230, %ge3A : i32
        %convert_element_type3A_272 = arith.extui %ge3A_271 : i1 to i32
        %cond3A_273 = arith.constant 0 : i32
        %cond3A_274 = arith.cmpi ne, %convert_element_type3A_272, %cond3A_273 : i32
        scf.if %cond3A_274 {
          %dma_wait3A_288 = arith.constant 1 : i32
          %dma_wait3A_289 = arith.constant 0 : i32
          %dma_wait3A_290 = arith.constant 0 : i32
          %dma_wait3A_291 = tpu.memref_slice %arg7[%dma_wait3A_288, %dma_wait3A_289, %dma_wait3A_290] : memref<4x400x64xf32, #tpu.memory_space<vmem>> -> memref<1x400x64xf32, #tpu.memory_space<vmem>>
          %dma_wait3A_292 = tpu.memref_squeeze %dma_wait3A_291 : memref<1x400x64xf32, #tpu.memory_space<vmem>> -> memref<400x64xf32, #tpu.memory_space<vmem>>
          %dma_wait3A_293 = arith.constant 0 : i32
          %dma_wait3A_294 = arith.constant 0 : i32
          %dma_wait3A_295 = tpu.memref_slice %arg5[%mul3A_2, %dma_wait3A_293, %dma_wait3A_294] : memref<512x400x64xf32, #tpu.memory_space<hbm>> -> memref<1x400x64xf32, #tpu.memory_space<hbm>>
          %dma_wait3A_296 = tpu.memref_squeeze %dma_wait3A_295 : memref<1x400x64xf32, #tpu.memory_space<hbm>> -> memref<400x64xf32, #tpu.memory_space<hbm>>
          %dma_wait3A_297 = arith.constant 0 : i32
          %dma_wait3A_298 = arith.constant 0 : i32
          %dma_wait3A_299 = tpu.memref_slice %arg5[%mul3A_2, %dma_wait3A_297, %dma_wait3A_298] : memref<512x400x64xf32, #tpu.memory_space<hbm>> -> memref<1x400x64xf32, #tpu.memory_space<hbm>>
          %dma_wait3A_300 = tpu.memref_squeeze %dma_wait3A_299 : memref<1x400x64xf32, #tpu.memory_space<hbm>> -> memref<400x64xf32, #tpu.memory_space<hbm>>
          %dma_wait3A_301 = arith.constant 0 : i32
          %dma_wait3A_302 = arith.constant 0 : i32
          %dma_wait3A_303 = tpu.memref_slice %arg7[%dma_wait3A_288, %dma_wait3A_301, %dma_wait3A_302] : memref<4x400x64xf32, #tpu.memory_space<vmem>> -> memref<1x400x64xf32, #tpu.memory_space<vmem>>
          %dma_wait3A_304 = tpu.memref_squeeze %dma_wait3A_303 : memref<1x400x64xf32, #tpu.memory_space<vmem>> -> memref<400x64xf32, #tpu.memory_space<vmem>>
          tpu.wait_dma2 semaphore(%arg14 : memref<!tpu.dma_semaphore, #tpu.memory_space<semaphore_mem>>) src(%dma_wait3A_304 : memref<400x64xf32, #tpu.memory_space<vmem>>) dst(%dma_wait3A_300 : memref<400x64xf32, #tpu.memory_space<hbm>>)
        } else {
        }
        %add3A_275 = arith.constant 2 : i32
        %add3A_276 = arith.addi %add3A_230, %add3A_275 : i32
        %dma_start3A_277 = arith.constant 1 : i32
        %dma_start3A_278 = arith.constant 0 : i32
        %dma_start3A_279 = arith.constant 0 : i32
        %dma_start3A_280 = tpu.memref_slice %arg7[%dma_start3A_277, %dma_start3A_278, %dma_start3A_279] : memref<4x400x64xf32, #tpu.memory_space<vmem>> -> memref<1x400x64xf32, #tpu.memory_space<vmem>>
        %dma_start3A_281 = tpu.memref_squeeze %dma_start3A_280 : memref<1x400x64xf32, #tpu.memory_space<vmem>> -> memref<400x64xf32, #tpu.memory_space<vmem>>
        %dma_start3A_282 = arith.constant 0 : i32
        %dma_start3A_283 = tpu.memref_slice %arg6[%add3A_276, %dma_start3A_282] : memref<16x400xi32, #tpu.memory_space<vmem>> -> memref<1x400xi32, #tpu.memory_space<vmem>>
        %dma_start3A_284 = tpu.memref_squeeze %dma_start3A_283 : memref<1x400xi32, #tpu.memory_space<vmem>> -> memref<400xi32, #tpu.memory_space<vmem>>
        %dma_start3A_285 = arith.constant 0 : i32
        %dma_start3A_286 = arith.constant 0 : i32
        %dma_start3A_287 = tpu.memref_slice %arg4[%dma_start3A_285, %dma_start3A_286] : memref<100000x64xf32, #tpu.memory_space<hbm>> -> memref<100000x64xf32, #tpu.memory_space<hbm>>
        tpu.enqueue_indirect_dma source(%dma_start3A_287 : memref<100000x64xf32, #tpu.memory_space<hbm>>) target(%dma_start3A_281 : memref<400x64xf32, #tpu.memory_space<vmem>>) offsets(%dma_start3A_284 : memref<400xi32, #tpu.memory_space<vmem>>) semaphore(%arg10 : memref<!tpu.dma_semaphore, #tpu.memory_space<semaphore_mem>>)
      } else {
      }
    }
    %scan3A_30 = arith.constant 4 : i32
    %dma_wait3A = arith.constant 0 : i32
    %dma_wait3A_31 = arith.constant 0 : i32
    %dma_wait3A_32 = arith.constant 0 : i32
    %dma_wait3A_33 = tpu.memref_slice %arg7[%dma_wait3A, %dma_wait3A_31, %dma_wait3A_32] : memref<4x400x64xf32, #tpu.memory_space<vmem>> -> memref<1x400x64xf32, #tpu.memory_space<vmem>>
    %dma_wait3A_34 = tpu.memref_squeeze %dma_wait3A_33 : memref<1x400x64xf32, #tpu.memory_space<vmem>> -> memref<400x64xf32, #tpu.memory_space<vmem>>
    %dma_wait3A_35 = arith.constant 0 : i32
    %dma_wait3A_36 = arith.constant 0 : i32
    %dma_wait3A_37 = tpu.memref_slice %arg5[%mul3A_2, %dma_wait3A_35, %dma_wait3A_36] : memref<512x400x64xf32, #tpu.memory_space<hbm>> -> memref<1x400x64xf32, #tpu.memory_space<hbm>>
    %dma_wait3A_38 = tpu.memref_squeeze %dma_wait3A_37 : memref<1x400x64xf32, #tpu.memory_space<hbm>> -> memref<400x64xf32, #tpu.memory_space<hbm>>
    %dma_wait3A_39 = arith.constant 0 : i32
    %dma_wait3A_40 = arith.constant 0 : i32
    %dma_wait3A_41 = tpu.memref_slice %arg5[%mul3A_2, %dma_wait3A_39, %dma_wait3A_40] : memref<512x400x64xf32, #tpu.memory_space<hbm>> -> memref<1x400x64xf32, #tpu.memory_space<hbm>>
    %dma_wait3A_42 = tpu.memref_squeeze %dma_wait3A_41 : memref<1x400x64xf32, #tpu.memory_space<hbm>> -> memref<400x64xf32, #tpu.memory_space<hbm>>
    %dma_wait3A_43 = arith.constant 0 : i32
    %dma_wait3A_44 = arith.constant 0 : i32
    %dma_wait3A_45 = tpu.memref_slice %arg7[%dma_wait3A, %dma_wait3A_43, %dma_wait3A_44] : memref<4x400x64xf32, #tpu.memory_space<vmem>> -> memref<1x400x64xf32, #tpu.memory_space<vmem>>
    %dma_wait3A_46 = tpu.memref_squeeze %dma_wait3A_45 : memref<1x400x64xf32, #tpu.memory_space<vmem>> -> memref<400x64xf32, #tpu.memory_space<vmem>>
    tpu.wait_dma2 semaphore(%arg13 : memref<!tpu.dma_semaphore, #tpu.memory_space<semaphore_mem>>) src(%dma_wait3A_46 : memref<400x64xf32, #tpu.memory_space<vmem>>) dst(%dma_wait3A_42 : memref<400x64xf32, #tpu.memory_space<hbm>>)
    %dma_wait3A_47 = arith.constant 1 : i32
    %dma_wait3A_48 = arith.constant 0 : i32
    %dma_wait3A_49 = arith.constant 0 : i32
    %dma_wait3A_50 = tpu.memref_slice %arg7[%dma_wait3A_47, %dma_wait3A_48, %dma_wait3A_49] : memref<4x400x64xf32, #tpu.memory_space<vmem>> -> memref<1x400x64xf32, #tpu.memory_space<vmem>>
    %dma_wait3A_51 = tpu.memref_squeeze %dma_wait3A_50 : memref<1x400x64xf32, #tpu.memory_space<vmem>> -> memref<400x64xf32, #tpu.memory_space<vmem>>
    %dma_wait3A_52 = arith.constant 0 : i32
    %dma_wait3A_53 = arith.constant 0 : i32
    %dma_wait3A_54 = tpu.memref_slice %arg5[%mul3A_2, %dma_wait3A_52, %dma_wait3A_53] : memref<512x400x64xf32, #tpu.memory_space<hbm>> -> memref<1x400x64xf32, #tpu.memory_space<hbm>>
    %dma_wait3A_55 = tpu.memref_squeeze %dma_wait3A_54 : memref<1x400x64xf32, #tpu.memory_space<hbm>> -> memref<400x64xf32, #tpu.memory_space<hbm>>
    %dma_wait3A_56 = arith.constant 0 : i32
    %dma_wait3A_57 = arith.constant 0 : i32
    %dma_wait3A_58 = tpu.memref_slice %arg5[%mul3A_2, %dma_wait3A_56, %dma_wait3A_57] : memref<512x400x64xf32, #tpu.memory_space<hbm>> -> memref<1x400x64xf32, #tpu.memory_space<hbm>>
    %dma_wait3A_59 = tpu.memref_squeeze %dma_wait3A_58 : memref<1x400x64xf32, #tpu.memory_space<hbm>> -> memref<400x64xf32, #tpu.memory_space<hbm>>
    %dma_wait3A_60 = arith.constant 0 : i32
    %dma_wait3A_61 = arith.constant 0 : i32
    %dma_wait3A_62 = tpu.memref_slice %arg7[%dma_wait3A_47, %dma_wait3A_60, %dma_wait3A_61] : memref<4x400x64xf32, #tpu.memory_space<vmem>> -> memref<1x400x64xf32, #tpu.memory_space<vmem>>
    %dma_wait3A_63 = tpu.memref_squeeze %dma_wait3A_62 : memref<1x400x64xf32, #tpu.memory_space<vmem>> -> memref<400x64xf32, #tpu.memory_space<vmem>>
    tpu.wait_dma2 semaphore(%arg14 : memref<!tpu.dma_semaphore, #tpu.memory_space<semaphore_mem>>) src(%dma_wait3A_63 : memref<400x64xf32, #tpu.memory_space<vmem>>) dst(%dma_wait3A_59 : memref<400x64xf32, #tpu.memory_space<hbm>>)
    %dma_wait3A_64 = arith.constant 2 : i32
    %dma_wait3A_65 = arith.constant 0 : i32
    %dma_wait3A_66 = arith.constant 0 : i32
    %dma_wait3A_67 = tpu.memref_slice %arg7[%dma_wait3A_64, %dma_wait3A_65, %dma_wait3A_66] : memref<4x400x64xf32, #tpu.memory_space<vmem>> -> memref<1x400x64xf32, #tpu.memory_space<vmem>>
    %dma_wait3A_68 = tpu.memref_squeeze %dma_wait3A_67 : memref<1x400x64xf32, #tpu.memory_space<vmem>> -> memref<400x64xf32, #tpu.memory_space<vmem>>
    %dma_wait3A_69 = arith.constant 0 : i32
    %dma_wait3A_70 = arith.constant 0 : i32
    %dma_wait3A_71 = tpu.memref_slice %arg5[%mul3A_2, %dma_wait3A_69, %dma_wait3A_70] : memref<512x400x64xf32, #tpu.memory_space<hbm>> -> memref<1x400x64xf32, #tpu.memory_space<hbm>>
    %dma_wait3A_72 = tpu.memref_squeeze %dma_wait3A_71 : memref<1x400x64xf32, #tpu.memory_space<hbm>> -> memref<400x64xf32, #tpu.memory_space<hbm>>
    %dma_wait3A_73 = arith.constant 0 : i32
    %dma_wait3A_74 = arith.constant 0 : i32
    %dma_wait3A_75 = tpu.memref_slice %arg5[%mul3A_2, %dma_wait3A_73, %dma_wait3A_74] : memref<512x400x64xf32, #tpu.memory_space<hbm>> -> memref<1x400x64xf32, #tpu.memory_space<hbm>>
    %dma_wait3A_76 = tpu.memref_squeeze %dma_wait3A_75 : memref<1x400x64xf32, #tpu.memory_space<hbm>> -> memref<400x64xf32, #tpu.memory_space<hbm>>
    %dma_wait3A_77 = arith.constant 0 : i32
    %dma_wait3A_78 = arith.constant 0 : i32
    %dma_wait3A_79 = tpu.memref_slice %arg7[%dma_wait3A_64, %dma_wait3A_77, %dma_wait3A_78] : memref<4x400x64xf32, #tpu.memory_space<vmem>> -> memref<1x400x64xf32, #tpu.memory_space<vmem>>
    %dma_wait3A_80 = tpu.memref_squeeze %dma_wait3A_79 : memref<1x400x64xf32, #tpu.memory_space<vmem>> -> memref<400x64xf32, #tpu.memory_space<vmem>>
    tpu.wait_dma2 semaphore(%arg15 : memref<!tpu.dma_semaphore, #tpu.memory_space<semaphore_mem>>) src(%dma_wait3A_80 : memref<400x64xf32, #tpu.memory_space<vmem>>) dst(%dma_wait3A_76 : memref<400x64xf32, #tpu.memory_space<hbm>>)
    %dma_wait3A_81 = arith.constant 3 : i32
    %dma_wait3A_82 = arith.constant 0 : i32
    %dma_wait3A_83 = arith.constant 0 : i32
    %dma_wait3A_84 = tpu.memref_slice %arg7[%dma_wait3A_81, %dma_wait3A_82, %dma_wait3A_83] : memref<4x400x64xf32, #tpu.memory_space<vmem>> -> memref<1x400x64xf32, #tpu.memory_space<vmem>>
    %dma_wait3A_85 = tpu.memref_squeeze %dma_wait3A_84 : memref<1x400x64xf32, #tpu.memory_space<vmem>> -> memref<400x64xf32, #tpu.memory_space<vmem>>
    %dma_wait3A_86 = arith.constant 0 : i32
    %dma_wait3A_87 = arith.constant 0 : i32
    %dma_wait3A_88 = tpu.memref_slice %arg5[%mul3A_2, %dma_wait3A_86, %dma_wait3A_87] : memref<512x400x64xf32, #tpu.memory_space<hbm>> -> memref<1x400x64xf32, #tpu.memory_space<hbm>>
    %dma_wait3A_89 = tpu.memref_squeeze %dma_wait3A_88 : memref<1x400x64xf32, #tpu.memory_space<hbm>> -> memref<400x64xf32, #tpu.memory_space<hbm>>
    %dma_wait3A_90 = arith.constant 0 : i32
    %dma_wait3A_91 = arith.constant 0 : i32
    %dma_wait3A_92 = tpu.memref_slice %arg5[%mul3A_2, %dma_wait3A_90, %dma_wait3A_91] : memref<512x400x64xf32, #tpu.memory_space<hbm>> -> memref<1x400x64xf32, #tpu.memory_space<hbm>>
    %dma_wait3A_93 = tpu.memref_squeeze %dma_wait3A_92 : memref<1x400x64xf32, #tpu.memory_space<hbm>> -> memref<400x64xf32, #tpu.memory_space<hbm>>
    %dma_wait3A_94 = arith.constant 0 : i32
    %dma_wait3A_95 = arith.constant 0 : i32
    %dma_wait3A_96 = tpu.memref_slice %arg7[%dma_wait3A_81, %dma_wait3A_94, %dma_wait3A_95] : memref<4x400x64xf32, #tpu.memory_space<vmem>> -> memref<1x400x64xf32, #tpu.memory_space<vmem>>
    %dma_wait3A_97 = tpu.memref_squeeze %dma_wait3A_96 : memref<1x400x64xf32, #tpu.memory_space<vmem>> -> memref<400x64xf32, #tpu.memory_space<vmem>>
    tpu.wait_dma2 semaphore(%arg16 : memref<!tpu.dma_semaphore, #tpu.memory_space<semaphore_mem>>) src(%dma_wait3A_97 : memref<400x64xf32, #tpu.memory_space<vmem>>) dst(%dma_wait3A_93 : memref<400x64xf32, #tpu.memory_space<hbm>>)
    return
  }
}

</mosaic_0001>

<sc_bundles>
// kernel: kernel.3.cloned.1.call-start
scs
__scs_entry_jumppad:
0x0: {  	(pc) =	sbr.rel $0x88, $3  }
0x1: {  	(tag) =	ssettag $0x0;
	lr =	simm.s32 $0x1  }
0x2: {  	[smem:$0x3F9F] =	sst lr;
	_ =	strace $0xD0000000  }
0x3: {  	_ = 	snop  }
0x4: {  	_ = 	snop  }
0x5: {  	_ = 	snop  }
0x6: {  	_ = 	snop  }
0x7: {  	_ = 	snop  }
__scs_overlays_trampoline_lowered:
0x8: {  	[smem:$0x3FAE] =	sst s0  }
0x9: {  	[smem:$0x3FAF] =	sst s1  }
0xa: {  	[smem:$0x3FB0] =	sst s2  }
0xb: {  	[smem:$0x3FB1] =	sst s3  }
0xc: {  	[smem:$0x3FB2] =	sst s4  }
0xd: {  	[smem:$0x3FB3] =	sst s5  }
0xe: {  	[smem:$0x3FB4] =	sst s6  }
0xf: {  	[smem:$0x3FB5] =	sst s7  }
0x10: {  	[smem:$0x3FB6] =	sst s8  }
0x11: {  	[smem:$0x3FB7] =	sst s9;
	s0 =	simm.s32 @!p0 $0x0  }
0x12: {  	s1 =	sld [smem:$0x3F9D];
	s0 =	simm.s32 @p0 $0x1  }
0x13: {  	[smem:$0x3FB8] =	sst s0;
	s0 =	simm.s32 @!p1 $0x0  }
0x14: {  	s2 =	sld [smem:$0x3F9C];
	s0 =	simm.s32 @p1 $0x1  }
0x15: {  	[smem:$0x3FB9] =	sst s0;
	s0 =	simm.s32 @!p2 $0x0  }
0x16: {  	s3 =	sld [smem:$0x3FDB];
	s0 =	simm.s32 @p2 $0x1  }
0x17: {  	s4 =	simm.s32 $0x1BF5;
	[smem:$0x3FBB] =	sst s0  }
0x18: {  	s0 =	sld [smem:$0x3F9E];
	_ =	swait.ge [sflag:s4], $0x0  }
0x19: {  	s7 =	sld [smem:$0x3F9F]  }
0x1a: {  	s8 =	sadd.s32 $0xFFFFE003, lr  }
0x1b: {  	s9 =	sadd.s32 $0xFFFFFEF7, lr;
	s5 =	simm.s32 $0xFFFFFFFF;
	p2 =	slt.u32 s8, $0xFFFFF086  }
0x1c: {  	p1 =	slt.u32 s9, $0xF7A;
	s5 =	simm.s32 @!p2 $0x0  }
0x1d: {  	s5 =	simm.s32 @p1 $0x1;
	p0 =	seq.s32 s7, s2  }
0x1e: {  	s7 =	smul.u32 @!p0 $0xF7A, s2;
	p2 =	seq.s32 @!p0 s5, $0x0  }
0x1f: {  	s9 =	smul.u32 $0xF7A, s1;
	s8 =	simm.s32 @!p0 $0x1BF5;
	p2 =	por !p2, p0  }
0x20: {  	[sflag:s8] =	ssyncset.s32 @!p0 $0xFFFFF086;
	s6 =	sadd.s32 @!p0 s3, s7;
	s7 =	simm.s32 @!p0 $0x108  }
0x21: {  	s3 =	sadd.s32 s3, s9;
	s6 =	sadd.s32 @!p0 $0x88, s6;
	s7 =	simm.s32 @p2 $0x1082  }
0x22: {  	[simem:s7], [sflag:s8] =	dma.local @!p0 [hbm:s6], $0xF7A  }
0x23: {  	s9 =	sor.u32 $0xD0000000, s2;
	s6 =	simm.s32 $0x108;
	_ =	swait.ge @!p0 [sflag:s8], $0x0  }
0x24: {  	s3 =	sadd.s32 $0x88, s3;
	s6 =	simm.s32 @!p1 $0x1082;
	[sflag:s4] =	ssyncset.s32 $0xFFFFF086  }
0x25: {  	[simem:s6], [sflag:s4] =	dma.local [hbm:s3], $0xF7A  }
0x26: {  	[smem:$0x3F9F] =	sst s1;
	(tag) =	ssettag s2;
	_ =	strace s9  }
0x27: {  	s1 =	sld [smem:$0x3FAF]  }
0x28: {  	s2 =	sld [smem:$0x3FB0]  }
0x29: {  	s4 =	sld [smem:$0x3FB2]  }
0x2a: {  	p0 =	seq.s32 s5, $0x0;
	s5 =	sld [smem:$0x3FB3]  }
0x2b: {  	s6 =	sld [smem:$0x3FB4]  }
0x2c: {  	s7 =	sld [smem:$0x3FB5]  }
0x2d: {  	s3 =	simm.s32 $0x108;
	s8 =	sld [smem:$0x3FB6]  }
0x2e: {  	s3 =	simm.s32 @!p0 $0x1082;
	s9 =	sld [smem:$0x3FB7]  }
0x2f: {  	lr =	sadd.s32 s0, s3;
	s0 =	sld [smem:$0x3FAE]  }
0x30: {  	s3 =	sld [smem:$0x3FB1]  }
0x31: {  	[smem:$0x3FBA] =	sst s10  }
0x32: {  	s10 =	sld [smem:$0x3FB8];
	_ =	sdelay $0x3  }
0x33: {  	p0 =	seq.s32 s10, $0x1;
	s10 =	sld [smem:$0x3FBA];
	_ =	sdelay $0x3  }
0x34: {  	[smem:$0x3FBA] =	sst s10  }
0x35: {  	s10 =	sld [smem:$0x3FB9];
	_ =	sdelay $0x3  }
0x36: {  	p1 =	seq.s32 s10, $0x1;
	s10 =	sld [smem:$0x3FBA];
	_ =	sdelay $0x3  }
0x37: {  	[smem:$0x3FBA] =	sst s10  }
0x38: {  	s10 =	sld [smem:$0x3FBB]  }
0x39: {  	_ = 	snop;
	(pc) =	sbr.ind lr, $3  }
0x3a: {  	_ = 	snop  }
0x3b: {  	_ = 	snop  }
0x3c: {  	p2 =	seq.s32 s10, $0x1;
	s10 =	sld [smem:$0x3FBA]  }
0x3d: {  	_ =	shalt  }
0x3e: {  	_ =	shalt  }
0x3f: {  	_ =	shalt  }
0x40: {  	_ =	shalt  }
0x41: {  	_ =	shalt  }
0x42: {  	_ =	shalt  }
0x43: {  	_ =	shalt  }
0x44: {  	_ =	shalt  }
0x45: {  	_ =	shalt  }
0x46: {  	_ =	shalt  }
0x47: {  	_ =	shalt  }
0x48: {  	_ =	shalt  }
0x49: {  	_ =	shalt  }
0x4a: {  	_ =	shalt  }
0x4b: {  	_ =	shalt  }
0x4c: {  	_ =	shalt  }
0x4d: {  	_ =	shalt  }
0x4e: {  	_ =	shalt  }
0x4f: {  	_ =	shalt  }
0x50: {  	_ =	shalt  }
0x51: {  	_ =	shalt  }
0x52: {  	_ =	shalt  }
0x53: {  	_ =	shalt  }
0x54: {  	_ =	shalt  }
0x55: {  	_ =	shalt  }
0x56: {  	_ =	shalt  }
0x57: {  	_ =	shalt  }
0x58: {  	_ =	shalt  }
0x59: {  	_ =	shalt  }
0x5a: {  	_ =	shalt  }
0x5b: {  	_ =	shalt  }
0x5c: {  	_ =	shalt  }
0x5d: {  	_ =	shalt  }
0x5e: {  	_ =	shalt  }
0x5f: {  	_ =	shalt  }
0x60: {  	_ =	shalt  }
0x61: {  	_ =	shalt  }
0x62: {  	_ =	shalt  }
0x63: {  	_ =	shalt  }
0x64: {  	_ =	shalt  }
0x65: {  	_ =	shalt  }
0x66: {  	_ =	shalt  }
0x67: {  	_ =	shalt  }
0x68: {  	_ =	shalt  }
0x69: {  	_ =	shalt  }
0x6a: {  	_ =	shalt  }
0x6b: {  	_ =	shalt  }
0x6c: {  	_ =	shalt  }
0x6d: {  	_ =	shalt  }
0x6e: {  	_ =	shalt  }
0x6f: {  	_ =	shalt  }
0x70: {  	_ =	shalt  }
0x71: {  	_ =	shalt  }
0x72: {  	_ =	shalt  }
0x73: {  	_ =	shalt  }
0x74: {  	_ =	shalt  }
0x75: {  	_ =	shalt  }
0x76: {  	_ =	shalt  }
0x77: {  	_ =	shalt  }
0x78: {  	_ =	shalt  }
0x79: {  	_ =	shalt  }
0x7a: {  	_ =	shalt  }
0x7b: {  	_ =	shalt  }
0x7c: {  	_ =	shalt  }
0x7d: {  	_ =	shalt  }
0x7e: {  	_ =	shalt  }
0x7f: {  	_ =	shalt  }
0x80: {  	_ =	shalt  }
0x81: {  	_ =	shalt  }
0x82: {  	_ =	shalt  }
0x83: {  	_ =	shalt  }
0x84: {  	_ =	shalt  }
0x85: {  	_ =	shalt  }
0x86: {  	_ =	shalt  }
0x87: {  	_ =	shalt  }
.Lfunc_end0:
.L_simem_size_0:
called_computation.1_lowered:
.L_overlay_start_0:
0x88: {  	s2 =	sld [smem:$0x3FD9]  }
0x89: {  	s3 =	sld [smem:$0x3FFE];
	_ =	sdelay $0x1  }
0x8a: {  	s1 =	srdreg.scid  }
0x8b: {  	s0 =	sand.u32 $0x1, s1  }
0x8c: {  	s17 =	sshll.u32 s0, $0xA;
	s2 =	sadd.s32 s3, s2  }
0x8d: {  	s2 =	sadd.s32 s2, s17  }
0x8e: {  	[smem:$0x3FC6] =	sst s2  }
0x8f: {  	_ = 	snop  }
0x90: {  	s2 =	sld [smem:$0x3FD0];
	(tm) =	ssettm $0x1  }
0x91: {  	s18 =	sld [smem:$0x3FFB];
	_ =	sdelay $0x3  }
0x92: {  	_ =	strace s18  }
0x93: {  	s3 =	sld [smem:$0x3FFC];
	_ =	sdelay $0x3  }
0x94: {  	_ =	strace s3  }
0x95: {  	s3 =	sld [smem:$0x3FFD];
	_ =	sdelay $0x3  }
0x96: {  	_ =	strace s3  }
0x97: {  	_ =	strace $0x8FFFFFFF  }
0x98: {  	s19 =	sld [smem:$0x3FDB];
	_ =	sdelay $0x1  }
0x99: {  	s4 =	simm.s32 $_scs_section_size  }
0x9a: {  	s5 =	simm.s32 $_size__tile_overlayer_lowered;
	s6 =	simm.s32 $_tile_overlayer_lowered  }
0x9b: {  	s22 =	simm.s32 $0x1BFF;
	s21 =	sshll.u32 s6, $0x1;
	s3 =	sadd.s32 s4, s19  }
0x9c: {  	s7 =	simm.s32 $0x0;
	s20 =	sshll.u32 s5, $0x1;
	s5 =	sadd.s32 s21, s3  }
0x9d: {  	[timem:s7], [sflag:s22] =	dma.local [hbm:s5], s20  }
0x9e: {  	_ =	swait.ge [sflag:s22], s20  }
0x9f: {  	s4 =	ssub.s32 $0x0, s20;
	[sflag:s22] =	ssyncset.done $0x0  }
0xa0: {  	[sflag:s22] =	ssyncadd.s32 s4;
	_ =	sdelay $0x1  }
0xa1: {  	s23 =	simm.s32 $0x1B8B  }
0xa2: {  	_ =	swait.ge [sflag:s23], $0x1  }
0xa3: {  	[sflag:s23] =	ssyncset.done $0x0  }
0xa4: {  	s25 =	simm.s32 $0x1B8E;
	s24 =	sld [smem:$0x3FFE];
	[sflag:s23] =	ssyncadd.s32 $0xFFFFFFFF  }
0xa5: {  	s26 =	simm.s32 $execute0_lowered;
	[smem:$0x3FD2] =	sst s25  }
0xa6: {  	s5 =	sshll.u32 s26, $0x1;
	_ =	strace $0x80000046;
	[dreg:$0x1] =	wrdreg $0xFFFFFFFF  }
0xa7: {  	s28 =	simm.s32 $_size_execute0_lowered;
	s3 =	sadd.s32 s3, s5;
	[dreg:$0x0] =	wrdreg $0x0  }
0xa8: {  	s5 =	sshll.u32 s28, $0x1;
	[dreg:$0x2] =	wrdreg s3  }
0xa9: {  	[dreg:$0x3] =	wrdreg s5  }
0xaa: {  	[dreg:$0x4] =	wrdreg $0xC0  }
0xab: {  	_ =	task [dreg:s7], $0x5FFFF  }
0xac: {  	[dreg:$0x1] =	wrdreg $0xFFFFFFFF  }
0xad: {  	[dreg:$0x0] =	wrdreg $0x60  }
0xae: {  	[dreg:$0x2] =	wrdreg s24  }
0xaf: {  	[dreg:$0x3] =	wrdreg s2  }
0xb0: {  	[dreg:$0x4] =	wrdreg $0x9  }
0xb1: {  	_ =	task.clear_ibuf [dreg:s7], $0x5FFFF;
	_ =	strace $0x90000046  }
0xb2: {  	s29 =	simm.s32 $0x9;
	_ =	strace $0x80000048  }
0xb3: {  	_ =	swait.ge [sflag:s29], $0x1  }
0xb4: {  	[sflag:s29] =	ssyncadd.s32 $0xFFFFFFFF  }
0xb5: {  	_ =	strace $0x90000048  }
0xb6: {  	_ =	sfence  }
0xb7: {  	s30 =	sld [smem:$0x0];
	_ =	sdelay $0x2  }
0xb8: {  	s31 =	sshll.u32 s1, $0xD;
	s1 =	sshrl.u32 s1, $0x2  }
0xb9: {  	s3 =	sand.u32 $0x4000, s31;
	s1 =	sadd.s32 s1, s30  }
0xba: {  	s0 =	sor.u32 s3, s0;
	s1 =	sshll.u32 s1, $0x11  }
0xbb: {  	s0 =	sor.u32 s1, s0  }
0xbc: {  	s0 =	sadd.s32 $0x8F2B, s0  }
0xbd: {  	[sflag:s0] =	ssyncadd.remote.s32 $0x1  }
0xbe: {  	_ =	sfence.sel $0xFFFF  }
0xbf: {  	[dreg:$0x0] =	wrdreg $0xFFFFFFFF;
	(pc) =	sbr.abs _section_cstart, $3  }
0xc0: {  	[dreg:$0x1] =	wrdreg $0xFFFFFFFF  }
0xc1: {  	_ =	task.clear_ibuf [dreg:s7], $0x2FFFF;
	_ =	strace $0x9FFFFFFF  }
0xc2: {  	(tm) =	ssettm $0x7FFFFFFF  }
0xc3: {  	_ =	shalt  }
tec
execute0_lowered:
.L_overlay_start_1:
0x0: {  	(tag) =	ssettag $0x1  }
0x1: {  	s1 =	srdreg.scid;
	s6 =	rddreg [dreg:$0x0]  }
0x2: {  	s0 =	stileid.u32;
	s2 =	rddreg [dreg:$0x1]  }
0x3: {  	s9 =	simm.s32 $0x1A900;
	s10 =	simm.s32 $0x9;
	s11 =	simm.s32 $0x190  }
0x4: {  	s12 =	simm.s32 $0x1900;
	s13 =	simm.s32 $0x7D00;
	s14 =	simm.s32 $0x1  }
0x5: {  	s15 =	simm.s32 $0xE100;
	s16 =	simm.s32 $0x2;
	s17 =	simm.s32 $0x14500  }
0x6: {  	s18 =	simm.s32 $0x3;
	s19 =	simm.s32 $0x4;
	s20 =	simm.s32 $0x5  }
0x7: {  	s21 =	simm.s32 $0x6;
	s22 =	simm.s32 $0x7;
	s1 =	sand.u32 $0x1, s1  }
0x8: {  	s23 =	simm.s32 $0x8;
	s3 =	sshll.u32 s0, $0x5;
	s4 =	sshll.u32 s1, $0x4  }
.Ltmp0:
0x9: {  	s1 =	ssub.s32 $0x2, s1;
	s3 =	sor.u32 s4, s3;
	(pc) =	sbr.rel .LBB2_1-.Ltmp0, $4  }
0xa: {  	s4 =	simm.s32 $0x0;
	s8 =	sshrl.u32 s1, $0x1;
	s5 =	smul.u32 $0x32, s3  }
0xb: {  	s24 =	simm.s32 $0x0;
	[smem:$0x7FF] =	sst s4;
	s1 =	ssub.s32 s1, s8  }
0xc: {  	_ =	strace $0x80000047;
	s8 =	smax.u32 s1, $0x1;
	s7 =	sadd.s32 s5, s6  }
0xd: {  	s5 =	sadd.s32 $0x800, s6;
	s6 =	sadd.s32 $0x7400, s6;
	s7 =	sadd.s32 $0x1000, s7  }
.LBB2_12:
0xe: {  	_ =	swait.ge [sflag:s20], $0x6400  }
0xf: {  	[sflag:s20] =	ssyncset.done $0x0  }
0x10: {  	[sflag:s20] =	ssyncadd.s32 $0xFFFF9C00  }
0x11: {  	_ =	swait.ge [sflag:s21], $0x6400  }
0x12: {  	[sflag:s21] =	ssyncset.done $0x0  }
0x13: {  	s24 =	sadd.s32 $0x1, s24;
	[sflag:s21] =	ssyncadd.s32 $0xFFFF9C00  }
0x14: {  	p0 =	sne.s32 s24, s8;
	_ =	swait.ge [sflag:s22], $0x6400  }
.Ltmp1:
0x15: {  	[sflag:s22] =	ssyncset.done $0x0;
	(pc) =	sbr.rel @!p0 .LBB2_13-.Ltmp1, $4  }
0x16: {  	[sflag:s22] =	ssyncadd.s32 $0xFFFF9C00  }
0x17: {  	_ =	swait.ge [sflag:s23], $0x6400  }
0x18: {  	[sflag:s23] =	ssyncset.done $0x0  }
0x19: {  	[sflag:s23] =	ssyncadd.s32 $0xFFFF9C00  }
.LBB2_1:
0x1a: {  	[tilespmem:s9], [sflag:$0x9] =	stream.linear.gather [hbm4b:s5+s4], $0x3200, $0x38;
	[tilespmem:$0x1DB00] =	vst v63  }
0x1b: {  	_ =	swait.ge [sflag:s10], $0x3200  }
0x1c: {  	[sflag:s10] =	ssyncset.done $0x0  }
0x1d: {  	[sflag:s10] =	ssyncadd.s32 $0xFFFFCE00  }
0x1e: {  	[tilespmem:s4], [sflag:$0x9] =	stream.linear.gather [hbm4b:s7+s4], $0x1900, $0x38;
	[tilespmem:$0x1DB00] =	vst v63  }
0x1f: {  	_ =	swait.ge [sflag:s10], $0x1900  }
0x20: {  	[sflag:s10] =	ssyncset.done $0x0  }
0x21: {  	[sflag:s10] =	ssyncadd.s32 $0xFFFFE700  }
0x22: {  	[tilespmem:s12], [sflag:$0x1] =	stream.indirect.gather [hbm4b:s6+s11], $0x40, s4, s11, $0xb8;
	[tilespmem:$0x1DB00] =	vst v63  }
0x23: {  	s25 =	simm.s32 $0x0  }
0x24: {  	[tilespmem:s13], [sflag:$0x2] =	stream.indirect.gather [hbm4b:s6+s11], $0x40, s11, s11, $0xb8;
	[tilespmem:$0x1DB00] =	vst v63  }
.LBB2_2:
0x25: {  	_ =	swait.ge [sflag:s14], $0x6400  }
0x26: {  	[sflag:s14] =	ssyncset.done $0x0  }
0x27: {  	s26 =	simm.s32 $0x4BF0;
	[sflag:s14] =	ssyncadd.s32 $0xFFFF9C00  }
0x28: {  	v0 =	vld [tilespmem:s26+$0xFFFFCDD0]  }
0x29: {  	s30 =	simm.s32 $0x1A980;
	v1 =	vld [tilespmem:s26+$0xFFFFCD50]  }
0x2a: {  	v2 =	vld [tilespmem:s30+$0x40]  }
0x2b: {  	v3 =	vld [tilespmem:s26+$0xFFFFCD10]  }
0x2c: {  	v4 =	vld [tilespmem:s26+$0xFFFFCD90]  }
0x2d: {  	v5 =	vld [tilespmem:s30+$0xFFFFFF80]  }
0x2e: {  	v6 =	vld [tilespmem:s30+$0xFFFFFFC0]  }
0x2f: {  	v7 =	vld [tilespmem:s30+$0x0]  }
0x30: {  	s28 =	simm.s32 $0x4CF0;
	v8 =	vld [tilespmem:s26+$0xFFFFCD20]  }
0x31: {  	s29 =	simm.s32 $0x1AA80;
	v10 =	vld [tilespmem:s28+$0xFFFFCD50];
	v0 =	vmul.f32 $8.000000000e+00, v0  }
0x32: {  	v11 =	vld [tilespmem:s29+$0x40]  }
0x33: {  	v12 =	vld [tilespmem:s28+$0xFFFFCD10];
	v3 =	vmul.f32 $8.000000000e+00, v3;
	v0 =	vadd.f32 v2, v0  }
0x34: {  	v2 =	vld [tilespmem:s26+$0xFFFFCDE0]  }
0x35: {  	v13 =	vld [tilespmem:s28+$0xFFFFCD90];
	v1 =	vmul.f32 $8.000000000e+00, v1;
	v3 =	vadd.f32 v5, v3;
	[tilespmem:s26+$0xFFFFCDD0] =	vst v0  }
0x36: {  	v0 =	vld [tilespmem:s30+$0x50]  }
0x37: {  	v4 =	vmul.f32 $8.000000000e+00, v4;
	v1 =	vadd.f32 v6, v1;
	v5 =	vld [tilespmem:s26+$0xFFFFCD60];
	[tilespmem:s26+$0xFFFFCD10] =	vst v3  }
0x38: {  	v3 =	vld [tilespmem:s30+$0xFFFFFF90]  }
0x39: {  	v6 =	vld [tilespmem:s26+$0xFFFFCDA0];
	[tilespmem:s26+$0xFFFFCD50] =	vst v1;
	v1 =	vadd.f32 v7, v4;
	v2 =	vmul.f32 $8.000000000e+00, v2  }
0x3a: {  	v4 =	vld [tilespmem:s30+$0xFFFFFFD0]  }
0x3b: {  	[tilespmem:s26+$0xFFFFCD90] =	vst v1;
	v1 =	vld [tilespmem:s26+$0xFFFFCDF0];
	v0 =	vadd.f32 v0, v2;
	v2 =	vmul.f32 $8.000000000e+00, v8  }
0x3c: {  	v8 =	vld [tilespmem:s30+$0x10]  }
0x3d: {  	v7 =	vld [tilespmem:s26+$0xFFFFCD30];
	v5 =	vmul.f32 $8.000000000e+00, v5;
	[tilespmem:s26+$0xFFFFCDE0] =	vst v0;
	v2 =	vadd.f32 v3, v2  }
0x3e: {  	v0 =	vld [tilespmem:s30+$0x60]  }
0x3f: {  	v4 =	vadd.f32 v4, v5;
	v5 =	vmul.f32 $8.000000000e+00, v6;
	v3 =	vld [tilespmem:s26+$0xFFFFCD70];
	[tilespmem:s26+$0xFFFFCD20] =	vst v2  }
0x40: {  	v2 =	vld [tilespmem:s30+$0xFFFFFFA0]  }
0x41: {  	v6 =	vld [tilespmem:s26+$0xFFFFCDB0];
	v1 =	vmul.f32 $8.000000000e+00, v1;
	[tilespmem:s26+$0xFFFFCD60] =	vst v4;
	v4 =	vadd.f32 v8, v5  }
0x42: {  	v5 =	vld [tilespmem:s30+$0xFFFFFFE0]  }
0x43: {  	[tilespmem:s26+$0xFFFFCDA0] =	vst v4;
	v4 =	vld [tilespmem:s26+$0xFFFFCE00];
	v0 =	vadd.f32 v0, v1;
	v1 =	vmul.f32 $8.000000000e+00, v7  }
0x44: {  	v7 =	vld [tilespmem:s30+$0x20]  }
0x45: {  	v8 =	vld [tilespmem:s26+$0xFFFFCD40];
	v3 =	vmul.f32 $8.000000000e+00, v3;
	[tilespmem:s26+$0xFFFFCDF0] =	vst v0;
	v1 =	vadd.f32 v2, v1  }
0x46: {  	v0 =	vld [tilespmem:s30+$0x70]  }
0x47: {  	v2 =	vld [tilespmem:s26+$0xFFFFCD80];
	v3 =	vadd.f32 v5, v3;
	v5 =	vmul.f32 $8.000000000e+00, v6;
	[tilespmem:s26+$0xFFFFCD30] =	vst v1  }
0x48: {  	v1 =	vmul.f32 $8.000000000e+00, v4;
	v4 =	vld [tilespmem:s30+$0xFFFFFFB0]  }
0x49: {  	v6 =	vld [tilespmem:s26+$0xFFFFCDC0];
	[tilespmem:s26+$0xFFFFCD70] =	vst v3;
	v3 =	vadd.f32 v7, v5  }
0x4a: {  	v5 =	vld [tilespmem:s30+$0xFFFFFFF0]  }
0x4b: {  	[tilespmem:s26+$0xFFFFCDB0] =	vst v3;
	v3 =	vld [tilespmem:s26+$0xFFFFFFD0];
	v0 =	vadd.f32 v0, v1;
	v1 =	vmul.f32 $8.000000000e+00, v8  }
0x4c: {  	v8 =	vld [tilespmem:s30+$0x30]  }
0x4d: {  	v7 =	vld [tilespmem:s26+$0xFFFFFF10];
	v2 =	vmul.f32 $8.000000000e+00, v2;
	[tilespmem:s26+$0xFFFFCE00] =	vst v0;
	v1 =	vadd.f32 v4, v1  }
0x4e: {  	v0 =	vld [tilespmem:s30+$0x40]  }
0x4f: {  	v4 =	vld [tilespmem:s26+$0xFFFFFF50];
	v2 =	vadd.f32 v5, v2;
	v5 =	vmul.f32 $8.000000000e+00, v6;
	[tilespmem:s26+$0xFFFFCD40] =	vst v1  }
0x50: {  	v1 =	vmul.f32 $8.000000000e+00, v3;
	v3 =	vld [tilespmem:s30+$0xFFFFFF80]  }
0x51: {  	v6 =	vld [tilespmem:s26+$0xFFFFFF90];
	[tilespmem:s26+$0xFFFFCD80] =	vst v2;
	v2 =	vadd.f32 v8, v5  }
0x52: {  	v5 =	vld [tilespmem:s30+$0xFFFFFFC0]  }
0x53: {  	[tilespmem:s26+$0xFFFFCDC0] =	vst v2;
	v2 =	vld [tilespmem:s26+$0xFFFFFFE0];
	v0 =	vadd.f32 v0, v1;
	v1 =	vmul.f32 $8.000000000e+00, v7  }
0x54: {  	v8 =	vld [tilespmem:s26+$0xFFFFFF20]  }
0x55: {  	v7 =	vld [tilespmem:s30+$0x0];
	[tilespmem:s26+$0xFFFFFFD0] =	vst v0;
	v1 =	vadd.f32 v3, v1  }
0x56: {  	v4 =	vmul.f32 $8.000000000e+00, v4;
	v0 =	vld [tilespmem:s30+$0x50]  }
0x57: {  	v14 =	vld [tilespmem:s29+$0xFFFFFF80];
	[tilespmem:s26+$0xFFFFFF10] =	vst v1  }
0x58: {  	v4 =	vadd.f32 v5, v4;
	v5 =	vmul.f32 $8.000000000e+00, v6;
	v1 =	vmul.f32 $8.000000000e+00, v2;
	v2 =	vld [tilespmem:s30+$0xFFFFFF90]  }
0x59: {  	v15 =	vld [tilespmem:s29+$0xFFFFFFC0]  }
0x5a: {  	v16 =	vld [tilespmem:s29+$0x0];
	[tilespmem:s26+$0xFFFFFF50] =	vst v4;
	v4 =	vadd.f32 v7, v5  }
0x5b: {  	v17 =	vld [tilespmem:s28+$0xFFFFCD20];
	v0 =	vadd.f32 v0, v1;
	v1 =	vmul.f32 $8.000000000e+00, v8  }
0x5c: {  	[tilespmem:s26+$0xFFFFFF90] =	vst v4;
	v4 =	vld [tilespmem:s26+$0xFFFFFFF0]  }
0x5d: {  	v7 =	vld [tilespmem:s26+$0xFFFFFF30];
	[tilespmem:s26+$0xFFFFFFE0] =	vst v0;
	v1 =	vadd.f32 v2, v1  }
0x5e: {  	v0 =	vld [tilespmem:s30+$0x60]  }
0x5f: {  	v26 =	vld [tilespmem:s28+$0xFFFFCD60];
	[tilespmem:s26+$0xFFFFFF20] =	vst v1  }
0x60: {  	v9 =	vld [tilespmem:s30+$0xFFFFFFA0]  }
0x61: {  	v27 =	vld [tilespmem:s28+$0xFFFFCDA0];
	v1 =	vmul.f32 $8.000000000e+00, v4  }
0x62: {  	v28 =	vld [tilespmem:s28+$0xFFFFCD30]  }
0x63: {  	v29 =	vld [tilespmem:s28+$0xFFFFCDF0];
	v0 =	vadd.f32 v0, v1;
	v1 =	vmul.f32 $8.000000000e+00, v7  }
0x64: {  	v32 =	vld [tilespmem:s28+$0xFFFFCD70]  }
0x65: {  	v36 =	vld [tilespmem:s28+$0xFFFFCE00];
	v9 =	vadd.f32 v9, v1  }
0x66: {  	v39 =	vld [tilespmem:s28+$0xFFFFCD80]  }
0x67: {  	[tilespmem:s26+$0xFFFFFF30] =	vst v9;
	v9 =	vld [tilespmem:s28+$0xFFFFCDD0]  }
0x68: {  	v40 =	vld [tilespmem:s28+$0xFFFFCDC0]  }
0x69: {  	v47 =	vld [tilespmem:s28+$0xFFFFFF50]  }
0x6a: {  	v48 =	vld [tilespmem:s28+$0xFFFFFF90]  }
0x6b: {  	v49 =	vld [tilespmem:s28+$0xFFFFFF20]  }
0x6c: {  	v51 =	vld [tilespmem:s28+$0xFFFFFFE0];
	v9 =	vmul.f32 $8.000000000e+00, v9  }
0x6d: {  	v54 =	vld [tilespmem:s28+$0xFFFFFFA0]  }
0x6e: {  	v57 =	vld [tilespmem:s28+$0xFFFFFFF0];
	v9 =	vadd.f32 v11, v9  }
0x6f: {  	v12 =	vmul.f32 $8.000000000e+00, v12;
	v11 =	vld [tilespmem:s28+$0xFFFFCDE0]  }
0x70: {  	v59 =	vld [tilespmem:s28+$0xFFFFFF70];
	v13 =	vmul.f32 $8.000000000e+00, v13;
	[tilespmem:s28+$0xFFFFCDD0] =	vst v9  }
0x71: {  	v12 =	vadd.f32 v14, v12;
	v9 =	vmul.f32 $8.000000000e+00, v10;
	v10 =	vld [tilespmem:s29+$0x50]  }
0x72: {  	v60 =	vld [tilespmem:s28+$0xFFFFFFB0];
	v13 =	vadd.f32 v16, v13  }
0x73: {  	v61 =	vld [tilespmem:s28+$0xFFFFFF40];
	[tilespmem:s28+$0xFFFFCD10] =	vst v12;
	v9 =	vadd.f32 v15, v9  }
0x74: {  	[tilespmem:s28+$0xFFFFCD90] =	vst v13;
	v12 =	vld [tilespmem:s29+$0xFFFFFF90];
	v11 =	vmul.f32 $8.000000000e+00, v11  }
0x75: {  	v30 =	vld [tilespmem:s29+$0x10];
	[tilespmem:s28+$0xFFFFCD50] =	vst v9  }
0x76: {  	v9 =	vld [tilespmem:s29+$0xFFFFFFD0];
	v10 =	vadd.f32 v10, v11  }
0x77: {  	v3 =	vld [tilespmem:s26+$0xFFFFFF60]  }
0x78: {  	v6 =	vld [tilespmem:s26+$0xFFFFFFA0];
	v11 =	vmul.f32 $8.000000000e+00, v17;
	[tilespmem:s28+$0xFFFFCDE0] =	vst v10  }
0x79: {  	v10 =	vmul.f32 $8.000000000e+00, v26;
	v31 =	vld [tilespmem:s29+$0x60]  }
0x7a: {  	v5 =	vld [tilespmem:s30+$0xFFFFFFD0];
	v11 =	vadd.f32 v12, v11  }
0x7b: {  	v8 =	vld [tilespmem:s30+$0x10];
	v15 =	vmul.f32 $8.000000000e+00, v27;
	v9 =	vadd.f32 v9, v10  }
0x7c: {  	v10 =	vld [tilespmem:s28+$0xFFFFCDB0];
	[tilespmem:s28+$0xFFFFCD20] =	vst v11;
	v11 =	vmul.f32 $8.000000000e+00, v29  }
0x7d: {  	v15 =	vadd.f32 v30, v15;
	v33 =	vld [tilespmem:s29+$0xFFFFFFA0];
	[tilespmem:s28+$0xFFFFCD60] =	vst v9  }
0x7e: {  	v34 =	vld [tilespmem:s29+$0xFFFFFFE0];
	v11 =	vadd.f32 v31, v11  }
0x7f: {  	v2 =	vld [tilespmem:s26+$0xFFFFFF70];
	[tilespmem:s28+$0xFFFFCDA0] =	vst v15  }
0x80: {  	v35 =	vmul.f32 $8.000000000e+00, v28;
	v3 =	vmul.f32 $8.000000000e+00, v3;
	v37 =	vld [tilespmem:s29+$0x20];
	[tilespmem:s28+$0xFFFFCDF0] =	vst v11  }
0x81: {  	v11 =	vmul.f32 $8.000000000e+00, v32;
	v38 =	vld [tilespmem:s29+$0x70]  }
0x82: {  	v5 =	vadd.f32 v5, v3;
	v3 =	vld [tilespmem:s26+$0xFFFFFFB0];
	v13 =	vadd.f32 v33, v35  }
0x83: {  	v9 =	vld [tilespmem:s28+$0xFFFFCD40];
	v10 =	vmul.f32 $8.000000000e+00, v10;
	v11 =	vadd.f32 v34, v11  }
0x84: {  	v41 =	vmul.f32 $8.000000000e+00, v36;
	v4 =	vld [tilespmem:s26+$0xFFFFFF40];
	[tilespmem:s28+$0xFFFFCD30] =	vst v13  }
0x85: {  	v10 =	vadd.f32 v37, v10;
	v42 =	vld [tilespmem:s29+$0xFFFFFFB0];
	[tilespmem:s28+$0xFFFFCD70] =	vst v11  }
0x86: {  	v43 =	vld [tilespmem:s29+$0xFFFFFFF0];
	v12 =	vadd.f32 v38, v41  }
0x87: {  	[tilespmem:s28+$0xFFFFCDB0] =	vst v10;
	v10 =	vld [tilespmem:s28+$0xFFFFFFD0]  }
0x88: {  	v6 =	vmul.f32 $8.000000000e+00, v6;
	v9 =	vmul.f32 $8.000000000e+00, v9;
	v44 =	vld [tilespmem:s29+$0x30];
	[tilespmem:s28+$0xFFFFCE00] =	vst v12  }
0x89: {  	v45 =	vmul.f32 $8.000000000e+00, v39;
	[tilespmem:s26+$0xFFFFFF60] =	vst v5;
	v46 =	vld [tilespmem:s29+$0x40]  }
0x8a: {  	v5 =	vadd.f32 v8, v6;
	v6 =	vld [tilespmem:s30+$0xFFFFFFE0];
	v9 =	vadd.f32 v42, v9  }
0x8b: {  	v17 =	vmul.f32 $8.000000000e+00, v40;
	v11 =	vld [tilespmem:s28+$0xFFFFFF10];
	v12 =	vadd.f32 v43, v45  }
0x8c: {  	v8 =	vld [tilespmem:s26+$0x0];
	[tilespmem:s28+$0xFFFFCD40] =	vst v9;
	v9 =	vmul.f32 $8.000000000e+00, v10  }
0x8d: {  	v13 =	vadd.f32 v44, v17;
	v10 =	vld [tilespmem:s29+$0xFFFFFF80];
	[tilespmem:s28+$0xFFFFCD80] =	vst v12  }
0x8e: {  	[tilespmem:s26+$0xFFFFFFA0] =	vst v5;
	v50 =	vld [tilespmem:s29+$0xFFFFFFC0];
	v9 =	vadd.f32 v46, v9  }
0x8f: {  	v7 =	vld [tilespmem:s30+$0x20];
	[tilespmem:s28+$0xFFFFCDC0] =	vst v13  }
0x90: {  	v11 =	vmul.f32 $8.000000000e+00, v11;
	v52 =	vld [tilespmem:s29+$0x0];
	[tilespmem:s28+$0xFFFFFFD0] =	vst v9  }
0x91: {  	v9 =	vmul.f32 $8.000000000e+00, v47;
	v53 =	vld [tilespmem:s29+$0x50]  }
0x92: {  	v1 =	vld [tilespmem:s26+$0xFFFFFF80];
	v10 =	vadd.f32 v10, v11  }
0x93: {  	v16 =	vmul.f32 $8.000000000e+00, v48;
	[tilespmem:s26+$0xFFFFFFF0] =	vst v0;
	v0 =	vld [tilespmem:s26+$0xFFFFFFC0];
	v9 =	vadd.f32 v50, v9  }
0x94: {  	v11 =	vld [tilespmem:s28+$0xFFFFFF60];
	[tilespmem:s28+$0xFFFFFF10] =	vst v10;
	v10 =	vmul.f32 $8.000000000e+00, v51  }
0x95: {  	v14 =	vadd.f32 v52, v16;
	v55 =	vld [tilespmem:s29+$0xFFFFFF90];
	[tilespmem:s28+$0xFFFFFF50] =	vst v9  }
0x96: {  	v56 =	vld [tilespmem:s29+$0xFFFFFFD0];
	v10 =	vadd.f32 v53, v10  }
0x97: {  	v2 =	vmul.f32 $8.000000000e+00, v2;
	v5 =	vld [tilespmem:s30+$0x70];
	[tilespmem:s28+$0xFFFFFF90] =	vst v14  }
0x98: {  	v12 =	vmul.f32 $8.000000000e+00, v49;
	v58 =	vld [tilespmem:s29+$0x10];
	[tilespmem:s28+$0xFFFFFFE0] =	vst v10  }
0x99: {  	v2 =	vadd.f32 v6, v2;
	v10 =	vmul.f32 $8.000000000e+00, v11;
	v11 =	vld [tilespmem:s29+$0x60]  }
0x9a: {  	v6 =	vld [tilespmem:s30+$0xFFFFFFB0];
	v12 =	vadd.f32 v55, v12  }
0x9b: {  	[tilespmem:s26+$0xFFFFFF70] =	vst v2;
	v17 =	vmul.f32 $8.000000000e+00, v54;
	v9 =	vld [tilespmem:s28+$0xFFFFFF30];
	v10 =	vadd.f32 v56, v10  }
0x9c: {  	v2 =	vld [tilespmem:s30+$0xFFFFFFF0];
	v14 =	vmul.f32 $8.000000000e+00, v57;
	[tilespmem:s28+$0xFFFFFF20] =	vst v12  }
0x9d: {  	v3 =	vmul.f32 $8.000000000e+00, v3;
	v62 =	vld [tilespmem:s29+$0xFFFFFFA0];
	[tilespmem:s28+$0xFFFFFF60] =	vst v10;
	v10 =	vadd.f32 v58, v17  }
0x9e: {  	v8 =	vmul.f32 $8.000000000e+00, v8;
	v63 =	vld [tilespmem:s29+$0xFFFFFFE0];
	v11 =	vadd.f32 v11, v14  }
0x9f: {  	v4 =	vmul.f32 $8.000000000e+00, v4;
	v3 =	vadd.f32 v7, v3;
	v7 =	vld [tilespmem:s28+$0x0];
	[tilespmem:s28+$0xFFFFFFA0] =	vst v10  }
0xa0: {  	v5 =	vadd.f32 v5, v8;
	v8 =	vmul.f32 $8.000000000e+00, v9;
	v9 =	vld [tilespmem:s29+$0x20];
	[tilespmem:s28+$0xFFFFFFF0] =	vst v11  }
0xa1: {  	[tilespmem:s26+$0xFFFFFFB0] =	vst v3;
	v3 =	vadd.f32 v6, v4;
	v6 =	vmul.f32 $8.000000000e+00, v59;
	v10 =	vld [tilespmem:s29+$0x70]  }
0xa2: {  	v1 =	vmul.f32 $8.000000000e+00, v1;
	[tilespmem:s26+$0x0] =	vst v5;
	v4 =	vld [tilespmem:s28+$0xFFFFFF80];
	v5 =	vadd.f32 v62, v8  }
0xa3: {  	[tilespmem:s26+$0xFFFFFF40] =	vst v3;
	v3 =	vld [tilespmem:s28+$0xFFFFFFC0];
	v8 =	vmul.f32 $8.000000000e+00, v60;
	v6 =	vadd.f32 v63, v6  }
0xa4: {  	v1 =	vadd.f32 v2, v1;
	v7 =	vmul.f32 $8.000000000e+00, v7;
	v2 =	vld [tilespmem:s30+$0x30];
	[tilespmem:s28+$0xFFFFFF30] =	vst v5  }
0xa5: {  	v5 =	vld [tilespmem:s29+$0xFFFFFFB0];
	[tilespmem:s28+$0xFFFFFF70] =	vst v6;
	v8 =	vadd.f32 v9, v8  }
0xa6: {  	s1 =	simm.s32 $0x4DF0;
	s31 =	simm.s32 $0x1AA80;
	v0 =	vmul.f32 $8.000000000e+00, v0;
	s30 =	simm.s32 $0x4;
	[tilespmem:s26+$0xFFFFFF80] =	vst v1;
	v1 =	vmul.f32 $8.000000000e+00, v61;
	v6 =	vld [tilespmem:s29+$0xFFFFFFF0];
	v7 =	vadd.f32 v10, v7  }
.LBB2_3:
0xa7: {  	v9 =	vld [tilespmem:s1+$0xFFFFCDD0];
	s30 =	sadd.s32 $0x4, s30;
	v4 =	vmul.f32 $8.000000000e+00, v4;
	[tilespmem:s28+$0xFFFFFFB0] =	vst v8  }
0xa8: {  	s29 =	sadd.s32 $0x100, s29;
	v8 =	vld [tilespmem:s1+$0xFFFFCD50];
	p0 =	slt.u32 s30, $0xC4;
	v3 =	vmul.f32 $8.000000000e+00, v3;
	[tilespmem:s28+$0x0] =	vst v7  }
0xa9: {  	v7 =	vld [tilespmem:s29+$0x40];
	v2 =	vadd.f32 v2, v0  }
0xaa: {  	v10 =	vld [tilespmem:s1+$0xFFFFCD90];
	v1 =	vadd.f32 v5, v1;
	v0 =	vmov v3  }
0xab: {  	v3 =	vld [tilespmem:s1+$0xFFFFCD10];
	v4 =	vadd.f32 v6, v4;
	[tilespmem:s26+$0xFFFFFFC0] =	vst v2;
	s26 =	smov.u32 s28;
	s28 =	smov.u32 s1  }
0xac: {  	v2 =	vld [tilespmem:s29+$0xFFFFFF80];
	v5 =	vmul.f32 $8.000000000e+00, v9;
	[tilespmem:s26+$0xFFFFFF40] =	vst v1  }
0xad: {  	v1 =	vmul.f32 $8.000000000e+00, v8;
	v6 =	vld [tilespmem:s29+$0xFFFFFFC0];
	[tilespmem:s26+$0xFFFFFF80] =	vst v4  }
0xae: {  	v4 =	vld [tilespmem:s29+$0x0];
	v5 =	vadd.f32 v7, v5  }
0xaf: {  	v7 =	vmul.f32 $8.000000000e+00, v10;
	v8 =	vld [tilespmem:s1+$0xFFFFCDE0]  }
0xb0: {  	v3 =	vmul.f32 $8.000000000e+00, v3;
	v9 =	vld [tilespmem:s1+$0xFFFFCD20];
	[tilespmem:s1+$0xFFFFCDD0] =	vst v5  }
0xb1: {  	v5 =	vld [tilespmem:s29+$0x50]  }
0xb2: {  	v2 =	vadd.f32 v2, v3;
	v1 =	vadd.f32 v6, v1;
	v3 =	vld [tilespmem:s1+$0xFFFFCD60]  }
0xb3: {  	v4 =	vadd.f32 v4, v7;
	v6 =	vld [tilespmem:s1+$0xFFFFCDA0]  }
0xb4: {  	[tilespmem:s1+$0xFFFFCD10] =	vst v2;
	v2 =	vld [tilespmem:s1+$0xFFFFCD30];
	v7 =	vmul.f32 $8.000000000e+00, v8  }
0xb5: {  	v8 =	vmul.f32 $8.000000000e+00, v9;
	v9 =	vld [tilespmem:s29+$0xFFFFFF90];
	[tilespmem:s1+$0xFFFFCD50] =	vst v1  }
0xb6: {  	v1 =	vld [tilespmem:s29+$0xFFFFFFD0];
	[tilespmem:s1+$0xFFFFCD90] =	vst v4;
	v4 =	vadd.f32 v5, v7  }
0xb7: {  	v3 =	vmul.f32 $8.000000000e+00, v3;
	v5 =	vld [tilespmem:s1+$0xFFFFCDF0]  }
0xb8: {  	v6 =	vmul.f32 $8.000000000e+00, v6;
	v7 =	vld [tilespmem:s29+$0x10];
	[tilespmem:s1+$0xFFFFCDE0] =	vst v4  }
0xb9: {  	v2 =	vmul.f32 $8.000000000e+00, v2;
	v4 =	vld [tilespmem:s29+$0x60]  }
0xba: {  	v8 =	vadd.f32 v9, v8;
	v9 =	vld [tilespmem:s1+$0xFFFFCD70]  }
0xbb: {  	v1 =	vadd.f32 v1, v3;
	v3 =	vld [tilespmem:s1+$0xFFFFCDB0]  }
0xbc: {  	[tilespmem:s1+$0xFFFFCD20] =	vst v8;
	v8 =	vld [tilespmem:s1+$0xFFFFCD40];
	v5 =	vmul.f32 $8.000000000e+00, v5  }
0xbd: {  	v10 =	vld [tilespmem:s29+$0xFFFFFFA0];
	[tilespmem:s1+$0xFFFFCD60] =	vst v1;
	v1 =	vadd.f32 v7, v6  }
0xbe: {  	v6 =	vld [tilespmem:s29+$0xFFFFFFE0];
	v4 =	vadd.f32 v4, v5  }
0xbf: {  	v5 =	vmul.f32 $8.000000000e+00, v9;
	[tilespmem:s1+$0xFFFFCDA0] =	vst v1;
	v1 =	vld [tilespmem:s1+$0xFFFFCE00]  }
0xc0: {  	v3 =	vmul.f32 $8.000000000e+00, v3;
	v7 =	vld [tilespmem:s29+$0x20];
	[tilespmem:s1+$0xFFFFCDF0] =	vst v4  }
0xc1: {  	v4 =	vmul.f32 $8.000000000e+00, v8;
	v8 =	vld [tilespmem:s29+$0x70]  }
0xc2: {  	v2 =	vadd.f32 v10, v2;
	v9 =	vld [tilespmem:s1+$0xFFFFCD80]  }
0xc3: {  	v5 =	vadd.f32 v6, v5;
	v6 =	vld [tilespmem:s1+$0xFFFFCDC0]  }
0xc4: {  	[tilespmem:s1+$0xFFFFCD30] =	vst v2;
	v2 =	vld [tilespmem:s1+$0xFFFFFF10];
	v1 =	vmul.f32 $8.000000000e+00, v1  }
0xc5: {  	v10 =	vld [tilespmem:s29+$0xFFFFFFB0];
	[tilespmem:s1+$0xFFFFCD70] =	vst v5;
	v3 =	vadd.f32 v7, v3  }
0xc6: {  	v5 =	vld [tilespmem:s29+$0xFFFFFFF0];
	v1 =	vadd.f32 v8, v1  }
0xc7: {  	v7 =	vmul.f32 $8.000000000e+00, v9;
	[tilespmem:s1+$0xFFFFCDB0] =	vst v3;
	v3 =	vld [tilespmem:s1+$0xFFFFFFD0]  }
0xc8: {  	v6 =	vmul.f32 $8.000000000e+00, v6;
	v8 =	vld [tilespmem:s29+$0x30];
	[tilespmem:s1+$0xFFFFCE00] =	vst v1  }
0xc9: {  	v1 =	vmul.f32 $8.000000000e+00, v2;
	v2 =	vld [tilespmem:s29+$0x40]  }
0xca: {  	v4 =	vadd.f32 v10, v4;
	v9 =	vld [tilespmem:s1+$0xFFFFFF50]  }
0xcb: {  	v5 =	vadd.f32 v5, v7;
	v7 =	vld [tilespmem:s1+$0xFFFFFF90]  }
0xcc: {  	[tilespmem:s1+$0xFFFFCD40] =	vst v4;
	v4 =	vld [tilespmem:s1+$0xFFFFFF20];
	v3 =	vmul.f32 $8.000000000e+00, v3  }
0xcd: {  	v10 =	vld [tilespmem:s29+$0xFFFFFF80];
	[tilespmem:s1+$0xFFFFCD80] =	vst v5;
	v5 =	vadd.f32 v8, v6  }
0xce: {  	v6 =	vld [tilespmem:s29+$0xFFFFFFC0];
	v2 =	vadd.f32 v2, v3  }
0xcf: {  	v3 =	vmul.f32 $8.000000000e+00, v9;
	[tilespmem:s1+$0xFFFFCDC0] =	vst v5;
	v5 =	vld [tilespmem:s1+$0xFFFFFFE0]  }
0xd0: {  	v7 =	vmul.f32 $8.000000000e+00, v7;
	v8 =	vld [tilespmem:s29+$0x0];
	[tilespmem:s1+$0xFFFFFFD0] =	vst v2  }
0xd1: {  	v2 =	vmul.f32 $8.000000000e+00, v4;
	v4 =	vld [tilespmem:s29+$0x50]  }
0xd2: {  	v1 =	vadd.f32 v10, v1;
	v9 =	vld [tilespmem:s1+$0xFFFFFF60]  }
0xd3: {  	v3 =	vadd.f32 v6, v3;
	v6 =	vld [tilespmem:s1+$0xFFFFFFA0]  }
0xd4: {  	[tilespmem:s1+$0xFFFFFF10] =	vst v1;
	v1 =	vld [tilespmem:s1+$0xFFFFFF30];
	v5 =	vmul.f32 $8.000000000e+00, v5  }
0xd5: {  	v10 =	vld [tilespmem:s29+$0xFFFFFF90];
	[tilespmem:s1+$0xFFFFFF50] =	vst v3;
	v3 =	vadd.f32 v8, v7  }
0xd6: {  	v7 =	vld [tilespmem:s29+$0xFFFFFFD0];
	v4 =	vadd.f32 v4, v5  }
0xd7: {  	v5 =	vmul.f32 $8.000000000e+00, v9;
	[tilespmem:s1+$0xFFFFFF90] =	vst v3;
	v3 =	vld [tilespmem:s1+$0xFFFFFFF0]  }
0xd8: {  	v6 =	vmul.f32 $8.000000000e+00, v6;
	v8 =	vld [tilespmem:s29+$0x10];
	[tilespmem:s1+$0xFFFFFFE0] =	vst v4  }
0xd9: {  	v4 =	vmul.f32 $8.000000000e+00, v1;
	v1 =	vld [tilespmem:s29+$0x60]  }
0xda: {  	v2 =	vadd.f32 v10, v2;
	v9 =	vld [tilespmem:s1+$0xFFFFFF70]  }
0xdb: {  	v5 =	vadd.f32 v7, v5;
	v7 =	vld [tilespmem:s1+$0xFFFFFFB0]  }
0xdc: {  	[tilespmem:s1+$0xFFFFFF20] =	vst v2;
	v2 =	vld [tilespmem:s1+$0xFFFFFF40];
	v3 =	vmul.f32 $8.000000000e+00, v3  }
0xdd: {  	v10 =	vld [tilespmem:s29+$0xFFFFFFA0];
	[tilespmem:s1+$0xFFFFFF60] =	vst v5;
	v5 =	vadd.f32 v8, v6  }
0xde: {  	v6 =	vld [tilespmem:s29+$0xFFFFFFE0];
	v1 =	vadd.f32 v1, v3  }
0xdf: {  	v3 =	vmul.f32 $8.000000000e+00, v9;
	[tilespmem:s1+$0xFFFFFFA0] =	vst v5;
	v5 =	vld [tilespmem:s1+$0x0]  }
0xe0: {  	v7 =	vmul.f32 $8.000000000e+00, v7;
	v8 =	vld [tilespmem:s29+$0x20];
	[tilespmem:s1+$0xFFFFFFF0] =	vst v1  }
0xe1: {  	v1 =	vmul.f32 $8.000000000e+00, v2;
	v9 =	vld [tilespmem:s29+$0x70]  }
.Ltmp2:
0xe2: {  	v2 =	vadd.f32 v10, v4;
	v4 =	vld [tilespmem:s1+$0xFFFFFF80];
	(pc) =	sbr.rel @p0 .LBB2_3-.Ltmp2, $4  }
0xe3: {  	v6 =	vadd.f32 v6, v3;
	v3 =	vld [tilespmem:s1+$0xFFFFFFC0]  }
0xe4: {  	[tilespmem:s1+$0xFFFFFF30] =	vst v2;
	v10 =	vmul.f32 $8.000000000e+00, v5;
	v2 =	vld [tilespmem:s31+$0x30];
	s31 =	smov.u32 s29  }
0xe5: {  	v5 =	vld [tilespmem:s29+$0xFFFFFFB0];
	[tilespmem:s1+$0xFFFFFF70] =	vst v6;
	v8 =	vadd.f32 v8, v7  }
0xe6: {  	s1 =	sadd.s32 $0x100, s1;
	v6 =	vld [tilespmem:s29+$0xFFFFFFF0];
	v7 =	vadd.f32 v9, v10  }
0xe7: {  	[tilespmem:s28+$0xFFFFFFB0] =	vst v8  }
0xe8: {  	v8 =	vld [tilespmem:s31+$0x30];
	_ =	sdelay $0x1  }
0xe9: {  	v4 =	vmul.f32 $8.000000000e+00, v4;
	v0 =	vadd.f32 v2, v0  }
0xea: {  	s29 =	sshll.u32 s25, $0x2;
	[tilespmem:s28+$0x0] =	vst v7;
	v2 =	vmul.f32 $8.000000000e+00, v3;
	v1 =	vadd.f32 v5, v1  }
0xeb: {  	s1 =	sadd.s32 s3, s29;
	v3 =	vadd.f32 v6, v4;
	[tilespmem:s26+$0xFFFFFFC0] =	vst v0  }
0xec: {  	s1 =	smul.u32 $0xC80, s1;
	[tilespmem:s28+$0xFFFFFF40] =	vst v1;
	v0 =	vadd.f32 v8, v2  }
0xed: {  	[tilespmem:s28+$0xFFFFFF80] =	vst v3  }
0xee: {  	p0 =	seq.s32 s25, $0x0;
	s1 =	sadd.s32 s2, s1;
	[tilespmem:s28+$0xFFFFFFC0] =	vst v0  }
0xef: {  	[hbm4b:s1+s4] =	stream.linear.scatter [tilespmem:s12], [sflag:$0x5], $0x6400, $0x38;
	[tilespmem:$0x1DB00] =	vst v63  }
0xf0: {  	s28 =	sor.u32 $0x2, s29;
	s1 =	simm.s32 @!p0 $0x7  }
0xf1: {  	s31 =	smul.u32 $0x640, s28;
	_ =	swait.ge @!p0 [sflag:s1], $0x6400  }
0xf2: {  	[sflag:s1] =	ssyncset.done @!p0 $0x0  }
0xf3: {  	s31 =	sshra.s32 s31, $0x2;
	[sflag:s1] =	ssyncadd.s32 @!p0 $0xFFFF9C00  }
0xf4: {  	[tilespmem:s15], [sflag:$0x3] =	stream.indirect.gather [hbm4b:s6+s11], $0x40, s31, s11, $0xb8;
	[tilespmem:$0x1DB00] =	vst v63  }
0xf5: {  	_ =	swait.ge [sflag:s16], $0x6400  }
0xf6: {  	[sflag:s16] =	ssyncset.done $0x0  }
0xf7: {  	s26 =	simm.s32 $0x0;
	[sflag:s16] =	ssyncadd.s32 $0xFFFF9C00  }
0xf8: {  	v0 =	vld [tilespmem:s26+$0xAFF0]  }
0xf9: {  	v1 =	vld [tilespmem:s26+$0x7D00]  }
0xfa: {  	v2 =	vld [tilespmem:s26+$0x1A9F0]  }
0xfb: {  	v3 =	vld [tilespmem:s26+$0x7D10]  }
0xfc: {  	v4 =	vld [tilespmem:s26+$0x7D20]  }
0xfd: {  	v5 =	vld [tilespmem:s26+$0x7D30]  }
0xfe: {  	v6 =	vld [tilespmem:s26+$0xAF00]  }
0xff: {  	v7 =	vld [tilespmem:s26+$0xAF10]  }
0x100: {  	v8 =	vld [tilespmem:s26+$0xAF20]  }
0x101: {  	v9 =	vld [tilespmem:s26+$0xAF30]  }
0x102: {  	v10 =	vld [tilespmem:s26+$0x7D40]  }
0x103: {  	v11 =	vld [tilespmem:s26+$0x7D50]  }
0x104: {  	v12 =	vld [tilespmem:s26+$0x7D60]  }
0x105: {  	v13 =	vld [tilespmem:s26+$0x7D70]  }
0x106: {  	v14 =	vld [tilespmem:s26+$0xAF40]  }
0x107: {  	v15 =	vld [tilespmem:s26+$0xAF50]  }
0x108: {  	v16 =	vld [tilespmem:s26+$0xAF60]  }
0x109: {  	v17 =	vld [tilespmem:s26+$0xAF70]  }
0x10a: {  	v18 =	vld [tilespmem:s26+$0x7D80]  }
0x10b: {  	v19 =	vld [tilespmem:s26+$0x7D90]  }
0x10c: {  	v20 =	vld [tilespmem:s26+$0x7DA0]  }
0x10d: {  	v21 =	vld [tilespmem:s26+$0x7DB0]  }
0x10e: {  	v22 =	vld [tilespmem:s26+$0xAF80]  }
0x10f: {  	v23 =	vld [tilespmem:s26+$0xAFA0]  }
0x110: {  	v24 =	vld [tilespmem:s26+$0x7DC0]  }
0x111: {  	v25 =	vld [tilespmem:s26+$0x7DD0]  }
0x112: {  	v26 =	vld [tilespmem:s26+$0x7DE0]  }
0x113: {  	v27 =	vld [tilespmem:s26+$0x7DF0]  }
0x114: {  	v28 =	vld [tilespmem:s26+$0xAFC0]  }
0x115: {  	v29 =	vld [tilespmem:s26+$0xAFD0]  }
0x116: {  	v30 =	vld [tilespmem:s26+$0xAFE0]  }
0x117: {  	v31 =	vld [tilespmem:s26+$0x1A900]  }
0x118: {  	v32 =	vld [tilespmem:s26+$0x1A910]  }
0x119: {  	v33 =	vld [tilespmem:s26+$0x1A920]  }
0x11a: {  	v34 =	vld [tilespmem:s26+$0x1A930]  }
0x11b: {  	v35 =	vld [tilespmem:s26+$0x1A930];
	v0 =	vmul.f32 $8.000000000e+00, v0  }
0x11c: {  	v36 =	vld [tilespmem:s26+$0x1A940];
	v1 =	vmul.f32 $8.000000000e+00, v1  }
0x11d: {  	v37 =	vld [tilespmem:s26+$0x1A950];
	v3 =	vmul.f32 $8.000000000e+00, v3;
	v0 =	vadd.f32 v2, v0  }
0x11e: {  	v62 =	vld [tilespmem:s26+$0x1A9C0];
	v5 =	vmul.f32 $8.000000000e+00, v5;
	v1 =	vadd.f32 v31, v1  }
0x11f: {  	v4 =	vmul.f32 $8.000000000e+00, v4;
	v6 =	vmul.f32 $8.000000000e+00, v6;
	v2 =	vld [tilespmem:s26+$0xAF90];
	v3 =	vadd.f32 v32, v3;
	[tilespmem:s26+$0xAFF0] =	vst v0  }
0x120: {  	v8 =	vmul.f32 $8.000000000e+00, v8;
	v5 =	vadd.f32 v34, v5;
	v0 =	vld [tilespmem:s26+$0xAFB0];
	[tilespmem:s26+$0x7D00] =	vst v1  }
0x121: {  	v6 =	vadd.f32 v31, v6;
	v1 =	vadd.f32 v33, v4;
	v4 =	vld [tilespmem:s26+$0x1A960];
	[tilespmem:s26+$0x7D10] =	vst v3  }
0x122: {  	v9 =	vmul.f32 $8.000000000e+00, v9;
	v8 =	vadd.f32 v33, v8;
	v3 =	vmul.f32 $8.000000000e+00, v7;
	v7 =	vld [tilespmem:s26+$0x1A970];
	[tilespmem:s26+$0x7D30] =	vst v5  }
0x123: {  	v10 =	vmul.f32 $8.000000000e+00, v10;
	v5 =	vld [tilespmem:s26+$0x1A950];
	[tilespmem:s26+$0xAF00] =	vst v6  }
0x124: {  	v9 =	vadd.f32 v35, v9;
	v6 =	vld [tilespmem:s26+$0x1A960];
	[tilespmem:s26+$0xAF20] =	vst v8  }
0x125: {  	v11 =	vmul.f32 $8.000000000e+00, v11;
	v10 =	vadd.f32 v36, v10;
	[tilespmem:s26+$0x7D20] =	vst v1;
	v1 =	vld [tilespmem:s26+$0x1A940]  }
0x126: {  	v12 =	vmul.f32 $8.000000000e+00, v12;
	v8 =	vld [tilespmem:s26+$0x1A980];
	[tilespmem:s26+$0xAF30] =	vst v9;
	v3 =	vadd.f32 v32, v3  }
0x127: {  	v13 =	vmul.f32 $8.000000000e+00, v13;
	v11 =	vadd.f32 v37, v11;
	v9 =	vld [tilespmem:s26+$0x1A990];
	[tilespmem:s26+$0x7D40] =	vst v10  }
0x128: {  	v14 =	vmul.f32 $8.000000000e+00, v14;
	[tilespmem:s26+$0xAF10] =	vst v3;
	v3 =	vld [tilespmem:s26+$0x1A970];
	v4 =	vadd.f32 v4, v12  }
0x129: {  	v10 =	vld [tilespmem:s26+$0x1A9A0];
	[tilespmem:s26+$0x7D50] =	vst v11;
	v12 =	vmul.f32 $8.000000000e+00, v15;
	v7 =	vadd.f32 v7, v13  }
0x12a: {  	v59 =	vmul.f32 $8.000000000e+00, v22;
	v11 =	vld [tilespmem:s26+$0x1A9B0];
	v13 =	vmul.f32 $8.000000000e+00, v16;
	v1 =	vadd.f32 v1, v14;
	[tilespmem:s26+$0x7D60] =	vst v4  }
0x12b: {  	v63 =	vmul.f32 $8.000000000e+00, v24;
	v15 =	vmul.f32 $8.000000000e+00, v17;
	v14 =	vld [tilespmem:s26+$0x1A980];
	v5 =	vadd.f32 v5, v12;
	[tilespmem:s26+$0x7D70] =	vst v7  }
0x12c: {  	v60 =	vmul.f32 $8.000000000e+00, v2;
	v4 =	vmul.f32 $8.000000000e+00, v18;
	v12 =	vld [tilespmem:s26+$0x1A990];
	v6 =	vadd.f32 v6, v13;
	[tilespmem:s26+$0xAF40] =	vst v1  }
0x12d: {  	v2 =	vmul.f32 $8.000000000e+00, v26;
	v16 =	vmul.f32 $8.000000000e+00, v19;
	v13 =	vld [tilespmem:s26+$0x1A9A0];
	v1 =	vadd.f32 v3, v15;
	[tilespmem:s26+$0xAF50] =	vst v5  }
0x12e: {  	v17 =	vmul.f32 $8.000000000e+00, v21;
	v7 =	vmul.f32 $8.000000000e+00, v20;
	v15 =	vld [tilespmem:s26+$0x1A9B0];
	v3 =	vadd.f32 v8, v4;
	[tilespmem:s26+$0xAF60] =	vst v6  }
0x12f: {  	v61 =	vmul.f32 $8.000000000e+00, v0;
	v0 =	vmul.f32 $8.000000000e+00, v27;
	v8 =	vadd.f32 v9, v16;
	v6 =	vld [tilespmem:s26+$0x1A9D0];
	[tilespmem:s26+$0xAF70] =	vst v1  }
0x130: {  	v5 =	vmul.f32 $8.000000000e+00, v23;
	v4 =	vmul.f32 $8.000000000e+00, v25;
	v9 =	vadd.f32 v10, v7;
	v7 =	vld [tilespmem:s26+$0x1A9E0];
	[tilespmem:s26+$0x7D80] =	vst v3  }
0x131: {  	v10 =	vadd.f32 v11, v17;
	v1 =	vmul.f32 $8.000000000e+00, v28;
	[tilespmem:s26+$0x7D90] =	vst v8;
	v8 =	vld [tilespmem:s26+$0x1A9F0];
	v11 =	vadd.f32 v14, v59  }
0x132: {  	v3 =	vmul.f32 $8.000000000e+00, v29;
	[tilespmem:s26+$0x7DA0] =	vst v9;
	v9 =	vld [tilespmem:s26+$0x1A9C0];
	v12 =	vadd.f32 v12, v60;
	v13 =	vadd.f32 v13, v5  }
0x133: {  	s30 =	simm.s32 $0x400;
	s1 =	simm.s32 $0x0;
	[tilespmem:s26+$0x7DB0] =	vst v10;
	v10 =	vld [tilespmem:s26+$0x1A9D0];
	v5 =	vmul.f32 $8.000000000e+00, v30;
	v14 =	vadd.f32 v15, v61;
	v15 =	vadd.f32 v62, v63  }
.LBB2_5:
0x134: {  	s31 =	sshra.s32 s30, $0x2;
	s1 =	sadd.s32 $0x4, s1;
	[tilespmem:s26+$0xAF80] =	vst v11;
	v4 =	vadd.f32 v6, v4;
	v6 =	vld [tilespmem:s26+$0x1A9E0]  }
0x135: {  	v11 =	vld [tilespmem:s31+$0xAFF0];
	p1 =	slt.u32 s1, $0xC4;
	[tilespmem:s26+$0xAF90] =	vst v12;
	v2 =	vadd.f32 v7, v2  }
0x136: {  	v7 =	vld [tilespmem:s31+$0x7D00];
	[tilespmem:s26+$0xAFA0] =	vst v13;
	v0 =	vadd.f32 v8, v0  }
0x137: {  	v8 =	vld [tilespmem:s31+$0x1A9F0];
	[tilespmem:s26+$0xAFB0] =	vst v14;
	v1 =	vadd.f32 v9, v1  }
0x138: {  	v9 =	vld [tilespmem:s31+$0x7D10];
	[tilespmem:s26+$0x7DC0] =	vst v15;
	v3 =	vadd.f32 v10, v3  }
0x139: {  	v10 =	vld [tilespmem:s31+$0x7D20];
	[tilespmem:s26+$0x7DD0] =	vst v4;
	v4 =	vadd.f32 v6, v5  }
0x13a: {  	v5 =	vld [tilespmem:s31+$0x7D30];
	v6 =	vmul.f32 $8.000000000e+00, v11;
	[tilespmem:s26+$0x7DE0] =	vst v2  }
0x13b: {  	v7 =	vmul.f32 $8.000000000e+00, v7;
	v2 =	vld [tilespmem:s31+$0xAF00];
	[tilespmem:s26+$0x7DF0] =	vst v0  }
0x13c: {  	v0 =	vld [tilespmem:s31+$0xAF10];
	v6 =	vadd.f32 v8, v6;
	[tilespmem:s26+$0xAFC0] =	vst v1  }
0x13d: {  	v8 =	vmul.f32 $8.000000000e+00, v9;
	v1 =	vld [tilespmem:s31+$0xAF20];
	[tilespmem:s26+$0xAFD0] =	vst v3  }
0x13e: {  	v9 =	vmul.f32 $8.000000000e+00, v10;
	v3 =	vld [tilespmem:s31+$0xAF30];
	[tilespmem:s31+$0xAFF0] =	vst v6  }
0x13f: {  	v6 =	vmul.f32 $8.000000000e+00, v5;
	v5 =	vld [tilespmem:s31+$0x7D40];
	[tilespmem:s26+$0xAFE0] =	vst v4;
	s26 =	smov.u32 s31  }
0x140: {  	v10 =	vmul.f32 $8.000000000e+00, v2;
	v2 =	vld [tilespmem:s26+$0x7D50]  }
0x141: {  	v11 =	vmul.f32 $8.000000000e+00, v0;
	v0 =	vld [tilespmem:s26+$0x7D60]  }
0x142: {  	v12 =	vmul.f32 $8.000000000e+00, v1;
	v1 =	vld [tilespmem:s26+$0x7D70]  }
0x143: {  	v13 =	vmul.f32 $8.000000000e+00, v3;
	v3 =	vld [tilespmem:s26+$0xAF40]  }
0x144: {  	v14 =	vmul.f32 $8.000000000e+00, v5;
	v4 =	vld [tilespmem:s26+$0xAF50]  }
0x145: {  	v15 =	vmul.f32 $8.000000000e+00, v2;
	v2 =	vld [tilespmem:s26+$0xAF60]  }
0x146: {  	v16 =	vmul.f32 $8.000000000e+00, v0;
	v0 =	vld [tilespmem:s26+$0xAF70]  }
0x147: {  	v17 =	vmul.f32 $8.000000000e+00, v1;
	v1 =	vld [tilespmem:s26+$0x7D80]  }
0x148: {  	v18 =	vmul.f32 $8.000000000e+00, v3;
	v3 =	vld [tilespmem:s26+$0x7D90]  }
0x149: {  	v19 =	vmul.f32 $8.000000000e+00, v4;
	v4 =	vld [tilespmem:s26+$0x7DA0]  }
0x14a: {  	v20 =	vmul.f32 $8.000000000e+00, v2;
	v2 =	vld [tilespmem:s26+$0x7DB0]  }
0x14b: {  	v21 =	vmul.f32 $8.000000000e+00, v0;
	v0 =	vld [tilespmem:s26+$0xAF80]  }
0x14c: {  	v22 =	vmul.f32 $8.000000000e+00, v1;
	v1 =	vld [tilespmem:s26+$0xAF90]  }
0x14d: {  	v23 =	vmul.f32 $8.000000000e+00, v3;
	v3 =	vld [tilespmem:s26+$0xAFA0]  }
0x14e: {  	v24 =	vmul.f32 $8.000000000e+00, v4;
	v4 =	vld [tilespmem:s26+$0xAFB0]  }
0x14f: {  	v25 =	vmul.f32 $8.000000000e+00, v2;
	v2 =	vld [tilespmem:s26+$0x7DC0]  }
0x150: {  	v26 =	vmul.f32 $8.000000000e+00, v0;
	v0 =	vld [tilespmem:s26+$0x7DD0]  }
0x151: {  	v27 =	vmul.f32 $8.000000000e+00, v1;
	v1 =	vld [tilespmem:s26+$0x7DE0]  }
0x152: {  	v28 =	vmul.f32 $8.000000000e+00, v3;
	v3 =	vld [tilespmem:s26+$0x7DF0]  }
0x153: {  	v29 =	vmul.f32 $8.000000000e+00, v4;
	v5 =	vld [tilespmem:s26+$0xAFC0]  }
0x154: {  	v30 =	vmul.f32 $8.000000000e+00, v2;
	v31 =	vld [tilespmem:s26+$0xAFD0]  }
0x155: {  	v4 =	vmul.f32 $8.000000000e+00, v0;
	v32 =	vld [tilespmem:s26+$0xAFE0]  }
0x156: {  	v33 =	vld [tilespmem:s26+$0x1A900];
	v2 =	vmul.f32 $8.000000000e+00, v1  }
0x157: {  	v34 =	vld [tilespmem:s26+$0x1A910];
	v0 =	vmul.f32 $8.000000000e+00, v3  }
0x158: {  	v35 =	vld [tilespmem:s26+$0x1A920];
	v1 =	vmul.f32 $8.000000000e+00, v5  }
0x159: {  	v36 =	vld [tilespmem:s26+$0x1A930];
	v3 =	vmul.f32 $8.000000000e+00, v31  }
0x15a: {  	v31 =	vld [tilespmem:s26+$0x1A930];
	v5 =	vmul.f32 $8.000000000e+00, v32  }
0x15b: {  	v7 =	vadd.f32 v33, v7;
	v10 =	vadd.f32 v33, v10;
	v32 =	vld [tilespmem:s26+$0x1A940]  }
0x15c: {  	v8 =	vadd.f32 v34, v8;
	v11 =	vadd.f32 v34, v11;
	v33 =	vld [tilespmem:s26+$0x1A950]  }
0x15d: {  	[tilespmem:s26+$0x7D00] =	vst v7;
	v7 =	vadd.f32 v35, v9;
	v9 =	vadd.f32 v35, v12;
	v12 =	vld [tilespmem:s26+$0x1A960]  }
0x15e: {  	[tilespmem:s26+$0x7D10] =	vst v8;
	v6 =	vadd.f32 v36, v6;
	v8 =	vld [tilespmem:s26+$0x1A970]  }
0x15f: {  	[tilespmem:s26+$0x7D20] =	vst v7;
	v7 =	vadd.f32 v31, v13;
	v13 =	vld [tilespmem:s26+$0x1A940]  }
0x160: {  	[tilespmem:s26+$0x7D30] =	vst v6;
	v6 =	vadd.f32 v32, v14;
	v14 =	vld [tilespmem:s26+$0x1A950]  }
0x161: {  	[tilespmem:s26+$0xAF00] =	vst v10;
	v10 =	vadd.f32 v33, v15;
	v15 =	vld [tilespmem:s26+$0x1A960]  }
0x162: {  	[tilespmem:s26+$0xAF10] =	vst v11;
	v11 =	vadd.f32 v12, v16;
	v12 =	vld [tilespmem:s26+$0x1A970]  }
0x163: {  	[tilespmem:s26+$0xAF20] =	vst v9;
	v8 =	vadd.f32 v8, v17;
	v9 =	vld [tilespmem:s26+$0x1A980]  }
0x164: {  	[tilespmem:s26+$0xAF30] =	vst v7;
	v7 =	vadd.f32 v13, v18;
	v13 =	vld [tilespmem:s26+$0x1A990]  }
0x165: {  	[tilespmem:s26+$0x7D40] =	vst v6;
	v6 =	vadd.f32 v14, v19;
	v14 =	vld [tilespmem:s26+$0x1A9A0]  }
0x166: {  	[tilespmem:s26+$0x7D50] =	vst v10;
	v10 =	vadd.f32 v15, v20;
	v15 =	vld [tilespmem:s26+$0x1A9B0]  }
0x167: {  	[tilespmem:s26+$0x7D60] =	vst v11;
	v11 =	vadd.f32 v12, v21;
	v12 =	vld [tilespmem:s26+$0x1A980]  }
0x168: {  	[tilespmem:s26+$0x7D70] =	vst v8;
	v8 =	vadd.f32 v9, v22;
	v9 =	vld [tilespmem:s26+$0x1A990]  }
0x169: {  	[tilespmem:s26+$0xAF40] =	vst v7;
	v13 =	vadd.f32 v13, v23;
	v16 =	vld [tilespmem:s26+$0x1A9A0]  }
0x16a: {  	[tilespmem:s26+$0xAF50] =	vst v6;
	v14 =	vadd.f32 v14, v24;
	v17 =	vld [tilespmem:s26+$0x1A9B0]  }
0x16b: {  	[tilespmem:s26+$0xAF60] =	vst v10;
	v10 =	vadd.f32 v15, v25;
	v15 =	vld [tilespmem:s26+$0x1A9C0]  }
.Ltmp3:
0x16c: {  	[tilespmem:s26+$0xAF70] =	vst v11;
	v11 =	vadd.f32 v12, v26;
	v6 =	vld [tilespmem:s26+$0x1A9D0];
	(pc) =	sbr.rel @p1 .LBB2_5-.Ltmp3, $4  }
0x16d: {  	[tilespmem:s26+$0x7D80] =	vst v8;
	v12 =	vadd.f32 v9, v27;
	v7 =	vld [tilespmem:s26+$0x1A9E0]  }
0x16e: {  	[tilespmem:s26+$0x7D90] =	vst v13;
	v13 =	vadd.f32 v16, v28;
	v8 =	vld [tilespmem:s26+$0x1A9F0]  }
0x16f: {  	[tilespmem:s26+$0x7DA0] =	vst v14;
	v14 =	vadd.f32 v17, v29;
	v9 =	vld [tilespmem:s26+$0x1A9C0]  }
0x170: {  	s30 =	sadd.s32 $0x400, s30;
	[tilespmem:s26+$0x7DB0] =	vst v10;
	v15 =	vadd.f32 v15, v30;
	v10 =	vld [tilespmem:s26+$0x1A9D0]  }
0x171: {  	[tilespmem:s26+$0xAF80] =	vst v11  }
0x172: {  	[tilespmem:s26+$0xAF90] =	vst v12  }
0x173: {  	[tilespmem:s26+$0xAFA0] =	vst v13  }
0x174: {  	v4 =	vadd.f32 v6, v4;
	v6 =	vld [tilespmem:s26+$0x1A9E0];
	[tilespmem:s26+$0xAFB0] =	vst v14  }
0x175: {  	v2 =	vadd.f32 v7, v2;
	[tilespmem:s26+$0x7DC0] =	vst v15  }
0x176: {  	v0 =	vadd.f32 v8, v0;
	[tilespmem:s26+$0x7DD0] =	vst v4  }
0x177: {  	s1 =	sadd.s32 s29, s3;
	v1 =	vadd.f32 v9, v1;
	[tilespmem:s26+$0x7DE0] =	vst v2  }
0x178: {  	s1 =	smul.u32 $0xC80, s1;
	v2 =	vadd.f32 v10, v3;
	[tilespmem:s26+$0x7DF0] =	vst v0  }
0x179: {  	v0 =	vadd.f32 v6, v5;
	[tilespmem:s26+$0xAFC0] =	vst v1  }
0x17a: {  	s1 =	sadd.s32 s2, s1;
	[tilespmem:s26+$0xAFD0] =	vst v2  }
0x17b: {  	s1 =	sadd.s32 $0xC80, s1;
	[tilespmem:s26+$0xAFE0] =	vst v0  }
0x17c: {  	[hbm4b:s1+s4] =	stream.linear.scatter [tilespmem:s13], [sflag:$0x6], $0x6400, $0x38;
	[tilespmem:$0x1DB00] =	vst v63  }
0x17d: {  	s26 =	sor.u32 $0x3, s29;
	s1 =	simm.s32 @!p0 $0x8  }
0x17e: {  	s29 =	smul.u32 $0x640, s26;
	_ =	swait.ge @!p0 [sflag:s1], $0x6400  }
0x17f: {  	[sflag:s1] =	ssyncset.done @!p0 $0x0  }
0x180: {  	s31 =	sshra.s32 s29, $0x2;
	[sflag:s1] =	ssyncadd.s32 @!p0 $0xFFFF9C00  }
0x181: {  	[tilespmem:s17], [sflag:$0x4] =	stream.indirect.gather [hbm4b:s6+s11], $0x40, s31, s11, $0xb8;
	[tilespmem:$0x1DB00] =	vst v63  }
0x182: {  	_ =	swait.ge [sflag:s18], $0x6400  }
0x183: {  	[sflag:s18] =	ssyncset.done $0x0  }
0x184: {  	s29 =	simm.s32 $0x0;
	[sflag:s18] =	ssyncadd.s32 $0xFFFF9C00  }
0x185: {  	v0 =	vld [tilespmem:s29+$0x113F0]  }
0x186: {  	v1 =	vld [tilespmem:s29+$0xE100]  }
0x187: {  	v2 =	vld [tilespmem:s29+$0x1A9F0]  }
0x188: {  	v3 =	vld [tilespmem:s29+$0xE110]  }
0x189: {  	v4 =	vld [tilespmem:s29+$0xE120]  }
0x18a: {  	v5 =	vld [tilespmem:s29+$0xE130]  }
0x18b: {  	v6 =	vld [tilespmem:s29+$0x11300]  }
0x18c: {  	v7 =	vld [tilespmem:s29+$0x11310]  }
0x18d: {  	v8 =	vld [tilespmem:s29+$0x11320]  }
0x18e: {  	v9 =	vld [tilespmem:s29+$0x11330]  }
0x18f: {  	v10 =	vld [tilespmem:s29+$0xE140]  }
0x190: {  	v11 =	vld [tilespmem:s29+$0xE150]  }
0x191: {  	v12 =	vld [tilespmem:s29+$0xE160]  }
0x192: {  	v13 =	vld [tilespmem:s29+$0xE170]  }
0x193: {  	v14 =	vld [tilespmem:s29+$0x11340]  }
0x194: {  	v15 =	vld [tilespmem:s29+$0x11350]  }
0x195: {  	v16 =	vld [tilespmem:s29+$0x11360]  }
0x196: {  	v17 =	vld [tilespmem:s29+$0x11370]  }
0x197: {  	v18 =	vld [tilespmem:s29+$0xE180]  }
0x198: {  	v19 =	vld [tilespmem:s29+$0xE190]  }
0x199: {  	v20 =	vld [tilespmem:s29+$0xE1A0]  }
0x19a: {  	v21 =	vld [tilespmem:s29+$0xE1B0]  }
0x19b: {  	v22 =	vld [tilespmem:s29+$0x11380]  }
0x19c: {  	v23 =	vld [tilespmem:s29+$0x113A0]  }
0x19d: {  	v24 =	vld [tilespmem:s29+$0xE1C0]  }
0x19e: {  	v25 =	vld [tilespmem:s29+$0xE1D0]  }
0x19f: {  	v26 =	vld [tilespmem:s29+$0xE1E0]  }
0x1a0: {  	v27 =	vld [tilespmem:s29+$0xE1F0]  }
0x1a1: {  	v28 =	vld [tilespmem:s29+$0x113C0]  }
0x1a2: {  	v29 =	vld [tilespmem:s29+$0x113D0]  }
0x1a3: {  	v30 =	vld [tilespmem:s29+$0x113E0]  }
0x1a4: {  	v31 =	vld [tilespmem:s29+$0x1A900]  }
0x1a5: {  	v32 =	vld [tilespmem:s29+$0x1A910]  }
0x1a6: {  	v33 =	vld [tilespmem:s29+$0x1A920]  }
0x1a7: {  	v34 =	vld [tilespmem:s29+$0x1A930]  }
0x1a8: {  	v35 =	vld [tilespmem:s29+$0x1A930];
	v0 =	vmul.f32 $8.000000000e+00, v0  }
0x1a9: {  	v36 =	vld [tilespmem:s29+$0x1A940];
	v1 =	vmul.f32 $8.000000000e+00, v1  }
0x1aa: {  	v37 =	vld [tilespmem:s29+$0x1A950];
	v3 =	vmul.f32 $8.000000000e+00, v3;
	v0 =	vadd.f32 v2, v0  }
0x1ab: {  	v62 =	vld [tilespmem:s29+$0x1A9C0];
	v5 =	vmul.f32 $8.000000000e+00, v5;
	v1 =	vadd.f32 v31, v1  }
0x1ac: {  	v4 =	vmul.f32 $8.000000000e+00, v4;
	v6 =	vmul.f32 $8.000000000e+00, v6;
	v2 =	vld [tilespmem:s29+$0x11390];
	v3 =	vadd.f32 v32, v3;
	[tilespmem:s29+$0x113F0] =	vst v0  }
0x1ad: {  	v8 =	vmul.f32 $8.000000000e+00, v8;
	v5 =	vadd.f32 v34, v5;
	v0 =	vld [tilespmem:s29+$0x113B0];
	[tilespmem:s29+$0xE100] =	vst v1  }
0x1ae: {  	v6 =	vadd.f32 v31, v6;
	v1 =	vadd.f32 v33, v4;
	v4 =	vld [tilespmem:s29+$0x1A960];
	[tilespmem:s29+$0xE110] =	vst v3  }
0x1af: {  	v9 =	vmul.f32 $8.000000000e+00, v9;
	v8 =	vadd.f32 v33, v8;
	v3 =	vmul.f32 $8.000000000e+00, v7;
	v7 =	vld [tilespmem:s29+$0x1A970];
	[tilespmem:s29+$0xE130] =	vst v5  }
0x1b0: {  	v10 =	vmul.f32 $8.000000000e+00, v10;
	v5 =	vld [tilespmem:s29+$0x1A950];
	[tilespmem:s29+$0x11300] =	vst v6  }
0x1b1: {  	v11 =	vmul.f32 $8.000000000e+00, v11;
	v9 =	vadd.f32 v35, v9;
	v6 =	vld [tilespmem:s29+$0x1A960];
	[tilespmem:s29+$0x11320] =	vst v8  }
0x1b2: {  	v10 =	vadd.f32 v36, v10;
	[tilespmem:s29+$0xE120] =	vst v1;
	v1 =	vld [tilespmem:s29+$0x1A940]  }
0x1b3: {  	v12 =	vmul.f32 $8.000000000e+00, v12;
	v11 =	vadd.f32 v37, v11;
	v8 =	vld [tilespmem:s29+$0x1A980];
	[tilespmem:s29+$0x11330] =	vst v9  }
0x1b4: {  	v13 =	vmul.f32 $8.000000000e+00, v13;
	v9 =	vld [tilespmem:s29+$0x1A990];
	[tilespmem:s29+$0xE140] =	vst v10;
	v3 =	vadd.f32 v32, v3  }
0x1b5: {  	v14 =	vmul.f32 $8.000000000e+00, v14;
	v10 =	vld [tilespmem:s29+$0x1A9A0];
	[tilespmem:s29+$0xE150] =	vst v11;
	v4 =	vadd.f32 v4, v12  }
0x1b6: {  	[tilespmem:s29+$0x11310] =	vst v3;
	v3 =	vld [tilespmem:s29+$0x1A970];
	v12 =	vmul.f32 $8.000000000e+00, v15;
	v7 =	vadd.f32 v7, v13  }
0x1b7: {  	v59 =	vmul.f32 $8.000000000e+00, v22;
	v11 =	vld [tilespmem:s29+$0x1A9B0];
	v13 =	vmul.f32 $8.000000000e+00, v16;
	v1 =	vadd.f32 v1, v14;
	[tilespmem:s29+$0xE160] =	vst v4  }
0x1b8: {  	v63 =	vmul.f32 $8.000000000e+00, v24;
	v16 =	vmul.f32 $8.000000000e+00, v19;
	v4 =	vld [tilespmem:s29+$0x1A980];
	v5 =	vadd.f32 v5, v12;
	[tilespmem:s29+$0xE170] =	vst v7  }
0x1b9: {  	v60 =	vmul.f32 $8.000000000e+00, v2;
	v15 =	vmul.f32 $8.000000000e+00, v17;
	v12 =	vld [tilespmem:s29+$0x1A990];
	v6 =	vadd.f32 v6, v13;
	[tilespmem:s29+$0x11340] =	vst v1  }
0x1ba: {  	v2 =	vmul.f32 $8.000000000e+00, v26;
	v14 =	vmul.f32 $8.000000000e+00, v18;
	v13 =	vld [tilespmem:s29+$0x1A9A0];
	v9 =	vadd.f32 v9, v16;
	[tilespmem:s29+$0x11350] =	vst v5  }
0x1bb: {  	v17 =	vmul.f32 $8.000000000e+00, v21;
	v7 =	vmul.f32 $8.000000000e+00, v20;
	v1 =	vadd.f32 v3, v15;
	v15 =	vld [tilespmem:s29+$0x1A9B0];
	[tilespmem:s29+$0x11360] =	vst v6  }
0x1bc: {  	v61 =	vmul.f32 $8.000000000e+00, v0;
	v0 =	vmul.f32 $8.000000000e+00, v27;
	v8 =	vadd.f32 v8, v14;
	v6 =	vld [tilespmem:s29+$0x1A9D0];
	[tilespmem:s29+$0xE190] =	vst v9  }
0x1bd: {  	v16 =	vadd.f32 v11, v17;
	v5 =	vmul.f32 $8.000000000e+00, v23;
	v10 =	vadd.f32 v10, v7;
	v7 =	vld [tilespmem:s29+$0x1A9E0];
	[tilespmem:s29+$0x11370] =	vst v1  }
0x1be: {  	v3 =	vmul.f32 $8.000000000e+00, v25;
	[tilespmem:s29+$0xE180] =	vst v8;
	v1 =	vmul.f32 $8.000000000e+00, v28;
	v8 =	vld [tilespmem:s29+$0x1A9F0];
	v11 =	vadd.f32 v4, v59  }
0x1bf: {  	v9 =	vld [tilespmem:s29+$0x1A9C0];
	[tilespmem:s29+$0xE1B0] =	vst v16;
	v4 =	vmul.f32 $8.000000000e+00, v29;
	v12 =	vadd.f32 v12, v60;
	v13 =	vadd.f32 v13, v5  }
0x1c0: {  	s30 =	simm.s32 $0x400;
	s1 =	simm.s32 $0x0;
	[tilespmem:s29+$0xE1A0] =	vst v10;
	v10 =	vld [tilespmem:s29+$0x1A9D0];
	v5 =	vmul.f32 $8.000000000e+00, v30;
	v14 =	vadd.f32 v15, v61;
	v15 =	vadd.f32 v62, v63  }
.LBB2_7:
0x1c1: {  	s31 =	sshra.s32 s30, $0x2;
	s1 =	sadd.s32 $0x4, s1;
	[tilespmem:s29+$0x11380] =	vst v11;
	v3 =	vadd.f32 v6, v3;
	v6 =	vld [tilespmem:s29+$0x1A9E0]  }
0x1c2: {  	v11 =	vld [tilespmem:s31+$0x113F0];
	p0 =	slt.u32 s1, $0xC4;
	[tilespmem:s29+$0x11390] =	vst v12;
	v2 =	vadd.f32 v7, v2  }
0x1c3: {  	v7 =	vld [tilespmem:s31+$0xE100];
	[tilespmem:s29+$0x113A0] =	vst v13;
	v0 =	vadd.f32 v8, v0  }
0x1c4: {  	v8 =	vld [tilespmem:s31+$0x1A9F0];
	[tilespmem:s29+$0x113B0] =	vst v14;
	v1 =	vadd.f32 v9, v1  }
0x1c5: {  	v9 =	vld [tilespmem:s31+$0xE110];
	[tilespmem:s29+$0xE1C0] =	vst v15;
	v4 =	vadd.f32 v10, v4  }
0x1c6: {  	v10 =	vld [tilespmem:s31+$0xE120];
	[tilespmem:s29+$0xE1D0] =	vst v3;
	v3 =	vadd.f32 v6, v5  }
0x1c7: {  	v5 =	vld [tilespmem:s31+$0xE130];
	v6 =	vmul.f32 $8.000000000e+00, v11;
	[tilespmem:s29+$0xE1E0] =	vst v2  }
0x1c8: {  	v7 =	vmul.f32 $8.000000000e+00, v7;
	v2 =	vld [tilespmem:s31+$0x11300];
	[tilespmem:s29+$0xE1F0] =	vst v0  }
0x1c9: {  	v0 =	vld [tilespmem:s31+$0x11310];
	v6 =	vadd.f32 v8, v6;
	[tilespmem:s29+$0x113C0] =	vst v1  }
0x1ca: {  	v8 =	vmul.f32 $8.000000000e+00, v9;
	v1 =	vld [tilespmem:s31+$0x11320];
	[tilespmem:s29+$0x113D0] =	vst v4  }
0x1cb: {  	v9 =	vmul.f32 $8.000000000e+00, v10;
	v4 =	vld [tilespmem:s31+$0x11330];
	[tilespmem:s31+$0x113F0] =	vst v6  }
0x1cc: {  	v6 =	vmul.f32 $8.000000000e+00, v5;
	v5 =	vld [tilespmem:s31+$0xE140];
	[tilespmem:s29+$0x113E0] =	vst v3;
	s29 =	smov.u32 s31  }
0x1cd: {  	v10 =	vmul.f32 $8.000000000e+00, v2;
	v2 =	vld [tilespmem:s29+$0xE150]  }
0x1ce: {  	v11 =	vmul.f32 $8.000000000e+00, v0;
	v0 =	vld [tilespmem:s29+$0xE160]  }
0x1cf: {  	v12 =	vmul.f32 $8.000000000e+00, v1;
	v1 =	vld [tilespmem:s29+$0xE170]  }
0x1d0: {  	v13 =	vmul.f32 $8.000000000e+00, v4;
	v3 =	vld [tilespmem:s29+$0x11340]  }
0x1d1: {  	v14 =	vmul.f32 $8.000000000e+00, v5;
	v4 =	vld [tilespmem:s29+$0x11350]  }
0x1d2: {  	v15 =	vmul.f32 $8.000000000e+00, v2;
	v2 =	vld [tilespmem:s29+$0x11360]  }
0x1d3: {  	v16 =	vmul.f32 $8.000000000e+00, v0;
	v0 =	vld [tilespmem:s29+$0x11370]  }
0x1d4: {  	v17 =	vmul.f32 $8.000000000e+00, v1;
	v1 =	vld [tilespmem:s29+$0xE180]  }
0x1d5: {  	v18 =	vmul.f32 $8.000000000e+00, v3;
	v3 =	vld [tilespmem:s29+$0xE190]  }
0x1d6: {  	v19 =	vmul.f32 $8.000000000e+00, v4;
	v4 =	vld [tilespmem:s29+$0xE1A0]  }
0x1d7: {  	v20 =	vmul.f32 $8.000000000e+00, v2;
	v2 =	vld [tilespmem:s29+$0xE1B0]  }
0x1d8: {  	v21 =	vmul.f32 $8.000000000e+00, v0;
	v0 =	vld [tilespmem:s29+$0x11380]  }
0x1d9: {  	v22 =	vmul.f32 $8.000000000e+00, v1;
	v1 =	vld [tilespmem:s29+$0x11390]  }
0x1da: {  	v23 =	vmul.f32 $8.000000000e+00, v3;
	v3 =	vld [tilespmem:s29+$0x113A0]  }
0x1db: {  	v24 =	vmul.f32 $8.000000000e+00, v4;
	v4 =	vld [tilespmem:s29+$0x113B0]  }
0x1dc: {  	v25 =	vmul.f32 $8.000000000e+00, v2;
	v2 =	vld [tilespmem:s29+$0xE1C0]  }
0x1dd: {  	v26 =	vmul.f32 $8.000000000e+00, v0;
	v0 =	vld [tilespmem:s29+$0xE1D0]  }
0x1de: {  	v27 =	vmul.f32 $8.000000000e+00, v1;
	v1 =	vld [tilespmem:s29+$0xE1E0]  }
0x1df: {  	v28 =	vmul.f32 $8.000000000e+00, v3;
	v5 =	vld [tilespmem:s29+$0xE1F0]  }
0x1e0: {  	v29 =	vmul.f32 $8.000000000e+00, v4;
	v4 =	vld [tilespmem:s29+$0x113C0]  }
0x1e1: {  	v30 =	vmul.f32 $8.000000000e+00, v2;
	v31 =	vld [tilespmem:s29+$0x113D0]  }
0x1e2: {  	v3 =	vmul.f32 $8.000000000e+00, v0;
	v32 =	vld [tilespmem:s29+$0x113E0]  }
0x1e3: {  	v33 =	vld [tilespmem:s29+$0x1A900];
	v2 =	vmul.f32 $8.000000000e+00, v1  }
0x1e4: {  	v34 =	vld [tilespmem:s29+$0x1A910];
	v0 =	vmul.f32 $8.000000000e+00, v5  }
0x1e5: {  	v35 =	vld [tilespmem:s29+$0x1A920];
	v1 =	vmul.f32 $8.000000000e+00, v4  }
0x1e6: {  	v36 =	vld [tilespmem:s29+$0x1A930];
	v4 =	vmul.f32 $8.000000000e+00, v31  }
0x1e7: {  	v31 =	vld [tilespmem:s29+$0x1A930];
	v5 =	vmul.f32 $8.000000000e+00, v32  }
0x1e8: {  	v7 =	vadd.f32 v33, v7;
	v10 =	vadd.f32 v33, v10;
	v32 =	vld [tilespmem:s29+$0x1A940]  }
0x1e9: {  	v8 =	vadd.f32 v34, v8;
	v11 =	vadd.f32 v34, v11;
	v33 =	vld [tilespmem:s29+$0x1A950]  }
0x1ea: {  	[tilespmem:s29+$0xE100] =	vst v7;
	v7 =	vadd.f32 v35, v9;
	v9 =	vadd.f32 v35, v12;
	v12 =	vld [tilespmem:s29+$0x1A960]  }
0x1eb: {  	[tilespmem:s29+$0xE110] =	vst v8;
	v6 =	vadd.f32 v36, v6;
	v8 =	vld [tilespmem:s29+$0x1A970]  }
0x1ec: {  	[tilespmem:s29+$0xE120] =	vst v7;
	v7 =	vadd.f32 v31, v13;
	v13 =	vld [tilespmem:s29+$0x1A940]  }
0x1ed: {  	[tilespmem:s29+$0xE130] =	vst v6;
	v6 =	vadd.f32 v32, v14;
	v14 =	vld [tilespmem:s29+$0x1A950]  }
0x1ee: {  	[tilespmem:s29+$0x11300] =	vst v10;
	v10 =	vadd.f32 v33, v15;
	v15 =	vld [tilespmem:s29+$0x1A960]  }
0x1ef: {  	[tilespmem:s29+$0x11310] =	vst v11;
	v11 =	vadd.f32 v12, v16;
	v12 =	vld [tilespmem:s29+$0x1A970]  }
0x1f0: {  	[tilespmem:s29+$0x11320] =	vst v9;
	v8 =	vadd.f32 v8, v17;
	v9 =	vld [tilespmem:s29+$0x1A980]  }
0x1f1: {  	[tilespmem:s29+$0x11330] =	vst v7;
	v7 =	vadd.f32 v13, v18;
	v13 =	vld [tilespmem:s29+$0x1A990]  }
0x1f2: {  	[tilespmem:s29+$0xE140] =	vst v6;
	v6 =	vadd.f32 v14, v19;
	v14 =	vld [tilespmem:s29+$0x1A9A0]  }
0x1f3: {  	[tilespmem:s29+$0xE150] =	vst v10;
	v10 =	vadd.f32 v15, v20;
	v15 =	vld [tilespmem:s29+$0x1A9B0]  }
0x1f4: {  	[tilespmem:s29+$0xE160] =	vst v11;
	v11 =	vadd.f32 v12, v21;
	v12 =	vld [tilespmem:s29+$0x1A980]  }
0x1f5: {  	[tilespmem:s29+$0xE170] =	vst v8;
	v8 =	vadd.f32 v9, v22;
	v9 =	vld [tilespmem:s29+$0x1A990]  }
0x1f6: {  	[tilespmem:s29+$0x11340] =	vst v7;
	v13 =	vadd.f32 v13, v23;
	v16 =	vld [tilespmem:s29+$0x1A9A0]  }
0x1f7: {  	[tilespmem:s29+$0x11350] =	vst v6;
	v14 =	vadd.f32 v14, v24;
	v17 =	vld [tilespmem:s29+$0x1A9B0]  }
0x1f8: {  	[tilespmem:s29+$0x11360] =	vst v10;
	v10 =	vadd.f32 v15, v25;
	v15 =	vld [tilespmem:s29+$0x1A9C0]  }
.Ltmp4:
0x1f9: {  	[tilespmem:s29+$0x11370] =	vst v11;
	v11 =	vadd.f32 v12, v26;
	v6 =	vld [tilespmem:s29+$0x1A9D0];
	(pc) =	sbr.rel @p0 .LBB2_7-.Ltmp4, $4  }
0x1fa: {  	[tilespmem:s29+$0xE180] =	vst v8;
	v12 =	vadd.f32 v9, v27;
	v7 =	vld [tilespmem:s29+$0x1A9E0]  }
0x1fb: {  	[tilespmem:s29+$0xE190] =	vst v13;
	v13 =	vadd.f32 v16, v28;
	v8 =	vld [tilespmem:s29+$0x1A9F0]  }
0x1fc: {  	[tilespmem:s29+$0xE1A0] =	vst v14;
	v14 =	vadd.f32 v17, v29;
	v9 =	vld [tilespmem:s29+$0x1A9C0]  }
0x1fd: {  	s30 =	sadd.s32 $0x400, s30;
	[tilespmem:s29+$0xE1B0] =	vst v10;
	v15 =	vadd.f32 v15, v30;
	v10 =	vld [tilespmem:s29+$0x1A9D0]  }
0x1fe: {  	[tilespmem:s29+$0x11380] =	vst v11  }
0x1ff: {  	[tilespmem:s29+$0x11390] =	vst v12  }
0x200: {  	[tilespmem:s29+$0x113A0] =	vst v13  }
0x201: {  	v3 =	vadd.f32 v6, v3;
	v6 =	vld [tilespmem:s29+$0x1A9E0];
	[tilespmem:s29+$0x113B0] =	vst v14  }
0x202: {  	v2 =	vadd.f32 v7, v2;
	[tilespmem:s29+$0xE1C0] =	vst v15  }
0x203: {  	v0 =	vadd.f32 v8, v0;
	[tilespmem:s29+$0xE1D0] =	vst v3  }
0x204: {  	v1 =	vadd.f32 v9, v1;
	[tilespmem:s29+$0xE1E0] =	vst v2  }
0x205: {  	s1 =	sadd.s32 s3, s28;
	v2 =	vadd.f32 v10, v4;
	[tilespmem:s29+$0xE1F0] =	vst v0  }
0x206: {  	s1 =	smul.u32 $0xC80, s1;
	v0 =	vadd.f32 v6, v5;
	[tilespmem:s29+$0x113C0] =	vst v1  }
0x207: {  	[tilespmem:s29+$0x113D0] =	vst v2  }
0x208: {  	p0 =	seq.s32 s25, $0x3;
	s1 =	sadd.s32 s2, s1;
	[tilespmem:s29+$0x113E0] =	vst v0  }
0x209: {  	[hbm4b:s1+s4] =	stream.linear.scatter [tilespmem:s15], [sflag:$0x7], $0x6400, $0x38;
	[tilespmem:$0x1DB00] =	vst v63  }
0x20a: {  	s1 =	simm.s32 @!p0 $0x5  }
0x20b: {  	s28 =	smul.u32 @!p0 $0x1900, s25;
	_ =	swait.ge @!p0 [sflag:s1], $0x6400  }
0x20c: {  	[sflag:s1] =	ssyncset.done @!p0 $0x0  }
0x20d: {  	[sflag:s1] =	ssyncadd.s32 @!p0 $0xFFFF9C00;
	s1 =	sshra.s32 @!p0 s28, $0x2  }
0x20e: {  	s29 =	simm.s32 @!p0 $0x1900;
	s28 =	simm.s32 @!p0 $0x190;
	s1 =	sadd.s32 @!p0 $0x640, s1  }
0x20f: {  	[tilespmem:s29], [sflag:$0x1] =	stream.indirect.gather @!p0 [hbm4b:s6+s28], $0x40, s1, s28, $0xb8;
	[tilespmem:$0x1DB00] =	vst v63  }
0x210: {  	_ =	swait.ge [sflag:s19], $0x6400  }
0x211: {  	[sflag:s19] =	ssyncset.done $0x0  }
0x212: {  	s28 =	simm.s32 $0x0;
	[sflag:s19] =	ssyncadd.s32 $0xFFFF9C00  }
0x213: {  	v0 =	vld [tilespmem:s28+$0x177F0]  }
0x214: {  	v1 =	vld [tilespmem:s28+$0x14500]  }
0x215: {  	v2 =	vld [tilespmem:s28+$0x1A9F0]  }
0x216: {  	v3 =	vld [tilespmem:s28+$0x14510]  }
0x217: {  	v4 =	vld [tilespmem:s28+$0x14520]  }
0x218: {  	v5 =	vld [tilespmem:s28+$0x14530]  }
0x219: {  	v6 =	vld [tilespmem:s28+$0x17700]  }
0x21a: {  	v7 =	vld [tilespmem:s28+$0x17710]  }
0x21b: {  	v8 =	vld [tilespmem:s28+$0x17720]  }
0x21c: {  	v9 =	vld [tilespmem:s28+$0x17730]  }
0x21d: {  	v10 =	vld [tilespmem:s28+$0x14540]  }
0x21e: {  	v11 =	vld [tilespmem:s28+$0x14550]  }
0x21f: {  	v12 =	vld [tilespmem:s28+$0x14560]  }
0x220: {  	v13 =	vld [tilespmem:s28+$0x14570]  }
0x221: {  	v14 =	vld [tilespmem:s28+$0x17740]  }
0x222: {  	v15 =	vld [tilespmem:s28+$0x17750]  }
0x223: {  	v16 =	vld [tilespmem:s28+$0x17760]  }
0x224: {  	v17 =	vld [tilespmem:s28+$0x17770]  }
0x225: {  	v18 =	vld [tilespmem:s28+$0x14580]  }
0x226: {  	v19 =	vld [tilespmem:s28+$0x14590]  }
0x227: {  	v20 =	vld [tilespmem:s28+$0x145A0]  }
0x228: {  	v21 =	vld [tilespmem:s28+$0x145B0]  }
0x229: {  	v22 =	vld [tilespmem:s28+$0x17780]  }
0x22a: {  	v23 =	vld [tilespmem:s28+$0x177A0]  }
0x22b: {  	v24 =	vld [tilespmem:s28+$0x145C0]  }
0x22c: {  	v25 =	vld [tilespmem:s28+$0x145D0]  }
0x22d: {  	v26 =	vld [tilespmem:s28+$0x145E0]  }
0x22e: {  	v27 =	vld [tilespmem:s28+$0x145F0]  }
0x22f: {  	v28 =	vld [tilespmem:s28+$0x177C0]  }
0x230: {  	v29 =	vld [tilespmem:s28+$0x177D0]  }
0x231: {  	v30 =	vld [tilespmem:s28+$0x177E0]  }
0x232: {  	v31 =	vld [tilespmem:s28+$0x1A900]  }
0x233: {  	v32 =	vld [tilespmem:s28+$0x1A910]  }
0x234: {  	v33 =	vld [tilespmem:s28+$0x1A920]  }
0x235: {  	v34 =	vld [tilespmem:s28+$0x1A930]  }
0x236: {  	v35 =	vld [tilespmem:s28+$0x1A930];
	v0 =	vmul.f32 $8.000000000e+00, v0  }
0x237: {  	v36 =	vld [tilespmem:s28+$0x1A940];
	v1 =	vmul.f32 $8.000000000e+00, v1  }
0x238: {  	v37 =	vld [tilespmem:s28+$0x1A950];
	v3 =	vmul.f32 $8.000000000e+00, v3;
	v0 =	vadd.f32 v2, v0  }
0x239: {  	v62 =	vld [tilespmem:s28+$0x1A9C0];
	v5 =	vmul.f32 $8.000000000e+00, v5;
	v1 =	vadd.f32 v31, v1  }
0x23a: {  	v4 =	vmul.f32 $8.000000000e+00, v4;
	v6 =	vmul.f32 $8.000000000e+00, v6;
	v2 =	vld [tilespmem:s28+$0x17790];
	v3 =	vadd.f32 v32, v3;
	[tilespmem:s28+$0x177F0] =	vst v0  }
0x23b: {  	v8 =	vmul.f32 $8.000000000e+00, v8;
	v5 =	vadd.f32 v34, v5;
	v0 =	vld [tilespmem:s28+$0x177B0];
	[tilespmem:s28+$0x14500] =	vst v1  }
0x23c: {  	v6 =	vadd.f32 v31, v6;
	v1 =	vadd.f32 v33, v4;
	v4 =	vld [tilespmem:s28+$0x1A960];
	[tilespmem:s28+$0x14510] =	vst v3  }
0x23d: {  	v9 =	vmul.f32 $8.000000000e+00, v9;
	v8 =	vadd.f32 v33, v8;
	v3 =	vmul.f32 $8.000000000e+00, v7;
	v7 =	vld [tilespmem:s28+$0x1A970];
	[tilespmem:s28+$0x14530] =	vst v5  }
0x23e: {  	v10 =	vmul.f32 $8.000000000e+00, v10;
	v5 =	vld [tilespmem:s28+$0x1A950];
	[tilespmem:s28+$0x17700] =	vst v6  }
0x23f: {  	v11 =	vmul.f32 $8.000000000e+00, v11;
	v9 =	vadd.f32 v35, v9;
	v6 =	vld [tilespmem:s28+$0x1A960];
	[tilespmem:s28+$0x17720] =	vst v8  }
0x240: {  	v10 =	vadd.f32 v36, v10;
	[tilespmem:s28+$0x14520] =	vst v1;
	v1 =	vld [tilespmem:s28+$0x1A940]  }
0x241: {  	v12 =	vmul.f32 $8.000000000e+00, v12;
	v11 =	vadd.f32 v37, v11;
	v8 =	vld [tilespmem:s28+$0x1A980];
	[tilespmem:s28+$0x17730] =	vst v9  }
0x242: {  	v13 =	vmul.f32 $8.000000000e+00, v13;
	v9 =	vld [tilespmem:s28+$0x1A990];
	[tilespmem:s28+$0x14540] =	vst v10;
	v3 =	vadd.f32 v32, v3  }
0x243: {  	v14 =	vmul.f32 $8.000000000e+00, v14;
	v10 =	vld [tilespmem:s28+$0x1A9A0];
	[tilespmem:s28+$0x14550] =	vst v11;
	v4 =	vadd.f32 v4, v12  }
0x244: {  	[tilespmem:s28+$0x17710] =	vst v3;
	v3 =	vld [tilespmem:s28+$0x1A970];
	v12 =	vmul.f32 $8.000000000e+00, v15;
	v7 =	vadd.f32 v7, v13  }
0x245: {  	v59 =	vmul.f32 $8.000000000e+00, v22;
	v11 =	vld [tilespmem:s28+$0x1A9B0];
	v13 =	vmul.f32 $8.000000000e+00, v16;
	v1 =	vadd.f32 v1, v14;
	[tilespmem:s28+$0x14560] =	vst v4  }
0x246: {  	v63 =	vmul.f32 $8.000000000e+00, v24;
	v16 =	vmul.f32 $8.000000000e+00, v19;
	v4 =	vld [tilespmem:s28+$0x1A980];
	v5 =	vadd.f32 v5, v12;
	[tilespmem:s28+$0x14570] =	vst v7  }
0x247: {  	v60 =	vmul.f32 $8.000000000e+00, v2;
	v15 =	vmul.f32 $8.000000000e+00, v17;
	v12 =	vld [tilespmem:s28+$0x1A990];
	v6 =	vadd.f32 v6, v13;
	[tilespmem:s28+$0x17740] =	vst v1  }
0x248: {  	v2 =	vmul.f32 $8.000000000e+00, v26;
	v14 =	vmul.f32 $8.000000000e+00, v18;
	v13 =	vld [tilespmem:s28+$0x1A9A0];
	v9 =	vadd.f32 v9, v16;
	[tilespmem:s28+$0x17750] =	vst v5  }
0x249: {  	v17 =	vmul.f32 $8.000000000e+00, v21;
	v7 =	vmul.f32 $8.000000000e+00, v20;
	v1 =	vadd.f32 v3, v15;
	v15 =	vld [tilespmem:s28+$0x1A9B0];
	[tilespmem:s28+$0x17760] =	vst v6  }
0x24a: {  	v61 =	vmul.f32 $8.000000000e+00, v0;
	v0 =	vmul.f32 $8.000000000e+00, v27;
	v8 =	vadd.f32 v8, v14;
	v6 =	vld [tilespmem:s28+$0x1A9D0];
	[tilespmem:s28+$0x14590] =	vst v9  }
0x24b: {  	v16 =	vadd.f32 v11, v17;
	v5 =	vmul.f32 $8.000000000e+00, v23;
	v10 =	vadd.f32 v10, v7;
	v7 =	vld [tilespmem:s28+$0x1A9E0];
	[tilespmem:s28+$0x17770] =	vst v1  }
0x24c: {  	v3 =	vmul.f32 $8.000000000e+00, v25;
	[tilespmem:s28+$0x14580] =	vst v8;
	v1 =	vmul.f32 $8.000000000e+00, v28;
	v8 =	vld [tilespmem:s28+$0x1A9F0];
	v11 =	vadd.f32 v4, v59  }
0x24d: {  	v9 =	vld [tilespmem:s28+$0x1A9C0];
	[tilespmem:s28+$0x145B0] =	vst v16;
	v4 =	vmul.f32 $8.000000000e+00, v29;
	v12 =	vadd.f32 v12, v60;
	v13 =	vadd.f32 v13, v5  }
0x24e: {  	s1 =	simm.s32 $0x0;
	s29 =	simm.s32 $0x400;
	[tilespmem:s28+$0x145A0] =	vst v10;
	v10 =	vld [tilespmem:s28+$0x1A9D0];
	v5 =	vmul.f32 $8.000000000e+00, v30;
	v14 =	vadd.f32 v15, v61;
	v15 =	vadd.f32 v62, v63  }
.LBB2_9:
0x24f: {  	s30 =	sshra.s32 s29, $0x2;
	s1 =	sadd.s32 $0x4, s1;
	[tilespmem:s28+$0x17780] =	vst v11;
	v3 =	vadd.f32 v6, v3;
	v6 =	vld [tilespmem:s28+$0x1A9E0]  }
0x250: {  	v11 =	vld [tilespmem:s30+$0x177F0];
	p1 =	slt.u32 s1, $0xC4;
	[tilespmem:s28+$0x17790] =	vst v12;
	v2 =	vadd.f32 v7, v2  }
0x251: {  	v7 =	vld [tilespmem:s30+$0x14500];
	[tilespmem:s28+$0x177A0] =	vst v13;
	v0 =	vadd.f32 v8, v0  }
0x252: {  	v8 =	vld [tilespmem:s30+$0x1A9F0];
	[tilespmem:s28+$0x177B0] =	vst v14;
	v1 =	vadd.f32 v9, v1  }
0x253: {  	v9 =	vld [tilespmem:s30+$0x14510];
	[tilespmem:s28+$0x145C0] =	vst v15;
	v4 =	vadd.f32 v10, v4  }
0x254: {  	v10 =	vld [tilespmem:s30+$0x14520];
	[tilespmem:s28+$0x145D0] =	vst v3;
	v3 =	vadd.f32 v6, v5  }
0x255: {  	v5 =	vld [tilespmem:s30+$0x14530];
	v6 =	vmul.f32 $8.000000000e+00, v11;
	[tilespmem:s28+$0x145E0] =	vst v2  }
0x256: {  	v7 =	vmul.f32 $8.000000000e+00, v7;
	v2 =	vld [tilespmem:s30+$0x17700];
	[tilespmem:s28+$0x145F0] =	vst v0  }
0x257: {  	v0 =	vld [tilespmem:s30+$0x17710];
	v6 =	vadd.f32 v8, v6;
	[tilespmem:s28+$0x177C0] =	vst v1  }
0x258: {  	v8 =	vmul.f32 $8.000000000e+00, v9;
	v1 =	vld [tilespmem:s30+$0x17720];
	[tilespmem:s28+$0x177D0] =	vst v4  }
0x259: {  	v9 =	vmul.f32 $8.000000000e+00, v10;
	v4 =	vld [tilespmem:s30+$0x17730];
	[tilespmem:s30+$0x177F0] =	vst v6  }
0x25a: {  	v6 =	vmul.f32 $8.000000000e+00, v5;
	v5 =	vld [tilespmem:s30+$0x14540];
	[tilespmem:s28+$0x177E0] =	vst v3;
	s28 =	smov.u32 s30  }
0x25b: {  	v10 =	vmul.f32 $8.000000000e+00, v2;
	v2 =	vld [tilespmem:s28+$0x14550]  }
0x25c: {  	v11 =	vmul.f32 $8.000000000e+00, v0;
	v0 =	vld [tilespmem:s28+$0x14560]  }
0x25d: {  	v12 =	vmul.f32 $8.000000000e+00, v1;
	v1 =	vld [tilespmem:s28+$0x14570]  }
0x25e: {  	v13 =	vmul.f32 $8.000000000e+00, v4;
	v3 =	vld [tilespmem:s28+$0x17740]  }
0x25f: {  	v14 =	vmul.f32 $8.000000000e+00, v5;
	v4 =	vld [tilespmem:s28+$0x17750]  }
0x260: {  	v15 =	vmul.f32 $8.000000000e+00, v2;
	v2 =	vld [tilespmem:s28+$0x17760]  }
0x261: {  	v16 =	vmul.f32 $8.000000000e+00, v0;
	v0 =	vld [tilespmem:s28+$0x17770]  }
0x262: {  	v17 =	vmul.f32 $8.000000000e+00, v1;
	v1 =	vld [tilespmem:s28+$0x14580]  }
0x263: {  	v18 =	vmul.f32 $8.000000000e+00, v3;
	v3 =	vld [tilespmem:s28+$0x14590]  }
0x264: {  	v19 =	vmul.f32 $8.000000000e+00, v4;
	v4 =	vld [tilespmem:s28+$0x145A0]  }
0x265: {  	v20 =	vmul.f32 $8.000000000e+00, v2;
	v2 =	vld [tilespmem:s28+$0x145B0]  }
0x266: {  	v21 =	vmul.f32 $8.000000000e+00, v0;
	v0 =	vld [tilespmem:s28+$0x17780]  }
0x267: {  	v22 =	vmul.f32 $8.000000000e+00, v1;
	v1 =	vld [tilespmem:s28+$0x17790]  }
0x268: {  	v23 =	vmul.f32 $8.000000000e+00, v3;
	v3 =	vld [tilespmem:s28+$0x177A0]  }
0x269: {  	v24 =	vmul.f32 $8.000000000e+00, v4;
	v4 =	vld [tilespmem:s28+$0x177B0]  }
0x26a: {  	v25 =	vmul.f32 $8.000000000e+00, v2;
	v2 =	vld [tilespmem:s28+$0x145C0]  }
0x26b: {  	v26 =	vmul.f32 $8.000000000e+00, v0;
	v0 =	vld [tilespmem:s28+$0x145D0]  }
0x26c: {  	v27 =	vmul.f32 $8.000000000e+00, v1;
	v1 =	vld [tilespmem:s28+$0x145E0]  }
0x26d: {  	v28 =	vmul.f32 $8.000000000e+00, v3;
	v5 =	vld [tilespmem:s28+$0x145F0]  }
0x26e: {  	v29 =	vmul.f32 $8.000000000e+00, v4;
	v4 =	vld [tilespmem:s28+$0x177C0]  }
0x26f: {  	v30 =	vmul.f32 $8.000000000e+00, v2;
	v31 =	vld [tilespmem:s28+$0x177D0]  }
0x270: {  	v3 =	vmul.f32 $8.000000000e+00, v0;
	v32 =	vld [tilespmem:s28+$0x177E0]  }
0x271: {  	v33 =	vld [tilespmem:s28+$0x1A900];
	v2 =	vmul.f32 $8.000000000e+00, v1  }
0x272: {  	v34 =	vld [tilespmem:s28+$0x1A910];
	v0 =	vmul.f32 $8.000000000e+00, v5  }
0x273: {  	v35 =	vld [tilespmem:s28+$0x1A920];
	v1 =	vmul.f32 $8.000000000e+00, v4  }
0x274: {  	v36 =	vld [tilespmem:s28+$0x1A930];
	v4 =	vmul.f32 $8.000000000e+00, v31  }
0x275: {  	v31 =	vld [tilespmem:s28+$0x1A930];
	v5 =	vmul.f32 $8.000000000e+00, v32  }
0x276: {  	v7 =	vadd.f32 v33, v7;
	v10 =	vadd.f32 v33, v10;
	v32 =	vld [tilespmem:s28+$0x1A940]  }
0x277: {  	v8 =	vadd.f32 v34, v8;
	v11 =	vadd.f32 v34, v11;
	v33 =	vld [tilespmem:s28+$0x1A950]  }
0x278: {  	[tilespmem:s28+$0x14500] =	vst v7;
	v7 =	vadd.f32 v35, v9;
	v9 =	vadd.f32 v35, v12;
	v12 =	vld [tilespmem:s28+$0x1A960]  }
0x279: {  	[tilespmem:s28+$0x14510] =	vst v8;
	v6 =	vadd.f32 v36, v6;
	v8 =	vld [tilespmem:s28+$0x1A970]  }
0x27a: {  	[tilespmem:s28+$0x14520] =	vst v7;
	v7 =	vadd.f32 v31, v13;
	v13 =	vld [tilespmem:s28+$0x1A940]  }
0x27b: {  	[tilespmem:s28+$0x14530] =	vst v6;
	v6 =	vadd.f32 v32, v14;
	v14 =	vld [tilespmem:s28+$0x1A950]  }
0x27c: {  	[tilespmem:s28+$0x17700] =	vst v10;
	v10 =	vadd.f32 v33, v15;
	v15 =	vld [tilespmem:s28+$0x1A960]  }
0x27d: {  	[tilespmem:s28+$0x17710] =	vst v11;
	v11 =	vadd.f32 v12, v16;
	v12 =	vld [tilespmem:s28+$0x1A970]  }
0x27e: {  	[tilespmem:s28+$0x17720] =	vst v9;
	v8 =	vadd.f32 v8, v17;
	v9 =	vld [tilespmem:s28+$0x1A980]  }
0x27f: {  	[tilespmem:s28+$0x17730] =	vst v7;
	v7 =	vadd.f32 v13, v18;
	v13 =	vld [tilespmem:s28+$0x1A990]  }
0x280: {  	[tilespmem:s28+$0x14540] =	vst v6;
	v6 =	vadd.f32 v14, v19;
	v14 =	vld [tilespmem:s28+$0x1A9A0]  }
0x281: {  	[tilespmem:s28+$0x14550] =	vst v10;
	v10 =	vadd.f32 v15, v20;
	v15 =	vld [tilespmem:s28+$0x1A9B0]  }
0x282: {  	[tilespmem:s28+$0x14560] =	vst v11;
	v11 =	vadd.f32 v12, v21;
	v12 =	vld [tilespmem:s28+$0x1A980]  }
0x283: {  	[tilespmem:s28+$0x14570] =	vst v8;
	v8 =	vadd.f32 v9, v22;
	v9 =	vld [tilespmem:s28+$0x1A990]  }
0x284: {  	[tilespmem:s28+$0x17740] =	vst v7;
	v13 =	vadd.f32 v13, v23;
	v16 =	vld [tilespmem:s28+$0x1A9A0]  }
0x285: {  	[tilespmem:s28+$0x17750] =	vst v6;
	v14 =	vadd.f32 v14, v24;
	v17 =	vld [tilespmem:s28+$0x1A9B0]  }
0x286: {  	[tilespmem:s28+$0x17760] =	vst v10;
	v10 =	vadd.f32 v15, v25;
	v15 =	vld [tilespmem:s28+$0x1A9C0]  }
.Ltmp5:
0x287: {  	[tilespmem:s28+$0x17770] =	vst v11;
	v11 =	vadd.f32 v12, v26;
	v6 =	vld [tilespmem:s28+$0x1A9D0];
	(pc) =	sbr.rel @p1 .LBB2_9-.Ltmp5, $4  }
0x288: {  	[tilespmem:s28+$0x14580] =	vst v8;
	v12 =	vadd.f32 v9, v27;
	v7 =	vld [tilespmem:s28+$0x1A9E0]  }
0x289: {  	[tilespmem:s28+$0x14590] =	vst v13;
	v13 =	vadd.f32 v16, v28;
	v8 =	vld [tilespmem:s28+$0x1A9F0]  }
0x28a: {  	[tilespmem:s28+$0x145A0] =	vst v14;
	v14 =	vadd.f32 v17, v29;
	v9 =	vld [tilespmem:s28+$0x1A9C0]  }
0x28b: {  	s29 =	sadd.s32 $0x400, s29;
	[tilespmem:s28+$0x145B0] =	vst v10;
	v15 =	vadd.f32 v15, v30;
	v10 =	vld [tilespmem:s28+$0x1A9D0]  }
0x28c: {  	[tilespmem:s28+$0x17780] =	vst v11  }
0x28d: {  	[tilespmem:s28+$0x17790] =	vst v12  }
0x28e: {  	[tilespmem:s28+$0x177A0] =	vst v13  }
0x28f: {  	v3 =	vadd.f32 v6, v3;
	v61 =	vld [tilespmem:s28+$0x1A9E0];
	[tilespmem:s28+$0x177B0] =	vst v14  }
0x290: {  	v2 =	vadd.f32 v7, v2;
	[tilespmem:s28+$0x145C0] =	vst v15  }
0x291: {  	v0 =	vadd.f32 v8, v0;
	[tilespmem:s28+$0x145D0] =	vst v3  }
0x292: {  	v1 =	vadd.f32 v9, v1;
	[tilespmem:s28+$0x145E0] =	vst v2  }
.Ltmp6:
0x293: {  	s1 =	sadd.s32 s3, s26;
	v62 =	vadd.f32 v10, v4;
	[tilespmem:s28+$0x145F0] =	vst v0;
	(pc) =	sbr.rel @p0 .LBB2_12-.Ltmp6, $4  }
0x294: {  	s1 =	smul.u32 $0xC80, s1;
	v63 =	vadd.f32 v61, v5;
	[tilespmem:s28+$0x177C0] =	vst v1  }
0x295: {  	[tilespmem:s28+$0x177D0] =	vst v62  }
0x296: {  	s1 =	sadd.s32 s2, s1;
	[tilespmem:s28+$0x177E0] =	vst v63  }
0x297: {  	[hbm4b:s1+s4] =	stream.linear.scatter [tilespmem:s17], [sflag:$0x8], $0x6400, $0x38;
	[tilespmem:$0x1DB00] =	vst v63  }
0x298: {  	s1 =	smul.u32 $0x1900, s25  }
.Ltmp7:
0x299: {  	_ = 	snop;
	(pc) =	sbr.rel .LBB2_2-.Ltmp7, $4  }
0x29a: {  	_ =	swait.ge [sflag:s21], $0x6400  }
0x29b: {  	[sflag:s21] =	ssyncset.done $0x0;
	s1 =	sshra.s32 s1, $0x2  }
0x29c: {  	s25 =	sadd.s32 $0x1, s25;
	[sflag:s21] =	ssyncadd.s32 $0xFFFF9C00;
	s1 =	sadd.s32 $0x7D0, s1  }
0x29d: {  	[tilespmem:s13], [sflag:$0x2] =	stream.indirect.gather [hbm4b:s6+s11], $0x40, s1, s11, $0xb8;
	[tilespmem:$0x1DB00] =	vst v63  }
.LBB2_13:
0x29e: {  	_ =	sfence.sel $0x180000  }
0x29f: {  	[bflag:$0x0] =	sbarrier.arrive $0xFFFF  }
0x2a0: {  	_ =	strace $0x90000047  }
0x2a1: {  	[bflag:$0x2] =	sbarrier.arrive $0xFFFF  }
0x2a2: {  	p0 =	sne.s32 s0, $0x0;
	s0 =	rddreg [dreg:$0x2]  }
0x2a3: {  	s0 =	sadd.s32 @!p0 $0x100000, s0  }
0x2a4: {  	[sflag:s0] =	ssyncadd.tile.s32 @!p0 $0x1;
	_ =	shalt  }
.Lfunc_end2:
_tile_overlayer_lowered:
.L_overlay_start_2:
0x2a5: {  	(tag) =	ssettag $0x2  }
0x2a6: {  	s0 =	rddreg [dreg:$0x0];
	s2 =	stileid.u32  }
0x2a7: {  	s1 =	rddreg [dreg:$0x1];
	p0 =	sne.s32 s2, $0x0  }
0x2a8: {  	s3 =	rddreg [dreg:$0x2];
	[bflag:$0x3] =	sbarrier.arrive $0xFFFF;
	s2 =	simm.s32 @!p0 $0x1C09  }
0x2a9: {  	[timem:s3], [sflag:s2] =	dma.local @!p0 [hbm:s0], s1  }
0x2aa: {  	s0 =	simm.s32 @!p0 $0x9  }
0x2ab: {  	_ =	swait.ge @!p0 [sflag:s0], s1  }
0x2ac: {  	s1 =	ssub.s32 @!p0 $0x0, s1;
	[sflag:s0] =	ssyncset.done @!p0 $0x0  }
0x2ad: {  	[sflag:s0] =	ssyncadd.s32 @!p0 s1  }
0x2ae: {  	[bflag:$0x3] =	sbarrier.arrive $0xFFFF  }
0x2af: {  	_ =	shalt  }

// kernel: sparse-core-data-format-call.cloned.1.call-start
scs
called_computation_lowered:
.L_overlay_start_0:
0x0: {  	s2 =	sld [smem:$0x3FD9]  }
0x1: {  	s3 =	sld [smem:$0x3FFE];
	_ =	sdelay $0x1  }
0x2: {  	s1 =	srdreg.scid  }
0x3: {  	s0 =	sand.u32 $0x1, s1  }
0x4: {  	s18 =	sshll.u32 s0, $0xA;
	s2 =	sadd.s32 s3, s2  }
0x5: {  	s2 =	sadd.s32 s2, s18  }
0x6: {  	[smem:$0x3FC6] =	sst s2  }
0x7: {  	_ = 	snop  }
0x8: {  	s2 =	sld [smem:$0x3FD0];
	(tm) =	ssettm $0x1  }
0x9: {  	s19 =	sld [smem:$0x3FFB];
	_ =	sdelay $0x3  }
0xa: {  	_ =	strace s19  }
0xb: {  	s3 =	sld [smem:$0x3FFC];
	_ =	sdelay $0x3  }
0xc: {  	_ =	strace s3  }
0xd: {  	s3 =	sld [smem:$0x3FFD];
	_ =	sdelay $0x3  }
0xe: {  	_ =	strace s3  }
0xf: {  	_ =	strace $0x8FFFFFFF  }
0x10: {  	s20 =	sld [smem:$0x3FDB];
	_ =	sdelay $0x1  }
0x11: {  	s4 =	simm.s32 $_scs_section_size  }
0x12: {  	s5 =	simm.s32 $_size__tile_overlayer_lowered;
	s6 =	simm.s32 $_tile_overlayer_lowered  }
0x13: {  	s23 =	simm.s32 $0x1BFF;
	s22 =	sshll.u32 s6, $0x1;
	s3 =	sadd.s32 s4, s20  }
0x14: {  	s7 =	simm.s32 $0x0;
	s21 =	sshll.u32 s5, $0x1;
	s5 =	sadd.s32 s22, s3  }
0x15: {  	[timem:s7], [sflag:s23] =	dma.local [hbm:s5], s21  }
0x16: {  	_ =	swait.ge [sflag:s23], s21  }
0x17: {  	s4 =	ssub.s32 $0x0, s21;
	[sflag:s23] =	ssyncset.done $0x0  }
0x18: {  	[sflag:s23] =	ssyncadd.s32 s4;
	_ =	sdelay $0x1  }
0x19: {  	s24 =	simm.s32 $0x1B8B  }
0x1a: {  	_ =	swait.ge [sflag:s24], $0x1  }
0x1b: {  	[sflag:s24] =	ssyncset.done $0x0  }
0x1c: {  	s26 =	simm.s32 $0x1B8E;
	s25 =	sld [smem:$0x3FFE];
	[sflag:s24] =	ssyncadd.s32 $0xFFFFFFFF  }
0x1d: {  	s27 =	simm.s32 $execute0_lowered;
	[smem:$0x3FD2] =	sst s26  }
0x1e: {  	s5 =	sshll.u32 s27, $0x1;
	_ =	strace $0x80000049;
	[dreg:$0x1] =	wrdreg $0xFFFFFFFF  }
0x1f: {  	s28 =	simm.s32 $_size_execute0_lowered;
	s3 =	sadd.s32 s3, s5;
	[dreg:$0x0] =	wrdreg $0x0  }
0x20: {  	s5 =	sshll.u32 s28, $0x1;
	[dreg:$0x2] =	wrdreg s3  }
0x21: {  	[dreg:$0x3] =	wrdreg s5  }
0x22: {  	[dreg:$0x4] =	wrdreg $0xC0  }
0x23: {  	_ =	task [dreg:s7], $0x5FFFF  }
0x24: {  	[dreg:$0x1] =	wrdreg $0xFFFFFFFF  }
0x25: {  	[dreg:$0x0] =	wrdreg $0x60  }
0x26: {  	[dreg:$0x2] =	wrdreg s25  }
0x27: {  	[dreg:$0x3] =	wrdreg s2  }
0x28: {  	[dreg:$0x4] =	wrdreg $0x9  }
0x29: {  	_ =	task.clear_ibuf [dreg:s7], $0x5FFFF;
	_ =	strace $0x90000049  }
0x2a: {  	s29 =	simm.s32 $0x9;
	_ =	strace $0x8000004B  }
0x2b: {  	_ =	swait.ge [sflag:s29], $0x1  }
0x2c: {  	[sflag:s29] =	ssyncadd.s32 $0xFFFFFFFF  }
0x2d: {  	_ =	strace $0x9000004B  }
0x2e: {  	_ =	sfence  }
0x2f: {  	s30 =	sld [smem:$0x0];
	_ =	sdelay $0x2  }
0x30: {  	s31 =	sshll.u32 s1, $0xD;
	s1 =	sshrl.u32 s1, $0x2  }
0x31: {  	s3 =	sand.u32 $0x4000, s31;
	s1 =	sadd.s32 s1, s30  }
0x32: {  	s0 =	sor.u32 s3, s0;
	s1 =	sshll.u32 s1, $0x11  }
0x33: {  	s0 =	sor.u32 s1, s0  }
0x34: {  	s0 =	sadd.s32 $0x8F2B, s0  }
0x35: {  	[sflag:s0] =	ssyncadd.remote.s32 $0x1  }
0x36: {  	_ =	sfence.sel $0xFFFF  }
0x37: {  	[dreg:$0x0] =	wrdreg $0xFFFFFFFF;
	(pc) =	sbr.abs _section_cstart, $3  }
0x38: {  	[dreg:$0x1] =	wrdreg $0xFFFFFFFF  }
0x39: {  	_ =	task.clear_ibuf [dreg:s7], $0x2FFFF;
	_ =	strace $0x9FFFFFFF  }
0x3a: {  	(tm) =	ssettm $0x7FFFFFFF  }
0x3b: {  	_ =	shalt  }
tec
execute0_lowered:
.L_overlay_start_1:
0x0: {  	(tag) =	ssettag $0x1  }
0x1: {  	s0 =	stileid.u32;
	s6 =	rddreg [dreg:$0x0]  }
0x2: {  	s2 =	rddreg [dreg:$0x1];
	s5 =	srdreg.scid  }
0x3: {  	s31 =	simm.s32 $0x2;
	s13 =	simm.s32 $0x0;
	s1 =	sshll.u32 s0, $0x7  }
0x4: {  	s14 =	simm.s32 $0x0;
	s12 =	simm.s32 $0x0;
	s3 =	sand.u32 $0x380, s1  }
0x5: {  	s5 =	sshll.u32 s5, $0x4;
	s6 =	sadd.s32 $0x800, s6;
	s4 =	ssub.s32 $0x400, s3  }
0x6: {  	s1 =	rddreg [dreg:$0x2];
	_ =	strace $0x8000004A;
	s7 =	sand.u32 $0x380, s4  }
0x7: {  	s5 =	sand.u32 $0x10, s5;
	p0 =	sne.s32 s7, $0x0;
	s7 =	simm.s32 $0x1  }
.Ltmp0:
0x8: {  	s8 =	sshrl.u32 s4, $0xA;
	s7 =	simm.s32 @!p0 $0x0;
	(pc) =	sbr.rel .LBB1_1-.Ltmp0, $4  }
0x9: {  	s9 =	sor.u32 s0, s5;
	s4 =	simm.s32 $0x1;
	s30 =	sadd.s32 s7, s8  }
0xa: {  	s11 =	smov.u32 s3;
	[sflag:s4] =	ssyncpa.u1 $0x0;
	s5 =	smul.u32 $0x32, s30  }
0xb: {  	[sflag:s31] =	ssyncpa.u1 $0x0;
	p0 =	por $0x0, $0x0;
	s7 =	sshrl.u32 s9, $0x3  }
0xc: {  	s9 =	simm.s32 $0x2000;
	s10 =	smov.u32 s7;
	s8 =	sor.u32 $0x1, s5  }
.LBB1_4:
0xd: {  	s17 =	sand.u32 $0x1F80, s14;
	s13 =	sshll.u32 s13, $0xD  }
0xe: {  	[tilespmem:s16+$0x810 ss:$0x81] =	vst.msk $0xffff, v2;
	s18 =	sshrl.u32 s14, $0x3;
	s31 =	sand.u32 $0x7, s14;
	s17 =	sadd.s32 s2, s17  }
0xf: {  	[tilespmem:s16+$0x1020 ss:$0x81] =	vst.msk $0xffff, v0;
	s18 =	sand.u32 $0xF, s18;
	s14 =	sshll.u32 s31, $0x12;
	s13 =	sadd.s32 s13, s17  }
0x10: {  	[tilespmem:s16+$0x0 ss:$0x81] =	vst.msk $0xffff, v1;
	s14 =	sor.u32 $0x400, s14;
	s13 =	sadd.s32 s18, s13  }
0x11: {  	[hbm4b:s13+s14] =	stream.strided.scatter [tilespmem:s15], [sflag:$0x2], $0x2000, s9, s14, $0x20;
	[tilespmem:$0x8080] =	vst v63  }
.LBB1_5:
0x12: {  	s15 =	sadd.s32 $0x4, s10  }
0x13: {  	s13 =	sadd.s32 $0x400, s11;
	s17 =	smov.u32 s11;
	p2 =	sgt.s32 s15, $0xC7  }
0x14: {  	s17 =	smov.u32 @p2 s13  }
0x15: {  	s15 =	smov.u32 @p2 s7;
	p2 =	sgt.s32 s17, $0x3FF  }
0x16: {  	s17 =	smov.u32 @p2 s3;
	p2 =	sne.s32 s12, s8  }
.Ltmp1:
0x17: {  	p1 =	slt.u32 s12, $0x2;
	(pc) =	sbr.rel @!p2 .LBB1_6-.Ltmp1, $4  }
0x18: {  	s16 =	simm.s32 @!p1 $0x2  }
0x19: {  	s14 =	smov.u32 s11;
	p0 =	por !p0, !p0;
	_ =	swait.ge @!p1 [sflag:s16], $0x2000  }
0x1a: {  	s13 =	smov.u32 s10;
	[sflag:s16] =	ssyncset.done @!p1 $0x0;
	s10 =	smov.u32 s15  }
0x1b: {  	s12 =	sadd.s32 $0x1, s12;
	[sflag:s16] =	ssyncadd.s32 @!p1 $0xFFFFE000;
	s11 =	smov.u32 s17  }
.LBB1_1:
0x1c: {  	p1 =	sge.u32 s12, s5  }
0x1d: {  	s15 =	sand.u32 @!p1 $0x1FFFFFF, s10  }
0x1e: {  	s16 =	smulhi.u32 @!p1 $0x147AE15, s15;
	_ =	sdelay $0x1  }
0x1f: {  	s16 =	smul.u32 @!p1 $0xC8, s16  }
0x20: {  	s17 =	sxor.u32 @!p1 $0xFFFFFFFF, s12;
	s18 =	smul.u32 @!p1 $0xC80, s11  }
0x21: {  	s31 =	sadd.s32 $0xFFFFFFFF, s12;
	s17 =	sshll.u32 @!p1 s17, $0xD;
	s15 =	ssub.s32 @!p1 s15, s16  }
0x22: {  	s16 =	sand.u32 @!p1 $0x2000, s17;
	s17 =	sadd.s32 @!p1 s6, s18;
	s15 =	sshll.u32 @!p1 s15, $0x4  }
0x23: {  	s18 =	simm.s32 @!p1 $0x6400;
	s15 =	sadd.s32 @!p1 s15, s17;
	s17 =	simm.s32 @!p1 $0x40  }
0x24: {  	[tilespmem:s16], [sflag:$0x1] =	stream.strided.gather @!p1 [hbm4b:s15+s17], $0x2000, s18, s17, $0x38;
	[tilespmem:$0x8080] =	vst v63  }
0x25: {  	p1 =	sge.u32 s31, s5  }
.Ltmp2:
0x26: {  	_ = 	snop;
	(pc) =	sbr.rel @p1 .LBB1_5-.Ltmp2, $1  }
0x27: {  	_ =	sdelay $0x3  }
0x28: {  	s15 =	simm.s32 $0x1  }
0x29: {  	_ =	swait.ge [sflag:s4], $0x2000;
	s15 =	simm.s32 @!p0 $0x0  }
0x2a: {  	[sflag:s4] =	ssyncset.done $0x0;
	s16 =	sshll.u32 s15, $0xD  }
0x2b: {  	[sflag:s4] =	ssyncadd.s32 $0xFFFFE000;
	s19 =	sor.u32 $0x20, s16  }
0x2c: {  	s15 =	smul.u32 $0x8100, s15;
	v3 =	vld [tilespmem:s19+$0x10]  }
0x2d: {  	s30 =	sand.u32 $0x1, s12;
	v2 =	vld [tilespmem:s19+$0xFFFFFFF0]  }
0x2e: {  	s16 =	smul.u32 $0x8100, s30;
	s15 =	sshrl.u32 s15, $0x2;
	v0 =	vld [tilespmem:s19+$0x0]  }
0x2f: {  	v1 =	vld [tilespmem:s19+$0xFFFFFFE0];
	s17 =	sor.u32 $0x4000, s15  }
0x30: {  	s31 =	sshrl.u32 s16, $0x2;
	s16 =	sadd.s32 $0x0, s17  }
0x31: {  	s18 =	simm.s32 $0x4;
	s19 =	sadd.s32 $0x40, s19;
	s15 =	sor.u32 $0x4000, s31;
	[tilespmem:s16+$0x1830 ss:$0x81] =	vst.msk $0xffff, v3  }
.LBB1_3:
0x32: {  	v3 =	vld [tilespmem:s19+$0x10];
	p1 =	sne.s32 s18, $0x1FC;
	[tilespmem:s16+$0x810 ss:$0x81] =	vst.msk $0xffff, v2;
	s20 =	smov.u32 s18;
	s18 =	sadd.s32 $0x4, s18  }
.Ltmp3:
0x33: {  	v2 =	vld [tilespmem:s19+$0xFFFFFFF0];
	[tilespmem:s16+$0x1020 ss:$0x81] =	vst.msk $0xffff, v0;
	(pc) =	sbr.rel @p1 .LBB1_3-.Ltmp3, $4  }
0x34: {  	v0 =	vld [tilespmem:s19+$0x0];
	[tilespmem:s16+$0x0 ss:$0x81] =	vst.msk $0xffff, v1  }
0x35: {  	s16 =	sshra.s32 s20, $0x2;
	v1 =	vld [tilespmem:s19+$0xFFFFFFE0]  }
0x36: {  	s16 =	sadd.s32 s16, s17  }
0x37: {  	s19 =	sadd.s32 $0x40, s19;
	[tilespmem:s16+$0x1830 ss:$0x81] =	vst.msk $0xffff, v3  }
.Ltmp4:
0x38: {  	_ = 	snop;
	(pc) =	sbr.rel .LBB1_4-.Ltmp4, $1  }
0x39: {  	_ =	sdelay $0x3  }
.LBB1_6:
0x3a: {  	_ =	sfence.sel $0x180000  }
0x3b: {  	s2 =	simm.s32 $0x1;
	[bflag:$0x0] =	sbarrier.arrive $0xFFFF  }
0x3c: {  	s31 =	simm.s32 $0x2;
	[sflag:s2] =	ssyncpa.u1 $0x1  }
0x3d: {  	[sflag:s31] =	ssyncpa.u1 $0x1  }
0x3e: {  	p0 =	sne.s32 s0, $0x0;
	_ =	strace $0x9000004A  }
0x3f: {  	s0 =	sadd.s32 @!p0 $0x100000, s1;
	[bflag:$0x2] =	sbarrier.arrive $0xFFFF  }
0x40: {  	[sflag:s0] =	ssyncadd.tile.s32 @!p0 $0x1;
	_ =	shalt  }
.Lfunc_end1:
_tile_overlayer_lowered:
.L_overlay_start_2:
0x41: {  	(tag) =	ssettag $0x2  }
0x42: {  	s0 =	rddreg [dreg:$0x0];
	s2 =	stileid.u32  }
0x43: {  	s1 =	rddreg [dreg:$0x1];
	p0 =	sne.s32 s2, $0x0  }
0x44: {  	s3 =	rddreg [dreg:$0x2];
	[bflag:$0x3] =	sbarrier.arrive $0xFFFF;
	s2 =	simm.s32 @!p0 $0x1C01  }
0x45: {  	[timem:s3], [sflag:s2] =	dma.local @!p0 [hbm:s0], s1  }
0x46: {  	s0 =	simm.s32 @!p0 $0x1  }
0x47: {  	_ =	swait.ge @!p0 [sflag:s0], s1  }
0x48: {  	s1 =	ssub.s32 @!p0 $0x0, s1;
	[sflag:s0] =	ssyncset.done @!p0 $0x0  }
0x49: {  	[sflag:s0] =	ssyncadd.s32 @!p0 s1  }
0x4a: {  	[bflag:$0x3] =	sbarrier.arrive $0xFFFF  }
0x4b: {  	_ =	shalt  }

</sc_bundles>
